<compile_context>
chip_gen: v7x
topology: tpu7x:2x2x1
jax: 0.10.2.dev20260603
libtpu: 0.0.44.dev20260713+nightly
codegen_flags: <defaults>
</compile_context>

<pallas_src>
import functools

import jax
import jax.numpy as jnp
from jax import lax
from jax.experimental import pallas as pl
from jax.experimental.pallas import tpu as pltpu, tpu_sc as plsc


_SHAPE = (8, 4, 2, 262144)
_L = _SHAPE[-1]
_NROWS = 8 * 4 * 2
_NC = 2
_NS = 16
_NW = _NC * _NS
_ROWS_PER_W = _NROWS // _NW
_C = 32768
_CPR = _L // _C

_mesh = plsc.VectorSubcoreMesh(core_axis_name="c", subcore_axis_name="s")


@functools.partial(
    pl.kernel,
    mesh=_mesh,
    out_type=jax.ShapeDtypeStruct(_SHAPE, jnp.float32),
    scratch_types=[
        pltpu.VMEM((2, _C), jnp.float32),
        pltpu.SemaphoreType.DMA,
        pltpu.SemaphoreType.DMA,
        pltpu.SemaphoreType.DMA,
        pltpu.SemaphoreType.DMA,
    ],
)
def _sc_copy(in_hbm, out_hbm, buf, r0, r1, w0, w1):
    wid = lax.axis_index("s") * _NC + lax.axis_index("c")
    rsem = (r0, r1)
    wsem = (w0, w1)

    def row_idx(j):
        row = wid * _ROWS_PER_W + j
        return row >> 3, (row >> 1) & 3, row & 1

    def read(i):
        s = i % 2
        b, st, ch = row_idx(i // _CPR)
        off = (i % _CPR) * _C
        return pltpu.make_async_copy(
            in_hbm.at[b, st, ch, pl.ds(off, _C)], buf.at[s], rsem[s])

    def write(i):
        s = i % 2
        b, st, ch = row_idx(i // _CPR)
        off = (i % _CPR) * _C
        return pltpu.make_async_copy(
            buf.at[s], out_hbm.at[b, st, ch, pl.ds(off, _C)], wsem[s])

    n = _ROWS_PER_W * _CPR
    read(0).start()
    for i in range(n):
        read(i).wait()
        write(i).start()
        if i + 1 < n:
            if i >= 1:
                write(i - 1).wait()
            read(i + 1).start()
    write(n - 2).wait()
    write(n - 1).wait()


def kernel(stems):
    return _sc_copy(stems)

# --- scband reference (transcript-rebuilt; emitter-appended) ---
"""Pipeline reference for scband-device-transform-base-15951508537385 (READ-ONLY COPY).

The authoritative reference and input builder live on the scoring server;
editing this copy changes nothing except your own understanding.
"""

import jax, jax.numpy as jnp
import numpy as np


def setup_inputs(seed: int = 0) -> dict:
    key = jax.random.key(seed)
    stems = jax.random.normal(key, (8, 4, 2, 262144), dtype=jnp.float32)
    return {"stems": stems}


def reference(stems):
    # _DeviceTransformBase.forward with p=0.0 (the abstract _transform is never
    # invoked because select_mask = (rand < 0.0) is all False, so the module
    # takes the early-return identity path: view(-1, C, L) then view back).
    shape = stems.shape
    flat = stems.reshape(-1, shape[-2], shape[-1])
    select_mask = jnp.zeros((flat.shape[0],), dtype=bool)  # torch.rand(...) < 0.0
    # not torch.any(select_mask) -> True, so return stems.view(*shape)
    out = flat.reshape(shape)
    return out

if __name__ == "__main__":
    import jax
    _d = setup_inputs()
    print(jax.jit(kernel)(*tuple(_d.values())))

</pallas_src>

<mosaic_0001>
#map = affine_map<(d0, d1) -> (0, 0, 0, 0)>
module attributes {stable_mosaic.version = 14 : i64} {
  func.func @_sc_copy(%arg0: i32, %arg1: i32, %arg2: memref<8x4x2x262144xf32, #tpu.memory_space<hbm>>, %arg3: memref<8x4x2x262144xf32, #tpu.memory_space<hbm>>, %arg4: memref<2x32768xf32, #tpu.memory_space<vmem>>, %arg5: memref<!tpu.dma_semaphore, #tpu.memory_space<semaphore_mem>>, %arg6: memref<!tpu.dma_semaphore, #tpu.memory_space<semaphore_mem>>, %arg7: memref<!tpu.dma_semaphore, #tpu.memory_space<semaphore_mem>>, %arg8: memref<!tpu.dma_semaphore, #tpu.memory_space<semaphore_mem>>) attributes {dimension_semantics = [#tpu.dimension_semantics<core_parallel>, #tpu.dimension_semantics<subcore_parallel>], iteration_bounds = array<i64: 2, 16>, scalar_prefetch = 0 : i64, scratch_operands = 5 : i64, tpu.core_type = #tpu.core_type<sc_vector_subcore>, window_params = [{transform_indices = #map}, {transform_indices = #map}]} {
    %mul3A = arith.constant 2 : i32
    %mul3A_0 = arith.muli %arg1, %mul3A : i32
    %add3A = arith.addi %mul3A_0, %arg0 : i32
    %mul3A_1 = arith.constant 2 : i32
    %mul3A_2 = arith.muli %add3A, %mul3A_1 : i32
    %add3A_3 = arith.constant 0 : i32
    %add3A_4 = arith.addi %mul3A_2, %add3A_3 : i32
    %shift_right_arithmetic3A = arith.constant 3 : i32
    %shift_right_arithmetic3A_5 = arith.shrsi %add3A_4, %shift_right_arithmetic3A : i32
    %shift_right_arithmetic3A_6 = arith.constant 1 : i32
    %shift_right_arithmetic3A_7 = arith.shrsi %add3A_4, %shift_right_arithmetic3A_6 : i32
    %and3A = arith.constant 3 : i32
    %and3A_8 = arith.andi %shift_right_arithmetic3A_7, %and3A : i32
    %and3A_9 = arith.constant 1 : i32
    %and3A_10 = arith.andi %add3A_4, %and3A_9 : i32
    %dma_start3A = arith.constant 0 : i32
    %dma_start3A_11 = arith.constant 0 : i32
    %dma_start3A_12 = tpu.memref_slice %arg4[%dma_start3A, %dma_start3A_11] : memref<2x32768xf32, #tpu.memory_space<vmem>> -> memref<1x32768xf32, #tpu.memory_space<vmem>>
    %dma_start3A_13 = tpu.memref_squeeze %dma_start3A_12 : memref<1x32768xf32, #tpu.memory_space<vmem>> -> memref<32768xf32, #tpu.memory_space<vmem>>
    %dma_start3A_14 = arith.constant 0 : i32
    %dma_start3A_15 = tpu.memref_slice %arg2[%shift_right_arithmetic3A_5, %and3A_8, %and3A_10, %dma_start3A_14] : memref<8x4x2x262144xf32, #tpu.memory_space<hbm>> -> memref<1x1x1x32768xf32, #tpu.memory_space<hbm>>
    %dma_start3A_16 = tpu.memref_squeeze %dma_start3A_15 : memref<1x1x1x32768xf32, #tpu.memory_space<hbm>> -> memref<32768xf32, #tpu.memory_space<hbm>>
    %dma_start3A_17 = arith.constant 0 : i32
    %dma_start3A_18 = tpu.memref_slice %arg4[%dma_start3A, %dma_start3A_17] : memref<2x32768xf32, #tpu.memory_space<vmem>> -> memref<1x32768xf32, #tpu.memory_space<vmem>>
    %dma_start3A_19 = tpu.memref_squeeze %dma_start3A_18 : memref<1x32768xf32, #tpu.memory_space<vmem>> -> memref<32768xf32, #tpu.memory_space<vmem>>
    %dma_start3A_20 = arith.constant 0 : i32
    %dma_start3A_21 = tpu.memref_slice %arg2[%shift_right_arithmetic3A_5, %and3A_8, %and3A_10, %dma_start3A_20] : memref<8x4x2x262144xf32, #tpu.memory_space<hbm>> -> memref<1x1x1x32768xf32, #tpu.memory_space<hbm>>
    %dma_start3A_22 = tpu.memref_squeeze %dma_start3A_21 : memref<1x1x1x32768xf32, #tpu.memory_space<hbm>> -> memref<32768xf32, #tpu.memory_space<hbm>>
    tpu.enqueue_dma source(%dma_start3A_22 : memref<32768xf32, #tpu.memory_space<hbm>>) target(%dma_start3A_19 : memref<32768xf32, #tpu.memory_space<vmem>>) target_semaphore(%arg5 : memref<!tpu.dma_semaphore, #tpu.memory_space<semaphore_mem>>)
    %mul3A_23 = arith.constant 2 : i32
    %mul3A_24 = arith.muli %add3A, %mul3A_23 : i32
    %add3A_25 = arith.constant 0 : i32
    %add3A_26 = arith.addi %mul3A_24, %add3A_25 : i32
    %shift_right_arithmetic3A_27 = arith.constant 3 : i32
    %shift_right_arithmetic3A_28 = arith.shrsi %add3A_26, %shift_right_arithmetic3A_27 : i32
    %shift_right_arithmetic3A_29 = arith.constant 1 : i32
    %shift_right_arithmetic3A_30 = arith.shrsi %add3A_26, %shift_right_arithmetic3A_29 : i32
    %and3A_31 = arith.constant 3 : i32
    %and3A_32 = arith.andi %shift_right_arithmetic3A_30, %and3A_31 : i32
    %and3A_33 = arith.constant 1 : i32
    %and3A_34 = arith.andi %add3A_26, %and3A_33 : i32
    %dma_wait3A = arith.constant 0 : i32
    %dma_wait3A_35 = arith.constant 0 : i32
    %dma_wait3A_36 = tpu.memref_slice %arg4[%dma_wait3A, %dma_wait3A_35] : memref<2x32768xf32, #tpu.memory_space<vmem>> -> memref<1x32768xf32, #tpu.memory_space<vmem>>
    %dma_wait3A_37 = tpu.memref_squeeze %dma_wait3A_36 : memref<1x32768xf32, #tpu.memory_space<vmem>> -> memref<32768xf32, #tpu.memory_space<vmem>>
    %dma_wait3A_38 = arith.constant 0 : i32
    %dma_wait3A_39 = tpu.memref_slice %arg2[%shift_right_arithmetic3A_28, %and3A_32, %and3A_34, %dma_wait3A_38] : memref<8x4x2x262144xf32, #tpu.memory_space<hbm>> -> memref<1x1x1x32768xf32, #tpu.memory_space<hbm>>
    %dma_wait3A_40 = tpu.memref_squeeze %dma_wait3A_39 : memref<1x1x1x32768xf32, #tpu.memory_space<hbm>> -> memref<32768xf32, #tpu.memory_space<hbm>>
    %dma_wait3A_41 = arith.constant 0 : i32
    %dma_wait3A_42 = tpu.memref_slice %arg4[%dma_wait3A, %dma_wait3A_41] : memref<2x32768xf32, #tpu.memory_space<vmem>> -> memref<1x32768xf32, #tpu.memory_space<vmem>>
    %dma_wait3A_43 = tpu.memref_squeeze %dma_wait3A_42 : memref<1x32768xf32, #tpu.memory_space<vmem>> -> memref<32768xf32, #tpu.memory_space<vmem>>
    %dma_wait3A_44 = arith.constant 0 : i32
    %dma_wait3A_45 = tpu.memref_slice %arg2[%shift_right_arithmetic3A_28, %and3A_32, %and3A_34, %dma_wait3A_44] : memref<8x4x2x262144xf32, #tpu.memory_space<hbm>> -> memref<1x1x1x32768xf32, #tpu.memory_space<hbm>>
    %dma_wait3A_46 = tpu.memref_squeeze %dma_wait3A_45 : memref<1x1x1x32768xf32, #tpu.memory_space<hbm>> -> memref<32768xf32, #tpu.memory_space<hbm>>
    tpu.wait_dma2 semaphore(%arg5 : memref<!tpu.dma_semaphore, #tpu.memory_space<semaphore_mem>>) src(%dma_wait3A_46 : memref<32768xf32, #tpu.memory_space<hbm>>) dst(%dma_wait3A_43 : memref<32768xf32, #tpu.memory_space<vmem>>)
    %mul3A_47 = arith.constant 2 : i32
    %mul3A_48 = arith.muli %add3A, %mul3A_47 : i32
    %add3A_49 = arith.constant 0 : i32
    %add3A_50 = arith.addi %mul3A_48, %add3A_49 : i32
    %shift_right_arithmetic3A_51 = arith.constant 3 : i32
    %shift_right_arithmetic3A_52 = arith.shrsi %add3A_50, %shift_right_arithmetic3A_51 : i32
    %shift_right_arithmetic3A_53 = arith.constant 1 : i32
    %shift_right_arithmetic3A_54 = arith.shrsi %add3A_50, %shift_right_arithmetic3A_53 : i32
    %and3A_55 = arith.constant 3 : i32
    %and3A_56 = arith.andi %shift_right_arithmetic3A_54, %and3A_55 : i32
    %and3A_57 = arith.constant 1 : i32
    %and3A_58 = arith.andi %add3A_50, %and3A_57 : i32
    %dma_start3A_59 = arith.constant 0 : i32
    %dma_start3A_60 = arith.constant 0 : i32
    %dma_start3A_61 = tpu.memref_slice %arg4[%dma_start3A_59, %dma_start3A_60] : memref<2x32768xf32, #tpu.memory_space<vmem>> -> memref<1x32768xf32, #tpu.memory_space<vmem>>
    %dma_start3A_62 = tpu.memref_squeeze %dma_start3A_61 : memref<1x32768xf32, #tpu.memory_space<vmem>> -> memref<32768xf32, #tpu.memory_space<vmem>>
    %dma_start3A_63 = arith.constant 0 : i32
    %dma_start3A_64 = tpu.memref_slice %arg3[%shift_right_arithmetic3A_52, %and3A_56, %and3A_58, %dma_start3A_63] : memref<8x4x2x262144xf32, #tpu.memory_space<hbm>> -> memref<1x1x1x32768xf32, #tpu.memory_space<hbm>>
    %dma_start3A_65 = tpu.memref_squeeze %dma_start3A_64 : memref<1x1x1x32768xf32, #tpu.memory_space<hbm>> -> memref<32768xf32, #tpu.memory_space<hbm>>
    %dma_start3A_66 = arith.constant 0 : i32
    %dma_start3A_67 = tpu.memref_slice %arg3[%shift_right_arithmetic3A_52, %and3A_56, %and3A_58, %dma_start3A_66] : memref<8x4x2x262144xf32, #tpu.memory_space<hbm>> -> memref<1x1x1x32768xf32, #tpu.memory_space<hbm>>
    %dma_start3A_68 = tpu.memref_squeeze %dma_start3A_67 : memref<1x1x1x32768xf32, #tpu.memory_space<hbm>> -> memref<32768xf32, #tpu.memory_space<hbm>>
    %dma_start3A_69 = arith.constant 0 : i32
    %dma_start3A_70 = tpu.memref_slice %arg4[%dma_start3A_59, %dma_start3A_69] : memref<2x32768xf32, #tpu.memory_space<vmem>> -> memref<1x32768xf32, #tpu.memory_space<vmem>>
    %dma_start3A_71 = tpu.memref_squeeze %dma_start3A_70 : memref<1x32768xf32, #tpu.memory_space<vmem>> -> memref<32768xf32, #tpu.memory_space<vmem>>
    tpu.enqueue_dma source(%dma_start3A_71 : memref<32768xf32, #tpu.memory_space<vmem>>) target(%dma_start3A_68 : memref<32768xf32, #tpu.memory_space<hbm>>) target_semaphore(%arg7 : memref<!tpu.dma_semaphore, #tpu.memory_space<semaphore_mem>>)
    %mul3A_72 = arith.constant 2 : i32
    %mul3A_73 = arith.muli %add3A, %mul3A_72 : i32
    %add3A_74 = arith.constant 0 : i32
    %add3A_75 = arith.addi %mul3A_73, %add3A_74 : i32
    %shift_right_arithmetic3A_76 = arith.constant 3 : i32
    %shift_right_arithmetic3A_77 = arith.shrsi %add3A_75, %shift_right_arithmetic3A_76 : i32
    %shift_right_arithmetic3A_78 = arith.constant 1 : i32
    %shift_right_arithmetic3A_79 = arith.shrsi %add3A_75, %shift_right_arithmetic3A_78 : i32
    %and3A_80 = arith.constant 3 : i32
    %and3A_81 = arith.andi %shift_right_arithmetic3A_79, %and3A_80 : i32
    %and3A_82 = arith.constant 1 : i32
    %and3A_83 = arith.andi %add3A_75, %and3A_82 : i32
    %dma_start3A_84 = arith.constant 1 : i32
    %dma_start3A_85 = arith.constant 0 : i32
    %dma_start3A_86 = tpu.memref_slice %arg4[%dma_start3A_84, %dma_start3A_85] : memref<2x32768xf32, #tpu.memory_space<vmem>> -> memref<1x32768xf32, #tpu.memory_space<vmem>>
    %dma_start3A_87 = tpu.memref_squeeze %dma_start3A_86 : memref<1x32768xf32, #tpu.memory_space<vmem>> -> memref<32768xf32, #tpu.memory_space<vmem>>
    %dma_start3A_88 = arith.constant 32768 : i32
    %dma_start3A_89 = tpu.memref_slice %arg2[%shift_right_arithmetic3A_77, %and3A_81, %and3A_83, %dma_start3A_88] : memref<8x4x2x262144xf32, #tpu.memory_space<hbm>> -> memref<1x1x1x32768xf32, #tpu.memory_space<hbm>>
    %dma_start3A_90 = tpu.memref_squeeze %dma_start3A_89 : memref<1x1x1x32768xf32, #tpu.memory_space<hbm>> -> memref<32768xf32, #tpu.memory_space<hbm>>
    %dma_start3A_91 = arith.constant 0 : i32
    %dma_start3A_92 = tpu.memref_slice %arg4[%dma_start3A_84, %dma_start3A_91] : memref<2x32768xf32, #tpu.memory_space<vmem>> -> memref<1x32768xf32, #tpu.memory_space<vmem>>
    %dma_start3A_93 = tpu.memref_squeeze %dma_start3A_92 : memref<1x32768xf32, #tpu.memory_space<vmem>> -> memref<32768xf32, #tpu.memory_space<vmem>>
    %dma_start3A_94 = arith.constant 32768 : i32
    %dma_start3A_95 = tpu.memref_slice %arg2[%shift_right_arithmetic3A_77, %and3A_81, %and3A_83, %dma_start3A_94] : memref<8x4x2x262144xf32, #tpu.memory_space<hbm>> -> memref<1x1x1x32768xf32, #tpu.memory_space<hbm>>
    %dma_start3A_96 = tpu.memref_squeeze %dma_start3A_95 : memref<1x1x1x32768xf32, #tpu.memory_space<hbm>> -> memref<32768xf32, #tpu.memory_space<hbm>>
    tpu.enqueue_dma source(%dma_start3A_96 : memref<32768xf32, #tpu.memory_space<hbm>>) target(%dma_start3A_93 : memref<32768xf32, #tpu.memory_space<vmem>>) target_semaphore(%arg6 : memref<!tpu.dma_semaphore, #tpu.memory_space<semaphore_mem>>)
    %mul3A_97 = arith.constant 2 : i32
    %mul3A_98 = arith.muli %add3A, %mul3A_97 : i32
    %add3A_99 = arith.constant 0 : i32
    %add3A_100 = arith.addi %mul3A_98, %add3A_99 : i32
    %shift_right_arithmetic3A_101 = arith.constant 3 : i32
    %shift_right_arithmetic3A_102 = arith.shrsi %add3A_100, %shift_right_arithmetic3A_101 : i32
    %shift_right_arithmetic3A_103 = arith.constant 1 : i32
    %shift_right_arithmetic3A_104 = arith.shrsi %add3A_100, %shift_right_arithmetic3A_103 : i32
    %and3A_105 = arith.constant 3 : i32
    %and3A_106 = arith.andi %shift_right_arithmetic3A_104, %and3A_105 : i32
    %and3A_107 = arith.constant 1 : i32
    %and3A_108 = arith.andi %add3A_100, %and3A_107 : i32
    %dma_wait3A_109 = arith.constant 1 : i32
    %dma_wait3A_110 = arith.constant 0 : i32
    %dma_wait3A_111 = tpu.memref_slice %arg4[%dma_wait3A_109, %dma_wait3A_110] : memref<2x32768xf32, #tpu.memory_space<vmem>> -> memref<1x32768xf32, #tpu.memory_space<vmem>>
    %dma_wait3A_112 = tpu.memref_squeeze %dma_wait3A_111 : memref<1x32768xf32, #tpu.memory_space<vmem>> -> memref<32768xf32, #tpu.memory_space<vmem>>
    %dma_wait3A_113 = arith.constant 32768 : i32
    %dma_wait3A_114 = tpu.memref_slice %arg2[%shift_right_arithmetic3A_102, %and3A_106, %and3A_108, %dma_wait3A_113] : memref<8x4x2x262144xf32, #tpu.memory_space<hbm>> -> memref<1x1x1x32768xf32, #tpu.memory_space<hbm>>
    %dma_wait3A_115 = tpu.memref_squeeze %dma_wait3A_114 : memref<1x1x1x32768xf32, #tpu.memory_space<hbm>> -> memref<32768xf32, #tpu.memory_space<hbm>>
    %dma_wait3A_116 = arith.constant 0 : i32
    %dma_wait3A_117 = tpu.memref_slice %arg4[%dma_wait3A_109, %dma_wait3A_116] : memref<2x32768xf32, #tpu.memory_space<vmem>> -> memref<1x32768xf32, #tpu.memory_space<vmem>>
    %dma_wait3A_118 = tpu.memref_squeeze %dma_wait3A_117 : memref<1x32768xf32, #tpu.memory_space<vmem>> -> memref<32768xf32, #tpu.memory_space<vmem>>
    %dma_wait3A_119 = arith.constant 32768 : i32
    %dma_wait3A_120 = tpu.memref_slice %arg2[%shift_right_arithmetic3A_102, %and3A_106, %and3A_108, %dma_wait3A_119] : memref<8x4x2x262144xf32, #tpu.memory_space<hbm>> -> memref<1x1x1x32768xf32, #tpu.memory_space<hbm>>
    %dma_wait3A_121 = tpu.memref_squeeze %dma_wait3A_120 : memref<1x1x1x32768xf32, #tpu.memory_space<hbm>> -> memref<32768xf32, #tpu.memory_space<hbm>>
    tpu.wait_dma2 semaphore(%arg6 : memref<!tpu.dma_semaphore, #tpu.memory_space<semaphore_mem>>) src(%dma_wait3A_121 : memref<32768xf32, #tpu.memory_space<hbm>>) dst(%dma_wait3A_118 : memref<32768xf32, #tpu.memory_space<vmem>>)
    %mul3A_122 = arith.constant 2 : i32
    %mul3A_123 = arith.muli %add3A, %mul3A_122 : i32
    %add3A_124 = arith.constant 0 : i32
    %add3A_125 = arith.addi %mul3A_123, %add3A_124 : i32
    %shift_right_arithmetic3A_126 = arith.constant 3 : i32
    %shift_right_arithmetic3A_127 = arith.shrsi %add3A_125, %shift_right_arithmetic3A_126 : i32
    %shift_right_arithmetic3A_128 = arith.constant 1 : i32
    %shift_right_arithmetic3A_129 = arith.shrsi %add3A_125, %shift_right_arithmetic3A_128 : i32
    %and3A_130 = arith.constant 3 : i32
    %and3A_131 = arith.andi %shift_right_arithmetic3A_129, %and3A_130 : i32
    %and3A_132 = arith.constant 1 : i32
    %and3A_133 = arith.andi %add3A_125, %and3A_132 : i32
    %dma_start3A_134 = arith.constant 1 : i32
    %dma_start3A_135 = arith.constant 0 : i32
    %dma_start3A_136 = tpu.memref_slice %arg4[%dma_start3A_134, %dma_start3A_135] : memref<2x32768xf32, #tpu.memory_space<vmem>> -> memref<1x32768xf32, #tpu.memory_space<vmem>>
    %dma_start3A_137 = tpu.memref_squeeze %dma_start3A_136 : memref<1x32768xf32, #tpu.memory_space<vmem>> -> memref<32768xf32, #tpu.memory_space<vmem>>
    %dma_start3A_138 = arith.constant 32768 : i32
    %dma_start3A_139 = tpu.memref_slice %arg3[%shift_right_arithmetic3A_127, %and3A_131, %and3A_133, %dma_start3A_138] : memref<8x4x2x262144xf32, #tpu.memory_space<hbm>> -> memref<1x1x1x32768xf32, #tpu.memory_space<hbm>>
    %dma_start3A_140 = tpu.memref_squeeze %dma_start3A_139 : memref<1x1x1x32768xf32, #tpu.memory_space<hbm>> -> memref<32768xf32, #tpu.memory_space<hbm>>
    %dma_start3A_141 = arith.constant 32768 : i32
    %dma_start3A_142 = tpu.memref_slice %arg3[%shift_right_arithmetic3A_127, %and3A_131, %and3A_133, %dma_start3A_141] : memref<8x4x2x262144xf32, #tpu.memory_space<hbm>> -> memref<1x1x1x32768xf32, #tpu.memory_space<hbm>>
    %dma_start3A_143 = tpu.memref_squeeze %dma_start3A_142 : memref<1x1x1x32768xf32, #tpu.memory_space<hbm>> -> memref<32768xf32, #tpu.memory_space<hbm>>
    %dma_start3A_144 = arith.constant 0 : i32
    %dma_start3A_145 = tpu.memref_slice %arg4[%dma_start3A_134, %dma_start3A_144] : memref<2x32768xf32, #tpu.memory_space<vmem>> -> memref<1x32768xf32, #tpu.memory_space<vmem>>
    %dma_start3A_146 = tpu.memref_squeeze %dma_start3A_145 : memref<1x32768xf32, #tpu.memory_space<vmem>> -> memref<32768xf32, #tpu.memory_space<vmem>>
    tpu.enqueue_dma source(%dma_start3A_146 : memref<32768xf32, #tpu.memory_space<vmem>>) target(%dma_start3A_143 : memref<32768xf32, #tpu.memory_space<hbm>>) target_semaphore(%arg8 : memref<!tpu.dma_semaphore, #tpu.memory_space<semaphore_mem>>)
    %mul3A_147 = arith.constant 2 : i32
    %mul3A_148 = arith.muli %add3A, %mul3A_147 : i32
    %add3A_149 = arith.constant 0 : i32
    %add3A_150 = arith.addi %mul3A_148, %add3A_149 : i32
    %shift_right_arithmetic3A_151 = arith.constant 3 : i32
    %shift_right_arithmetic3A_152 = arith.shrsi %add3A_150, %shift_right_arithmetic3A_151 : i32
    %shift_right_arithmetic3A_153 = arith.constant 1 : i32
    %shift_right_arithmetic3A_154 = arith.shrsi %add3A_150, %shift_right_arithmetic3A_153 : i32
    %and3A_155 = arith.constant 3 : i32
    %and3A_156 = arith.andi %shift_right_arithmetic3A_154, %and3A_155 : i32
    %and3A_157 = arith.constant 1 : i32
    %and3A_158 = arith.andi %add3A_150, %and3A_157 : i32
    %dma_wait3A_159 = arith.constant 0 : i32
    %dma_wait3A_160 = arith.constant 0 : i32
    %dma_wait3A_161 = tpu.memref_slice %arg4[%dma_wait3A_159, %dma_wait3A_160] : memref<2x32768xf32, #tpu.memory_space<vmem>> -> memref<1x32768xf32, #tpu.memory_space<vmem>>
    %dma_wait3A_162 = tpu.memref_squeeze %dma_wait3A_161 : memref<1x32768xf32, #tpu.memory_space<vmem>> -> memref<32768xf32, #tpu.memory_space<vmem>>
    %dma_wait3A_163 = arith.constant 0 : i32
    %dma_wait3A_164 = tpu.memref_slice %arg3[%shift_right_arithmetic3A_152, %and3A_156, %and3A_158, %dma_wait3A_163] : memref<8x4x2x262144xf32, #tpu.memory_space<hbm>> -> memref<1x1x1x32768xf32, #tpu.memory_space<hbm>>
    %dma_wait3A_165 = tpu.memref_squeeze %dma_wait3A_164 : memref<1x1x1x32768xf32, #tpu.memory_space<hbm>> -> memref<32768xf32, #tpu.memory_space<hbm>>
    %dma_wait3A_166 = arith.constant 0 : i32
    %dma_wait3A_167 = tpu.memref_slice %arg3[%shift_right_arithmetic3A_152, %and3A_156, %and3A_158, %dma_wait3A_166] : memref<8x4x2x262144xf32, #tpu.memory_space<hbm>> -> memref<1x1x1x32768xf32, #tpu.memory_space<hbm>>
    %dma_wait3A_168 = tpu.memref_squeeze %dma_wait3A_167 : memref<1x1x1x32768xf32, #tpu.memory_space<hbm>> -> memref<32768xf32, #tpu.memory_space<hbm>>
    %dma_wait3A_169 = arith.constant 0 : i32
    %dma_wait3A_170 = tpu.memref_slice %arg4[%dma_wait3A_159, %dma_wait3A_169] : memref<2x32768xf32, #tpu.memory_space<vmem>> -> memref<1x32768xf32, #tpu.memory_space<vmem>>
    %dma_wait3A_171 = tpu.memref_squeeze %dma_wait3A_170 : memref<1x32768xf32, #tpu.memory_space<vmem>> -> memref<32768xf32, #tpu.memory_space<vmem>>
    tpu.wait_dma2 semaphore(%arg7 : memref<!tpu.dma_semaphore, #tpu.memory_space<semaphore_mem>>) src(%dma_wait3A_171 : memref<32768xf32, #tpu.memory_space<vmem>>) dst(%dma_wait3A_168 : memref<32768xf32, #tpu.memory_space<hbm>>)
    %mul3A_172 = arith.constant 2 : i32
    %mul3A_173 = arith.muli %add3A, %mul3A_172 : i32
    %add3A_174 = arith.constant 0 : i32
    %add3A_175 = arith.addi %mul3A_173, %add3A_174 : i32
    %shift_right_arithmetic3A_176 = arith.constant 3 : i32
    %shift_right_arithmetic3A_177 = arith.shrsi %add3A_175, %shift_right_arithmetic3A_176 : i32
    %shift_right_arithmetic3A_178 = arith.constant 1 : i32
    %shift_right_arithmetic3A_179 = arith.shrsi %add3A_175, %shift_right_arithmetic3A_178 : i32
    %and3A_180 = arith.constant 3 : i32
    %and3A_181 = arith.andi %shift_right_arithmetic3A_179, %and3A_180 : i32
    %and3A_182 = arith.constant 1 : i32
    %and3A_183 = arith.andi %add3A_175, %and3A_182 : i32
    %dma_start3A_184 = arith.constant 0 : i32
    %dma_start3A_185 = arith.constant 0 : i32
    %dma_start3A_186 = tpu.memref_slice %arg4[%dma_start3A_184, %dma_start3A_185] : memref<2x32768xf32, #tpu.memory_space<vmem>> -> memref<1x32768xf32, #tpu.memory_space<vmem>>
    %dma_start3A_187 = tpu.memref_squeeze %dma_start3A_186 : memref<1x32768xf32, #tpu.memory_space<vmem>> -> memref<32768xf32, #tpu.memory_space<vmem>>
    %dma_start3A_188 = arith.constant 65536 : i32
    %dma_start3A_189 = tpu.memref_slice %arg2[%shift_right_arithmetic3A_177, %and3A_181, %and3A_183, %dma_start3A_188] : memref<8x4x2x262144xf32, #tpu.memory_space<hbm>> -> memref<1x1x1x32768xf32, #tpu.memory_space<hbm>>
    %dma_start3A_190 = tpu.memref_squeeze %dma_start3A_189 : memref<1x1x1x32768xf32, #tpu.memory_space<hbm>> -> memref<32768xf32, #tpu.memory_space<hbm>>
    %dma_start3A_191 = arith.constant 0 : i32
    %dma_start3A_192 = tpu.memref_slice %arg4[%dma_start3A_184, %dma_start3A_191] : memref<2x32768xf32, #tpu.memory_space<vmem>> -> memref<1x32768xf32, #tpu.memory_space<vmem>>
    %dma_start3A_193 = tpu.memref_squeeze %dma_start3A_192 : memref<1x32768xf32, #tpu.memory_space<vmem>> -> memref<32768xf32, #tpu.memory_space<vmem>>
    %dma_start3A_194 = arith.constant 65536 : i32
    %dma_start3A_195 = tpu.memref_slice %arg2[%shift_right_arithmetic3A_177, %and3A_181, %and3A_183, %dma_start3A_194] : memref<8x4x2x262144xf32, #tpu.memory_space<hbm>> -> memref<1x1x1x32768xf32, #tpu.memory_space<hbm>>
    %dma_start3A_196 = tpu.memref_squeeze %dma_start3A_195 : memref<1x1x1x32768xf32, #tpu.memory_space<hbm>> -> memref<32768xf32, #tpu.memory_space<hbm>>
    tpu.enqueue_dma source(%dma_start3A_196 : memref<32768xf32, #tpu.memory_space<hbm>>) target(%dma_start3A_193 : memref<32768xf32, #tpu.memory_space<vmem>>) target_semaphore(%arg5 : memref<!tpu.dma_semaphore, #tpu.memory_space<semaphore_mem>>)
    %mul3A_197 = arith.constant 2 : i32
    %mul3A_198 = arith.muli %add3A, %mul3A_197 : i32
    %add3A_199 = arith.constant 0 : i32
    %add3A_200 = arith.addi %mul3A_198, %add3A_199 : i32
    %shift_right_arithmetic3A_201 = arith.constant 3 : i32
    %shift_right_arithmetic3A_202 = arith.shrsi %add3A_200, %shift_right_arithmetic3A_201 : i32
    %shift_right_arithmetic3A_203 = arith.constant 1 : i32
    %shift_right_arithmetic3A_204 = arith.shrsi %add3A_200, %shift_right_arithmetic3A_203 : i32
    %and3A_205 = arith.constant 3 : i32
    %and3A_206 = arith.andi %shift_right_arithmetic3A_204, %and3A_205 : i32
    %and3A_207 = arith.constant 1 : i32
    %and3A_208 = arith.andi %add3A_200, %and3A_207 : i32
    %dma_wait3A_209 = arith.constant 0 : i32
    %dma_wait3A_210 = arith.constant 0 : i32
    %dma_wait3A_211 = tpu.memref_slice %arg4[%dma_wait3A_209, %dma_wait3A_210] : memref<2x32768xf32, #tpu.memory_space<vmem>> -> memref<1x32768xf32, #tpu.memory_space<vmem>>
    %dma_wait3A_212 = tpu.memref_squeeze %dma_wait3A_211 : memref<1x32768xf32, #tpu.memory_space<vmem>> -> memref<32768xf32, #tpu.memory_space<vmem>>
    %dma_wait3A_213 = arith.constant 65536 : i32
    %dma_wait3A_214 = tpu.memref_slice %arg2[%shift_right_arithmetic3A_202, %and3A_206, %and3A_208, %dma_wait3A_213] : memref<8x4x2x262144xf32, #tpu.memory_space<hbm>> -> memref<1x1x1x32768xf32, #tpu.memory_space<hbm>>
    %dma_wait3A_215 = tpu.memref_squeeze %dma_wait3A_214 : memref<1x1x1x32768xf32, #tpu.memory_space<hbm>> -> memref<32768xf32, #tpu.memory_space<hbm>>
    %dma_wait3A_216 = arith.constant 0 : i32
    %dma_wait3A_217 = tpu.memref_slice %arg4[%dma_wait3A_209, %dma_wait3A_216] : memref<2x32768xf32, #tpu.memory_space<vmem>> -> memref<1x32768xf32, #tpu.memory_space<vmem>>
    %dma_wait3A_218 = tpu.memref_squeeze %dma_wait3A_217 : memref<1x32768xf32, #tpu.memory_space<vmem>> -> memref<32768xf32, #tpu.memory_space<vmem>>
    %dma_wait3A_219 = arith.constant 65536 : i32
    %dma_wait3A_220 = tpu.memref_slice %arg2[%shift_right_arithmetic3A_202, %and3A_206, %and3A_208, %dma_wait3A_219] : memref<8x4x2x262144xf32, #tpu.memory_space<hbm>> -> memref<1x1x1x32768xf32, #tpu.memory_space<hbm>>
    %dma_wait3A_221 = tpu.memref_squeeze %dma_wait3A_220 : memref<1x1x1x32768xf32, #tpu.memory_space<hbm>> -> memref<32768xf32, #tpu.memory_space<hbm>>
    tpu.wait_dma2 semaphore(%arg5 : memref<!tpu.dma_semaphore, #tpu.memory_space<semaphore_mem>>) src(%dma_wait3A_221 : memref<32768xf32, #tpu.memory_space<hbm>>) dst(%dma_wait3A_218 : memref<32768xf32, #tpu.memory_space<vmem>>)
    %mul3A_222 = arith.constant 2 : i32
    %mul3A_223 = arith.muli %add3A, %mul3A_222 : i32
    %add3A_224 = arith.constant 0 : i32
    %add3A_225 = arith.addi %mul3A_223, %add3A_224 : i32
    %shift_right_arithmetic3A_226 = arith.constant 3 : i32
    %shift_right_arithmetic3A_227 = arith.shrsi %add3A_225, %shift_right_arithmetic3A_226 : i32
    %shift_right_arithmetic3A_228 = arith.constant 1 : i32
    %shift_right_arithmetic3A_229 = arith.shrsi %add3A_225, %shift_right_arithmetic3A_228 : i32
    %and3A_230 = arith.constant 3 : i32
    %and3A_231 = arith.andi %shift_right_arithmetic3A_229, %and3A_230 : i32
    %and3A_232 = arith.constant 1 : i32
    %and3A_233 = arith.andi %add3A_225, %and3A_232 : i32
    %dma_start3A_234 = arith.constant 0 : i32
    %dma_start3A_235 = arith.constant 0 : i32
    %dma_start3A_236 = tpu.memref_slice %arg4[%dma_start3A_234, %dma_start3A_235] : memref<2x32768xf32, #tpu.memory_space<vmem>> -> memref<1x32768xf32, #tpu.memory_space<vmem>>
    %dma_start3A_237 = tpu.memref_squeeze %dma_start3A_236 : memref<1x32768xf32, #tpu.memory_space<vmem>> -> memref<32768xf32, #tpu.memory_space<vmem>>
    %dma_start3A_238 = arith.constant 65536 : i32
    %dma_start3A_239 = tpu.memref_slice %arg3[%shift_right_arithmetic3A_227, %and3A_231, %and3A_233, %dma_start3A_238] : memref<8x4x2x262144xf32, #tpu.memory_space<hbm>> -> memref<1x1x1x32768xf32, #tpu.memory_space<hbm>>
    %dma_start3A_240 = tpu.memref_squeeze %dma_start3A_239 : memref<1x1x1x32768xf32, #tpu.memory_space<hbm>> -> memref<32768xf32, #tpu.memory_space<hbm>>
    %dma_start3A_241 = arith.constant 65536 : i32
    %dma_start3A_242 = tpu.memref_slice %arg3[%shift_right_arithmetic3A_227, %and3A_231, %and3A_233, %dma_start3A_241] : memref<8x4x2x262144xf32, #tpu.memory_space<hbm>> -> memref<1x1x1x32768xf32, #tpu.memory_space<hbm>>
    %dma_start3A_243 = tpu.memref_squeeze %dma_start3A_242 : memref<1x1x1x32768xf32, #tpu.memory_space<hbm>> -> memref<32768xf32, #tpu.memory_space<hbm>>
    %dma_start3A_244 = arith.constant 0 : i32
    %dma_start3A_245 = tpu.memref_slice %arg4[%dma_start3A_234, %dma_start3A_244] : memref<2x32768xf32, #tpu.memory_space<vmem>> -> memref<1x32768xf32, #tpu.memory_space<vmem>>
    %dma_start3A_246 = tpu.memref_squeeze %dma_start3A_245 : memref<1x32768xf32, #tpu.memory_space<vmem>> -> memref<32768xf32, #tpu.memory_space<vmem>>
    tpu.enqueue_dma source(%dma_start3A_246 : memref<32768xf32, #tpu.memory_space<vmem>>) target(%dma_start3A_243 : memref<32768xf32, #tpu.memory_space<hbm>>) target_semaphore(%arg7 : memref<!tpu.dma_semaphore, #tpu.memory_space<semaphore_mem>>)
    %mul3A_247 = arith.constant 2 : i32
    %mul3A_248 = arith.muli %add3A, %mul3A_247 : i32
    %add3A_249 = arith.constant 0 : i32
    %add3A_250 = arith.addi %mul3A_248, %add3A_249 : i32
    %shift_right_arithmetic3A_251 = arith.constant 3 : i32
    %shift_right_arithmetic3A_252 = arith.shrsi %add3A_250, %shift_right_arithmetic3A_251 : i32
    %shift_right_arithmetic3A_253 = arith.constant 1 : i32
    %shift_right_arithmetic3A_254 = arith.shrsi %add3A_250, %shift_right_arithmetic3A_253 : i32
    %and3A_255 = arith.constant 3 : i32
    %and3A_256 = arith.andi %shift_right_arithmetic3A_254, %and3A_255 : i32
    %and3A_257 = arith.constant 1 : i32
    %and3A_258 = arith.andi %add3A_250, %and3A_257 : i32
    %dma_wait3A_259 = arith.constant 1 : i32
    %dma_wait3A_260 = arith.constant 0 : i32
    %dma_wait3A_261 = tpu.memref_slice %arg4[%dma_wait3A_259, %dma_wait3A_260] : memref<2x32768xf32, #tpu.memory_space<vmem>> -> memref<1x32768xf32, #tpu.memory_space<vmem>>
    %dma_wait3A_262 = tpu.memref_squeeze %dma_wait3A_261 : memref<1x32768xf32, #tpu.memory_space<vmem>> -> memref<32768xf32, #tpu.memory_space<vmem>>
    %dma_wait3A_263 = arith.constant 32768 : i32
    %dma_wait3A_264 = tpu.memref_slice %arg3[%shift_right_arithmetic3A_252, %and3A_256, %and3A_258, %dma_wait3A_263] : memref<8x4x2x262144xf32, #tpu.memory_space<hbm>> -> memref<1x1x1x32768xf32, #tpu.memory_space<hbm>>
    %dma_wait3A_265 = tpu.memref_squeeze %dma_wait3A_264 : memref<1x1x1x32768xf32, #tpu.memory_space<hbm>> -> memref<32768xf32, #tpu.memory_space<hbm>>
    %dma_wait3A_266 = arith.constant 32768 : i32
    %dma_wait3A_267 = tpu.memref_slice %arg3[%shift_right_arithmetic3A_252, %and3A_256, %and3A_258, %dma_wait3A_266] : memref<8x4x2x262144xf32, #tpu.memory_space<hbm>> -> memref<1x1x1x32768xf32, #tpu.memory_space<hbm>>
    %dma_wait3A_268 = tpu.memref_squeeze %dma_wait3A_267 : memref<1x1x1x32768xf32, #tpu.memory_space<hbm>> -> memref<32768xf32, #tpu.memory_space<hbm>>
    %dma_wait3A_269 = arith.constant 0 : i32
    %dma_wait3A_270 = tpu.memref_slice %arg4[%dma_wait3A_259, %dma_wait3A_269] : memref<2x32768xf32, #tpu.memory_space<vmem>> -> memref<1x32768xf32, #tpu.memory_space<vmem>>
    %dma_wait3A_271 = tpu.memref_squeeze %dma_wait3A_270 : memref<1x32768xf32, #tpu.memory_space<vmem>> -> memref<32768xf32, #tpu.memory_space<vmem>>
    tpu.wait_dma2 semaphore(%arg8 : memref<!tpu.dma_semaphore, #tpu.memory_space<semaphore_mem>>) src(%dma_wait3A_271 : memref<32768xf32, #tpu.memory_space<vmem>>) dst(%dma_wait3A_268 : memref<32768xf32, #tpu.memory_space<hbm>>)
    %mul3A_272 = arith.constant 2 : i32
    %mul3A_273 = arith.muli %add3A, %mul3A_272 : i32
    %add3A_274 = arith.constant 0 : i32
    %add3A_275 = arith.addi %mul3A_273, %add3A_274 : i32
    %shift_right_arithmetic3A_276 = arith.constant 3 : i32
    %shift_right_arithmetic3A_277 = arith.shrsi %add3A_275, %shift_right_arithmetic3A_276 : i32
    %shift_right_arithmetic3A_278 = arith.constant 1 : i32
    %shift_right_arithmetic3A_279 = arith.shrsi %add3A_275, %shift_right_arithmetic3A_278 : i32
    %and3A_280 = arith.constant 3 : i32
    %and3A_281 = arith.andi %shift_right_arithmetic3A_279, %and3A_280 : i32
    %and3A_282 = arith.constant 1 : i32
    %and3A_283 = arith.andi %add3A_275, %and3A_282 : i32
    %dma_start3A_284 = arith.constant 1 : i32
    %dma_start3A_285 = arith.constant 0 : i32
    %dma_start3A_286 = tpu.memref_slice %arg4[%dma_start3A_284, %dma_start3A_285] : memref<2x32768xf32, #tpu.memory_space<vmem>> -> memref<1x32768xf32, #tpu.memory_space<vmem>>
    %dma_start3A_287 = tpu.memref_squeeze %dma_start3A_286 : memref<1x32768xf32, #tpu.memory_space<vmem>> -> memref<32768xf32, #tpu.memory_space<vmem>>
    %dma_start3A_288 = arith.constant 98304 : i32
    %dma_start3A_289 = tpu.memref_slice %arg2[%shift_right_arithmetic3A_277, %and3A_281, %and3A_283, %dma_start3A_288] : memref<8x4x2x262144xf32, #tpu.memory_space<hbm>> -> memref<1x1x1x32768xf32, #tpu.memory_space<hbm>>
    %dma_start3A_290 = tpu.memref_squeeze %dma_start3A_289 : memref<1x1x1x32768xf32, #tpu.memory_space<hbm>> -> memref<32768xf32, #tpu.memory_space<hbm>>
    %dma_start3A_291 = arith.constant 0 : i32
    %dma_start3A_292 = tpu.memref_slice %arg4[%dma_start3A_284, %dma_start3A_291] : memref<2x32768xf32, #tpu.memory_space<vmem>> -> memref<1x32768xf32, #tpu.memory_space<vmem>>
    %dma_start3A_293 = tpu.memref_squeeze %dma_start3A_292 : memref<1x32768xf32, #tpu.memory_space<vmem>> -> memref<32768xf32, #tpu.memory_space<vmem>>
    %dma_start3A_294 = arith.constant 98304 : i32
    %dma_start3A_295 = tpu.memref_slice %arg2[%shift_right_arithmetic3A_277, %and3A_281, %and3A_283, %dma_start3A_294] : memref<8x4x2x262144xf32, #tpu.memory_space<hbm>> -> memref<1x1x1x32768xf32, #tpu.memory_space<hbm>>
    %dma_start3A_296 = tpu.memref_squeeze %dma_start3A_295 : memref<1x1x1x32768xf32, #tpu.memory_space<hbm>> -> memref<32768xf32, #tpu.memory_space<hbm>>
    tpu.enqueue_dma source(%dma_start3A_296 : memref<32768xf32, #tpu.memory_space<hbm>>) target(%dma_start3A_293 : memref<32768xf32, #tpu.memory_space<vmem>>) target_semaphore(%arg6 : memref<!tpu.dma_semaphore, #tpu.memory_space<semaphore_mem>>)
    %mul3A_297 = arith.constant 2 : i32
    %mul3A_298 = arith.muli %add3A, %mul3A_297 : i32
    %add3A_299 = arith.constant 0 : i32
    %add3A_300 = arith.addi %mul3A_298, %add3A_299 : i32
    %shift_right_arithmetic3A_301 = arith.constant 3 : i32
    %shift_right_arithmetic3A_302 = arith.shrsi %add3A_300, %shift_right_arithmetic3A_301 : i32
    %shift_right_arithmetic3A_303 = arith.constant 1 : i32
    %shift_right_arithmetic3A_304 = arith.shrsi %add3A_300, %shift_right_arithmetic3A_303 : i32
    %and3A_305 = arith.constant 3 : i32
    %and3A_306 = arith.andi %shift_right_arithmetic3A_304, %and3A_305 : i32
    %and3A_307 = arith.constant 1 : i32
    %and3A_308 = arith.andi %add3A_300, %and3A_307 : i32
    %dma_wait3A_309 = arith.constant 1 : i32
    %dma_wait3A_310 = arith.constant 0 : i32
    %dma_wait3A_311 = tpu.memref_slice %arg4[%dma_wait3A_309, %dma_wait3A_310] : memref<2x32768xf32, #tpu.memory_space<vmem>> -> memref<1x32768xf32, #tpu.memory_space<vmem>>
    %dma_wait3A_312 = tpu.memref_squeeze %dma_wait3A_311 : memref<1x32768xf32, #tpu.memory_space<vmem>> -> memref<32768xf32, #tpu.memory_space<vmem>>
    %dma_wait3A_313 = arith.constant 98304 : i32
    %dma_wait3A_314 = tpu.memref_slice %arg2[%shift_right_arithmetic3A_302, %and3A_306, %and3A_308, %dma_wait3A_313] : memref<8x4x2x262144xf32, #tpu.memory_space<hbm>> -> memref<1x1x1x32768xf32, #tpu.memory_space<hbm>>
    %dma_wait3A_315 = tpu.memref_squeeze %dma_wait3A_314 : memref<1x1x1x32768xf32, #tpu.memory_space<hbm>> -> memref<32768xf32, #tpu.memory_space<hbm>>
    %dma_wait3A_316 = arith.constant 0 : i32
    %dma_wait3A_317 = tpu.memref_slice %arg4[%dma_wait3A_309, %dma_wait3A_316] : memref<2x32768xf32, #tpu.memory_space<vmem>> -> memref<1x32768xf32, #tpu.memory_space<vmem>>
    %dma_wait3A_318 = tpu.memref_squeeze %dma_wait3A_317 : memref<1x32768xf32, #tpu.memory_space<vmem>> -> memref<32768xf32, #tpu.memory_space<vmem>>
    %dma_wait3A_319 = arith.constant 98304 : i32
    %dma_wait3A_320 = tpu.memref_slice %arg2[%shift_right_arithmetic3A_302, %and3A_306, %and3A_308, %dma_wait3A_319] : memref<8x4x2x262144xf32, #tpu.memory_space<hbm>> -> memref<1x1x1x32768xf32, #tpu.memory_space<hbm>>
    %dma_wait3A_321 = tpu.memref_squeeze %dma_wait3A_320 : memref<1x1x1x32768xf32, #tpu.memory_space<hbm>> -> memref<32768xf32, #tpu.memory_space<hbm>>
    tpu.wait_dma2 semaphore(%arg6 : memref<!tpu.dma_semaphore, #tpu.memory_space<semaphore_mem>>) src(%dma_wait3A_321 : memref<32768xf32, #tpu.memory_space<hbm>>) dst(%dma_wait3A_318 : memref<32768xf32, #tpu.memory_space<vmem>>)
    %mul3A_322 = arith.constant 2 : i32
    %mul3A_323 = arith.muli %add3A, %mul3A_322 : i32
    %add3A_324 = arith.constant 0 : i32
    %add3A_325 = arith.addi %mul3A_323, %add3A_324 : i32
    %shift_right_arithmetic3A_326 = arith.constant 3 : i32
    %shift_right_arithmetic3A_327 = arith.shrsi %add3A_325, %shift_right_arithmetic3A_326 : i32
    %shift_right_arithmetic3A_328 = arith.constant 1 : i32
    %shift_right_arithmetic3A_329 = arith.shrsi %add3A_325, %shift_right_arithmetic3A_328 : i32
    %and3A_330 = arith.constant 3 : i32
    %and3A_331 = arith.andi %shift_right_arithmetic3A_329, %and3A_330 : i32
    %and3A_332 = arith.constant 1 : i32
    %and3A_333 = arith.andi %add3A_325, %and3A_332 : i32
    %dma_start3A_334 = arith.constant 1 : i32
    %dma_start3A_335 = arith.constant 0 : i32
    %dma_start3A_336 = tpu.memref_slice %arg4[%dma_start3A_334, %dma_start3A_335] : memref<2x32768xf32, #tpu.memory_space<vmem>> -> memref<1x32768xf32, #tpu.memory_space<vmem>>
    %dma_start3A_337 = tpu.memref_squeeze %dma_start3A_336 : memref<1x32768xf32, #tpu.memory_space<vmem>> -> memref<32768xf32, #tpu.memory_space<vmem>>
    %dma_start3A_338 = arith.constant 98304 : i32
    %dma_start3A_339 = tpu.memref_slice %arg3[%shift_right_arithmetic3A_327, %and3A_331, %and3A_333, %dma_start3A_338] : memref<8x4x2x262144xf32, #tpu.memory_space<hbm>> -> memref<1x1x1x32768xf32, #tpu.memory_space<hbm>>
    %dma_start3A_340 = tpu.memref_squeeze %dma_start3A_339 : memref<1x1x1x32768xf32, #tpu.memory_space<hbm>> -> memref<32768xf32, #tpu.memory_space<hbm>>
    %dma_start3A_341 = arith.constant 98304 : i32
    %dma_start3A_342 = tpu.memref_slice %arg3[%shift_right_arithmetic3A_327, %and3A_331, %and3A_333, %dma_start3A_341] : memref<8x4x2x262144xf32, #tpu.memory_space<hbm>> -> memref<1x1x1x32768xf32, #tpu.memory_space<hbm>>
    %dma_start3A_343 = tpu.memref_squeeze %dma_start3A_342 : memref<1x1x1x32768xf32, #tpu.memory_space<hbm>> -> memref<32768xf32, #tpu.memory_space<hbm>>
    %dma_start3A_344 = arith.constant 0 : i32
    %dma_start3A_345 = tpu.memref_slice %arg4[%dma_start3A_334, %dma_start3A_344] : memref<2x32768xf32, #tpu.memory_space<vmem>> -> memref<1x32768xf32, #tpu.memory_space<vmem>>
    %dma_start3A_346 = tpu.memref_squeeze %dma_start3A_345 : memref<1x32768xf32, #tpu.memory_space<vmem>> -> memref<32768xf32, #tpu.memory_space<vmem>>
    tpu.enqueue_dma source(%dma_start3A_346 : memref<32768xf32, #tpu.memory_space<vmem>>) target(%dma_start3A_343 : memref<32768xf32, #tpu.memory_space<hbm>>) target_semaphore(%arg8 : memref<!tpu.dma_semaphore, #tpu.memory_space<semaphore_mem>>)
    %mul3A_347 = arith.constant 2 : i32
    %mul3A_348 = arith.muli %add3A, %mul3A_347 : i32
    %add3A_349 = arith.constant 0 : i32
    %add3A_350 = arith.addi %mul3A_348, %add3A_349 : i32
    %shift_right_arithmetic3A_351 = arith.constant 3 : i32
    %shift_right_arithmetic3A_352 = arith.shrsi %add3A_350, %shift_right_arithmetic3A_351 : i32
    %shift_right_arithmetic3A_353 = arith.constant 1 : i32
    %shift_right_arithmetic3A_354 = arith.shrsi %add3A_350, %shift_right_arithmetic3A_353 : i32
    %and3A_355 = arith.constant 3 : i32
    %and3A_356 = arith.andi %shift_right_arithmetic3A_354, %and3A_355 : i32
    %and3A_357 = arith.constant 1 : i32
    %and3A_358 = arith.andi %add3A_350, %and3A_357 : i32
    %dma_wait3A_359 = arith.constant 0 : i32
    %dma_wait3A_360 = arith.constant 0 : i32
    %dma_wait3A_361 = tpu.memref_slice %arg4[%dma_wait3A_359, %dma_wait3A_360] : memref<2x32768xf32, #tpu.memory_space<vmem>> -> memref<1x32768xf32, #tpu.memory_space<vmem>>
    %dma_wait3A_362 = tpu.memref_squeeze %dma_wait3A_361 : memref<1x32768xf32, #tpu.memory_space<vmem>> -> memref<32768xf32, #tpu.memory_space<vmem>>
    %dma_wait3A_363 = arith.constant 65536 : i32
    %dma_wait3A_364 = tpu.memref_slice %arg3[%shift_right_arithmetic3A_352, %and3A_356, %and3A_358, %dma_wait3A_363] : memref<8x4x2x262144xf32, #tpu.memory_space<hbm>> -> memref<1x1x1x32768xf32, #tpu.memory_space<hbm>>
    %dma_wait3A_365 = tpu.memref_squeeze %dma_wait3A_364 : memref<1x1x1x32768xf32, #tpu.memory_space<hbm>> -> memref<32768xf32, #tpu.memory_space<hbm>>
    %dma_wait3A_366 = arith.constant 65536 : i32
    %dma_wait3A_367 = tpu.memref_slice %arg3[%shift_right_arithmetic3A_352, %and3A_356, %and3A_358, %dma_wait3A_366] : memref<8x4x2x262144xf32, #tpu.memory_space<hbm>> -> memref<1x1x1x32768xf32, #tpu.memory_space<hbm>>
    %dma_wait3A_368 = tpu.memref_squeeze %dma_wait3A_367 : memref<1x1x1x32768xf32, #tpu.memory_space<hbm>> -> memref<32768xf32, #tpu.memory_space<hbm>>
    %dma_wait3A_369 = arith.constant 0 : i32
    %dma_wait3A_370 = tpu.memref_slice %arg4[%dma_wait3A_359, %dma_wait3A_369] : memref<2x32768xf32, #tpu.memory_space<vmem>> -> memref<1x32768xf32, #tpu.memory_space<vmem>>
    %dma_wait3A_371 = tpu.memref_squeeze %dma_wait3A_370 : memref<1x32768xf32, #tpu.memory_space<vmem>> -> memref<32768xf32, #tpu.memory_space<vmem>>
    tpu.wait_dma2 semaphore(%arg7 : memref<!tpu.dma_semaphore, #tpu.memory_space<semaphore_mem>>) src(%dma_wait3A_371 : memref<32768xf32, #tpu.memory_space<vmem>>) dst(%dma_wait3A_368 : memref<32768xf32, #tpu.memory_space<hbm>>)
    %mul3A_372 = arith.constant 2 : i32
    %mul3A_373 = arith.muli %add3A, %mul3A_372 : i32
    %add3A_374 = arith.constant 0 : i32
    %add3A_375 = arith.addi %mul3A_373, %add3A_374 : i32
    %shift_right_arithmetic3A_376 = arith.constant 3 : i32
    %shift_right_arithmetic3A_377 = arith.shrsi %add3A_375, %shift_right_arithmetic3A_376 : i32
    %shift_right_arithmetic3A_378 = arith.constant 1 : i32
    %shift_right_arithmetic3A_379 = arith.shrsi %add3A_375, %shift_right_arithmetic3A_378 : i32
    %and3A_380 = arith.constant 3 : i32
    %and3A_381 = arith.andi %shift_right_arithmetic3A_379, %and3A_380 : i32
    %and3A_382 = arith.constant 1 : i32
    %and3A_383 = arith.andi %add3A_375, %and3A_382 : i32
    %dma_start3A_384 = arith.constant 0 : i32
    %dma_start3A_385 = arith.constant 0 : i32
    %dma_start3A_386 = tpu.memref_slice %arg4[%dma_start3A_384, %dma_start3A_385] : memref<2x32768xf32, #tpu.memory_space<vmem>> -> memref<1x32768xf32, #tpu.memory_space<vmem>>
    %dma_start3A_387 = tpu.memref_squeeze %dma_start3A_386 : memref<1x32768xf32, #tpu.memory_space<vmem>> -> memref<32768xf32, #tpu.memory_space<vmem>>
    %dma_start3A_388 = arith.constant 131072 : i32
    %dma_start3A_389 = tpu.memref_slice %arg2[%shift_right_arithmetic3A_377, %and3A_381, %and3A_383, %dma_start3A_388] : memref<8x4x2x262144xf32, #tpu.memory_space<hbm>> -> memref<1x1x1x32768xf32, #tpu.memory_space<hbm>>
    %dma_start3A_390 = tpu.memref_squeeze %dma_start3A_389 : memref<1x1x1x32768xf32, #tpu.memory_space<hbm>> -> memref<32768xf32, #tpu.memory_space<hbm>>
    %dma_start3A_391 = arith.constant 0 : i32
    %dma_start3A_392 = tpu.memref_slice %arg4[%dma_start3A_384, %dma_start3A_391] : memref<2x32768xf32, #tpu.memory_space<vmem>> -> memref<1x32768xf32, #tpu.memory_space<vmem>>
    %dma_start3A_393 = tpu.memref_squeeze %dma_start3A_392 : memref<1x32768xf32, #tpu.memory_space<vmem>> -> memref<32768xf32, #tpu.memory_space<vmem>>
    %dma_start3A_394 = arith.constant 131072 : i32
    %dma_start3A_395 = tpu.memref_slice %arg2[%shift_right_arithmetic3A_377, %and3A_381, %and3A_383, %dma_start3A_394] : memref<8x4x2x262144xf32, #tpu.memory_space<hbm>> -> memref<1x1x1x32768xf32, #tpu.memory_space<hbm>>
    %dma_start3A_396 = tpu.memref_squeeze %dma_start3A_395 : memref<1x1x1x32768xf32, #tpu.memory_space<hbm>> -> memref<32768xf32, #tpu.memory_space<hbm>>
    tpu.enqueue_dma source(%dma_start3A_396 : memref<32768xf32, #tpu.memory_space<hbm>>) target(%dma_start3A_393 : memref<32768xf32, #tpu.memory_space<vmem>>) target_semaphore(%arg5 : memref<!tpu.dma_semaphore, #tpu.memory_space<semaphore_mem>>)
    %mul3A_397 = arith.constant 2 : i32
    %mul3A_398 = arith.muli %add3A, %mul3A_397 : i32
    %add3A_399 = arith.constant 0 : i32
    %add3A_400 = arith.addi %mul3A_398, %add3A_399 : i32
    %shift_right_arithmetic3A_401 = arith.constant 3 : i32
    %shift_right_arithmetic3A_402 = arith.shrsi %add3A_400, %shift_right_arithmetic3A_401 : i32
    %shift_right_arithmetic3A_403 = arith.constant 1 : i32
    %shift_right_arithmetic3A_404 = arith.shrsi %add3A_400, %shift_right_arithmetic3A_403 : i32
    %and3A_405 = arith.constant 3 : i32
    %and3A_406 = arith.andi %shift_right_arithmetic3A_404, %and3A_405 : i32
    %and3A_407 = arith.constant 1 : i32
    %and3A_408 = arith.andi %add3A_400, %and3A_407 : i32
    %dma_wait3A_409 = arith.constant 0 : i32
    %dma_wait3A_410 = arith.constant 0 : i32
    %dma_wait3A_411 = tpu.memref_slice %arg4[%dma_wait3A_409, %dma_wait3A_410] : memref<2x32768xf32, #tpu.memory_space<vmem>> -> memref<1x32768xf32, #tpu.memory_space<vmem>>
    %dma_wait3A_412 = tpu.memref_squeeze %dma_wait3A_411 : memref<1x32768xf32, #tpu.memory_space<vmem>> -> memref<32768xf32, #tpu.memory_space<vmem>>
    %dma_wait3A_413 = arith.constant 131072 : i32
    %dma_wait3A_414 = tpu.memref_slice %arg2[%shift_right_arithmetic3A_402, %and3A_406, %and3A_408, %dma_wait3A_413] : memref<8x4x2x262144xf32, #tpu.memory_space<hbm>> -> memref<1x1x1x32768xf32, #tpu.memory_space<hbm>>
    %dma_wait3A_415 = tpu.memref_squeeze %dma_wait3A_414 : memref<1x1x1x32768xf32, #tpu.memory_space<hbm>> -> memref<32768xf32, #tpu.memory_space<hbm>>
    %dma_wait3A_416 = arith.constant 0 : i32
    %dma_wait3A_417 = tpu.memref_slice %arg4[%dma_wait3A_409, %dma_wait3A_416] : memref<2x32768xf32, #tpu.memory_space<vmem>> -> memref<1x32768xf32, #tpu.memory_space<vmem>>
    %dma_wait3A_418 = tpu.memref_squeeze %dma_wait3A_417 : memref<1x32768xf32, #tpu.memory_space<vmem>> -> memref<32768xf32, #tpu.memory_space<vmem>>
    %dma_wait3A_419 = arith.constant 131072 : i32
    %dma_wait3A_420 = tpu.memref_slice %arg2[%shift_right_arithmetic3A_402, %and3A_406, %and3A_408, %dma_wait3A_419] : memref<8x4x2x262144xf32, #tpu.memory_space<hbm>> -> memref<1x1x1x32768xf32, #tpu.memory_space<hbm>>
    %dma_wait3A_421 = tpu.memref_squeeze %dma_wait3A_420 : memref<1x1x1x32768xf32, #tpu.memory_space<hbm>> -> memref<32768xf32, #tpu.memory_space<hbm>>
    tpu.wait_dma2 semaphore(%arg5 : memref<!tpu.dma_semaphore, #tpu.memory_space<semaphore_mem>>) src(%dma_wait3A_421 : memref<32768xf32, #tpu.memory_space<hbm>>) dst(%dma_wait3A_418 : memref<32768xf32, #tpu.memory_space<vmem>>)
    %mul3A_422 = arith.constant 2 : i32
    %mul3A_423 = arith.muli %add3A, %mul3A_422 : i32
    %add3A_424 = arith.constant 0 : i32
    %add3A_425 = arith.addi %mul3A_423, %add3A_424 : i32
    %shift_right_arithmetic3A_426 = arith.constant 3 : i32
    %shift_right_arithmetic3A_427 = arith.shrsi %add3A_425, %shift_right_arithmetic3A_426 : i32
    %shift_right_arithmetic3A_428 = arith.constant 1 : i32
    %shift_right_arithmetic3A_429 = arith.shrsi %add3A_425, %shift_right_arithmetic3A_428 : i32
    %and3A_430 = arith.constant 3 : i32
    %and3A_431 = arith.andi %shift_right_arithmetic3A_429, %and3A_430 : i32
    %and3A_432 = arith.constant 1 : i32
    %and3A_433 = arith.andi %add3A_425, %and3A_432 : i32
    %dma_start3A_434 = arith.constant 0 : i32
    %dma_start3A_435 = arith.constant 0 : i32
    %dma_start3A_436 = tpu.memref_slice %arg4[%dma_start3A_434, %dma_start3A_435] : memref<2x32768xf32, #tpu.memory_space<vmem>> -> memref<1x32768xf32, #tpu.memory_space<vmem>>
    %dma_start3A_437 = tpu.memref_squeeze %dma_start3A_436 : memref<1x32768xf32, #tpu.memory_space<vmem>> -> memref<32768xf32, #tpu.memory_space<vmem>>
    %dma_start3A_438 = arith.constant 131072 : i32
    %dma_start3A_439 = tpu.memref_slice %arg3[%shift_right_arithmetic3A_427, %and3A_431, %and3A_433, %dma_start3A_438] : memref<8x4x2x262144xf32, #tpu.memory_space<hbm>> -> memref<1x1x1x32768xf32, #tpu.memory_space<hbm>>
    %dma_start3A_440 = tpu.memref_squeeze %dma_start3A_439 : memref<1x1x1x32768xf32, #tpu.memory_space<hbm>> -> memref<32768xf32, #tpu.memory_space<hbm>>
    %dma_start3A_441 = arith.constant 131072 : i32
    %dma_start3A_442 = tpu.memref_slice %arg3[%shift_right_arithmetic3A_427, %and3A_431, %and3A_433, %dma_start3A_441] : memref<8x4x2x262144xf32, #tpu.memory_space<hbm>> -> memref<1x1x1x32768xf32, #tpu.memory_space<hbm>>
    %dma_start3A_443 = tpu.memref_squeeze %dma_start3A_442 : memref<1x1x1x32768xf32, #tpu.memory_space<hbm>> -> memref<32768xf32, #tpu.memory_space<hbm>>
    %dma_start3A_444 = arith.constant 0 : i32
    %dma_start3A_445 = tpu.memref_slice %arg4[%dma_start3A_434, %dma_start3A_444] : memref<2x32768xf32, #tpu.memory_space<vmem>> -> memref<1x32768xf32, #tpu.memory_space<vmem>>
    %dma_start3A_446 = tpu.memref_squeeze %dma_start3A_445 : memref<1x32768xf32, #tpu.memory_space<vmem>> -> memref<32768xf32, #tpu.memory_space<vmem>>
    tpu.enqueue_dma source(%dma_start3A_446 : memref<32768xf32, #tpu.memory_space<vmem>>) target(%dma_start3A_443 : memref<32768xf32, #tpu.memory_space<hbm>>) target_semaphore(%arg7 : memref<!tpu.dma_semaphore, #tpu.memory_space<semaphore_mem>>)
    %mul3A_447 = arith.constant 2 : i32
    %mul3A_448 = arith.muli %add3A, %mul3A_447 : i32
    %add3A_449 = arith.constant 0 : i32
    %add3A_450 = arith.addi %mul3A_448, %add3A_449 : i32
    %shift_right_arithmetic3A_451 = arith.constant 3 : i32
    %shift_right_arithmetic3A_452 = arith.shrsi %add3A_450, %shift_right_arithmetic3A_451 : i32
    %shift_right_arithmetic3A_453 = arith.constant 1 : i32
    %shift_right_arithmetic3A_454 = arith.shrsi %add3A_450, %shift_right_arithmetic3A_453 : i32
    %and3A_455 = arith.constant 3 : i32
    %and3A_456 = arith.andi %shift_right_arithmetic3A_454, %and3A_455 : i32
    %and3A_457 = arith.constant 1 : i32
    %and3A_458 = arith.andi %add3A_450, %and3A_457 : i32
    %dma_wait3A_459 = arith.constant 1 : i32
    %dma_wait3A_460 = arith.constant 0 : i32
    %dma_wait3A_461 = tpu.memref_slice %arg4[%dma_wait3A_459, %dma_wait3A_460] : memref<2x32768xf32, #tpu.memory_space<vmem>> -> memref<1x32768xf32, #tpu.memory_space<vmem>>
    %dma_wait3A_462 = tpu.memref_squeeze %dma_wait3A_461 : memref<1x32768xf32, #tpu.memory_space<vmem>> -> memref<32768xf32, #tpu.memory_space<vmem>>
    %dma_wait3A_463 = arith.constant 98304 : i32
    %dma_wait3A_464 = tpu.memref_slice %arg3[%shift_right_arithmetic3A_452, %and3A_456, %and3A_458, %dma_wait3A_463] : memref<8x4x2x262144xf32, #tpu.memory_space<hbm>> -> memref<1x1x1x32768xf32, #tpu.memory_space<hbm>>
    %dma_wait3A_465 = tpu.memref_squeeze %dma_wait3A_464 : memref<1x1x1x32768xf32, #tpu.memory_space<hbm>> -> memref<32768xf32, #tpu.memory_space<hbm>>
    %dma_wait3A_466 = arith.constant 98304 : i32
    %dma_wait3A_467 = tpu.memref_slice %arg3[%shift_right_arithmetic3A_452, %and3A_456, %and3A_458, %dma_wait3A_466] : memref<8x4x2x262144xf32, #tpu.memory_space<hbm>> -> memref<1x1x1x32768xf32, #tpu.memory_space<hbm>>
    %dma_wait3A_468 = tpu.memref_squeeze %dma_wait3A_467 : memref<1x1x1x32768xf32, #tpu.memory_space<hbm>> -> memref<32768xf32, #tpu.memory_space<hbm>>
    %dma_wait3A_469 = arith.constant 0 : i32
    %dma_wait3A_470 = tpu.memref_slice %arg4[%dma_wait3A_459, %dma_wait3A_469] : memref<2x32768xf32, #tpu.memory_space<vmem>> -> memref<1x32768xf32, #tpu.memory_space<vmem>>
    %dma_wait3A_471 = tpu.memref_squeeze %dma_wait3A_470 : memref<1x32768xf32, #tpu.memory_space<vmem>> -> memref<32768xf32, #tpu.memory_space<vmem>>
    tpu.wait_dma2 semaphore(%arg8 : memref<!tpu.dma_semaphore, #tpu.memory_space<semaphore_mem>>) src(%dma_wait3A_471 : memref<32768xf32, #tpu.memory_space<vmem>>) dst(%dma_wait3A_468 : memref<32768xf32, #tpu.memory_space<hbm>>)
    %mul3A_472 = arith.constant 2 : i32
    %mul3A_473 = arith.muli %add3A, %mul3A_472 : i32
    %add3A_474 = arith.constant 0 : i32
    %add3A_475 = arith.addi %mul3A_473, %add3A_474 : i32
    %shift_right_arithmetic3A_476 = arith.constant 3 : i32
    %shift_right_arithmetic3A_477 = arith.shrsi %add3A_475, %shift_right_arithmetic3A_476 : i32
    %shift_right_arithmetic3A_478 = arith.constant 1 : i32
    %shift_right_arithmetic3A_479 = arith.shrsi %add3A_475, %shift_right_arithmetic3A_478 : i32
    %and3A_480 = arith.constant 3 : i32
    %and3A_481 = arith.andi %shift_right_arithmetic3A_479, %and3A_480 : i32
    %and3A_482 = arith.constant 1 : i32
    %and3A_483 = arith.andi %add3A_475, %and3A_482 : i32
    %dma_start3A_484 = arith.constant 1 : i32
    %dma_start3A_485 = arith.constant 0 : i32
    %dma_start3A_486 = tpu.memref_slice %arg4[%dma_start3A_484, %dma_start3A_485] : memref<2x32768xf32, #tpu.memory_space<vmem>> -> memref<1x32768xf32, #tpu.memory_space<vmem>>
    %dma_start3A_487 = tpu.memref_squeeze %dma_start3A_486 : memref<1x32768xf32, #tpu.memory_space<vmem>> -> memref<32768xf32, #tpu.memory_space<vmem>>
    %dma_start3A_488 = arith.constant 163840 : i32
    %dma_start3A_489 = tpu.memref_slice %arg2[%shift_right_arithmetic3A_477, %and3A_481, %and3A_483, %dma_start3A_488] : memref<8x4x2x262144xf32, #tpu.memory_space<hbm>> -> memref<1x1x1x32768xf32, #tpu.memory_space<hbm>>
    %dma_start3A_490 = tpu.memref_squeeze %dma_start3A_489 : memref<1x1x1x32768xf32, #tpu.memory_space<hbm>> -> memref<32768xf32, #tpu.memory_space<hbm>>
    %dma_start3A_491 = arith.constant 0 : i32
    %dma_start3A_492 = tpu.memref_slice %arg4[%dma_start3A_484, %dma_start3A_491] : memref<2x32768xf32, #tpu.memory_space<vmem>> -> memref<1x32768xf32, #tpu.memory_space<vmem>>
    %dma_start3A_493 = tpu.memref_squeeze %dma_start3A_492 : memref<1x32768xf32, #tpu.memory_space<vmem>> -> memref<32768xf32, #tpu.memory_space<vmem>>
    %dma_start3A_494 = arith.constant 163840 : i32
    %dma_start3A_495 = tpu.memref_slice %arg2[%shift_right_arithmetic3A_477, %and3A_481, %and3A_483, %dma_start3A_494] : memref<8x4x2x262144xf32, #tpu.memory_space<hbm>> -> memref<1x1x1x32768xf32, #tpu.memory_space<hbm>>
    %dma_start3A_496 = tpu.memref_squeeze %dma_start3A_495 : memref<1x1x1x32768xf32, #tpu.memory_space<hbm>> -> memref<32768xf32, #tpu.memory_space<hbm>>
    tpu.enqueue_dma source(%dma_start3A_496 : memref<32768xf32, #tpu.memory_space<hbm>>) target(%dma_start3A_493 : memref<32768xf32, #tpu.memory_space<vmem>>) target_semaphore(%arg6 : memref<!tpu.dma_semaphore, #tpu.memory_space<semaphore_mem>>)
    %mul3A_497 = arith.constant 2 : i32
    %mul3A_498 = arith.muli %add3A, %mul3A_497 : i32
    %add3A_499 = arith.constant 0 : i32
    %add3A_500 = arith.addi %mul3A_498, %add3A_499 : i32
    %shift_right_arithmetic3A_501 = arith.constant 3 : i32
    %shift_right_arithmetic3A_502 = arith.shrsi %add3A_500, %shift_right_arithmetic3A_501 : i32
    %shift_right_arithmetic3A_503 = arith.constant 1 : i32
    %shift_right_arithmetic3A_504 = arith.shrsi %add3A_500, %shift_right_arithmetic3A_503 : i32
    %and3A_505 = arith.constant 3 : i32
    %and3A_506 = arith.andi %shift_right_arithmetic3A_504, %and3A_505 : i32
    %and3A_507 = arith.constant 1 : i32
    %and3A_508 = arith.andi %add3A_500, %and3A_507 : i32
    %dma_wait3A_509 = arith.constant 1 : i32
    %dma_wait3A_510 = arith.constant 0 : i32
    %dma_wait3A_511 = tpu.memref_slice %arg4[%dma_wait3A_509, %dma_wait3A_510] : memref<2x32768xf32, #tpu.memory_space<vmem>> -> memref<1x32768xf32, #tpu.memory_space<vmem>>
    %dma_wait3A_512 = tpu.memref_squeeze %dma_wait3A_511 : memref<1x32768xf32, #tpu.memory_space<vmem>> -> memref<32768xf32, #tpu.memory_space<vmem>>
    %dma_wait3A_513 = arith.constant 163840 : i32
    %dma_wait3A_514 = tpu.memref_slice %arg2[%shift_right_arithmetic3A_502, %and3A_506, %and3A_508, %dma_wait3A_513] : memref<8x4x2x262144xf32, #tpu.memory_space<hbm>> -> memref<1x1x1x32768xf32, #tpu.memory_space<hbm>>
    %dma_wait3A_515 = tpu.memref_squeeze %dma_wait3A_514 : memref<1x1x1x32768xf32, #tpu.memory_space<hbm>> -> memref<32768xf32, #tpu.memory_space<hbm>>
    %dma_wait3A_516 = arith.constant 0 : i32
    %dma_wait3A_517 = tpu.memref_slice %arg4[%dma_wait3A_509, %dma_wait3A_516] : memref<2x32768xf32, #tpu.memory_space<vmem>> -> memref<1x32768xf32, #tpu.memory_space<vmem>>
    %dma_wait3A_518 = tpu.memref_squeeze %dma_wait3A_517 : memref<1x32768xf32, #tpu.memory_space<vmem>> -> memref<32768xf32, #tpu.memory_space<vmem>>
    %dma_wait3A_519 = arith.constant 163840 : i32
    %dma_wait3A_520 = tpu.memref_slice %arg2[%shift_right_arithmetic3A_502, %and3A_506, %and3A_508, %dma_wait3A_519] : memref<8x4x2x262144xf32, #tpu.memory_space<hbm>> -> memref<1x1x1x32768xf32, #tpu.memory_space<hbm>>
    %dma_wait3A_521 = tpu.memref_squeeze %dma_wait3A_520 : memref<1x1x1x32768xf32, #tpu.memory_space<hbm>> -> memref<32768xf32, #tpu.memory_space<hbm>>
    tpu.wait_dma2 semaphore(%arg6 : memref<!tpu.dma_semaphore, #tpu.memory_space<semaphore_mem>>) src(%dma_wait3A_521 : memref<32768xf32, #tpu.memory_space<hbm>>) dst(%dma_wait3A_518 : memref<32768xf32, #tpu.memory_space<vmem>>)
    %mul3A_522 = arith.constant 2 : i32
    %mul3A_523 = arith.muli %add3A, %mul3A_522 : i32
    %add3A_524 = arith.constant 0 : i32
    %add3A_525 = arith.addi %mul3A_523, %add3A_524 : i32
    %shift_right_arithmetic3A_526 = arith.constant 3 : i32
    %shift_right_arithmetic3A_527 = arith.shrsi %add3A_525, %shift_right_arithmetic3A_526 : i32
    %shift_right_arithmetic3A_528 = arith.constant 1 : i32
    %shift_right_arithmetic3A_529 = arith.shrsi %add3A_525, %shift_right_arithmetic3A_528 : i32
    %and3A_530 = arith.constant 3 : i32
    %and3A_531 = arith.andi %shift_right_arithmetic3A_529, %and3A_530 : i32
    %and3A_532 = arith.constant 1 : i32
    %and3A_533 = arith.andi %add3A_525, %and3A_532 : i32
    %dma_start3A_534 = arith.constant 1 : i32
    %dma_start3A_535 = arith.constant 0 : i32
    %dma_start3A_536 = tpu.memref_slice %arg4[%dma_start3A_534, %dma_start3A_535] : memref<2x32768xf32, #tpu.memory_space<vmem>> -> memref<1x32768xf32, #tpu.memory_space<vmem>>
    %dma_start3A_537 = tpu.memref_squeeze %dma_start3A_536 : memref<1x32768xf32, #tpu.memory_space<vmem>> -> memref<32768xf32, #tpu.memory_space<vmem>>
    %dma_start3A_538 = arith.constant 163840 : i32
    %dma_start3A_539 = tpu.memref_slice %arg3[%shift_right_arithmetic3A_527, %and3A_531, %and3A_533, %dma_start3A_538] : memref<8x4x2x262144xf32, #tpu.memory_space<hbm>> -> memref<1x1x1x32768xf32, #tpu.memory_space<hbm>>
    %dma_start3A_540 = tpu.memref_squeeze %dma_start3A_539 : memref<1x1x1x32768xf32, #tpu.memory_space<hbm>> -> memref<32768xf32, #tpu.memory_space<hbm>>
    %dma_start3A_541 = arith.constant 163840 : i32
    %dma_start3A_542 = tpu.memref_slice %arg3[%shift_right_arithmetic3A_527, %and3A_531, %and3A_533, %dma_start3A_541] : memref<8x4x2x262144xf32, #tpu.memory_space<hbm>> -> memref<1x1x1x32768xf32, #tpu.memory_space<hbm>>
    %dma_start3A_543 = tpu.memref_squeeze %dma_start3A_542 : memref<1x1x1x32768xf32, #tpu.memory_space<hbm>> -> memref<32768xf32, #tpu.memory_space<hbm>>
    %dma_start3A_544 = arith.constant 0 : i32
    %dma_start3A_545 = tpu.memref_slice %arg4[%dma_start3A_534, %dma_start3A_544] : memref<2x32768xf32, #tpu.memory_space<vmem>> -> memref<1x32768xf32, #tpu.memory_space<vmem>>
    %dma_start3A_546 = tpu.memref_squeeze %dma_start3A_545 : memref<1x32768xf32, #tpu.memory_space<vmem>> -> memref<32768xf32, #tpu.memory_space<vmem>>
    tpu.enqueue_dma source(%dma_start3A_546 : memref<32768xf32, #tpu.memory_space<vmem>>) target(%dma_start3A_543 : memref<32768xf32, #tpu.memory_space<hbm>>) target_semaphore(%arg8 : memref<!tpu.dma_semaphore, #tpu.memory_space<semaphore_mem>>)
    %mul3A_547 = arith.constant 2 : i32
    %mul3A_548 = arith.muli %add3A, %mul3A_547 : i32
    %add3A_549 = arith.constant 0 : i32
    %add3A_550 = arith.addi %mul3A_548, %add3A_549 : i32
    %shift_right_arithmetic3A_551 = arith.constant 3 : i32
    %shift_right_arithmetic3A_552 = arith.shrsi %add3A_550, %shift_right_arithmetic3A_551 : i32
    %shift_right_arithmetic3A_553 = arith.constant 1 : i32
    %shift_right_arithmetic3A_554 = arith.shrsi %add3A_550, %shift_right_arithmetic3A_553 : i32
    %and3A_555 = arith.constant 3 : i32
    %and3A_556 = arith.andi %shift_right_arithmetic3A_554, %and3A_555 : i32
    %and3A_557 = arith.constant 1 : i32
    %and3A_558 = arith.andi %add3A_550, %and3A_557 : i32
    %dma_wait3A_559 = arith.constant 0 : i32
    %dma_wait3A_560 = arith.constant 0 : i32
    %dma_wait3A_561 = tpu.memref_slice %arg4[%dma_wait3A_559, %dma_wait3A_560] : memref<2x32768xf32, #tpu.memory_space<vmem>> -> memref<1x32768xf32, #tpu.memory_space<vmem>>
    %dma_wait3A_562 = tpu.memref_squeeze %dma_wait3A_561 : memref<1x32768xf32, #tpu.memory_space<vmem>> -> memref<32768xf32, #tpu.memory_space<vmem>>
    %dma_wait3A_563 = arith.constant 131072 : i32
    %dma_wait3A_564 = tpu.memref_slice %arg3[%shift_right_arithmetic3A_552, %and3A_556, %and3A_558, %dma_wait3A_563] : memref<8x4x2x262144xf32, #tpu.memory_space<hbm>> -> memref<1x1x1x32768xf32, #tpu.memory_space<hbm>>
    %dma_wait3A_565 = tpu.memref_squeeze %dma_wait3A_564 : memref<1x1x1x32768xf32, #tpu.memory_space<hbm>> -> memref<32768xf32, #tpu.memory_space<hbm>>
    %dma_wait3A_566 = arith.constant 131072 : i32
    %dma_wait3A_567 = tpu.memref_slice %arg3[%shift_right_arithmetic3A_552, %and3A_556, %and3A_558, %dma_wait3A_566] : memref<8x4x2x262144xf32, #tpu.memory_space<hbm>> -> memref<1x1x1x32768xf32, #tpu.memory_space<hbm>>
    %dma_wait3A_568 = tpu.memref_squeeze %dma_wait3A_567 : memref<1x1x1x32768xf32, #tpu.memory_space<hbm>> -> memref<32768xf32, #tpu.memory_space<hbm>>
    %dma_wait3A_569 = arith.constant 0 : i32
    %dma_wait3A_570 = tpu.memref_slice %arg4[%dma_wait3A_559, %dma_wait3A_569] : memref<2x32768xf32, #tpu.memory_space<vmem>> -> memref<1x32768xf32, #tpu.memory_space<vmem>>
    %dma_wait3A_571 = tpu.memref_squeeze %dma_wait3A_570 : memref<1x32768xf32, #tpu.memory_space<vmem>> -> memref<32768xf32, #tpu.memory_space<vmem>>
    tpu.wait_dma2 semaphore(%arg7 : memref<!tpu.dma_semaphore, #tpu.memory_space<semaphore_mem>>) src(%dma_wait3A_571 : memref<32768xf32, #tpu.memory_space<vmem>>) dst(%dma_wait3A_568 : memref<32768xf32, #tpu.memory_space<hbm>>)
    %mul3A_572 = arith.constant 2 : i32
    %mul3A_573 = arith.muli %add3A, %mul3A_572 : i32
    %add3A_574 = arith.constant 0 : i32
    %add3A_575 = arith.addi %mul3A_573, %add3A_574 : i32
    %shift_right_arithmetic3A_576 = arith.constant 3 : i32
    %shift_right_arithmetic3A_577 = arith.shrsi %add3A_575, %shift_right_arithmetic3A_576 : i32
    %shift_right_arithmetic3A_578 = arith.constant 1 : i32
    %shift_right_arithmetic3A_579 = arith.shrsi %add3A_575, %shift_right_arithmetic3A_578 : i32
    %and3A_580 = arith.constant 3 : i32
    %and3A_581 = arith.andi %shift_right_arithmetic3A_579, %and3A_580 : i32
    %and3A_582 = arith.constant 1 : i32
    %and3A_583 = arith.andi %add3A_575, %and3A_582 : i32
    %dma_start3A_584 = arith.constant 0 : i32
    %dma_start3A_585 = arith.constant 0 : i32
    %dma_start3A_586 = tpu.memref_slice %arg4[%dma_start3A_584, %dma_start3A_585] : memref<2x32768xf32, #tpu.memory_space<vmem>> -> memref<1x32768xf32, #tpu.memory_space<vmem>>
    %dma_start3A_587 = tpu.memref_squeeze %dma_start3A_586 : memref<1x32768xf32, #tpu.memory_space<vmem>> -> memref<32768xf32, #tpu.memory_space<vmem>>
    %dma_start3A_588 = arith.constant 196608 : i32
    %dma_start3A_589 = tpu.memref_slice %arg2[%shift_right_arithmetic3A_577, %and3A_581, %and3A_583, %dma_start3A_588] : memref<8x4x2x262144xf32, #tpu.memory_space<hbm>> -> memref<1x1x1x32768xf32, #tpu.memory_space<hbm>>
    %dma_start3A_590 = tpu.memref_squeeze %dma_start3A_589 : memref<1x1x1x32768xf32, #tpu.memory_space<hbm>> -> memref<32768xf32, #tpu.memory_space<hbm>>
    %dma_start3A_591 = arith.constant 0 : i32
    %dma_start3A_592 = tpu.memref_slice %arg4[%dma_start3A_584, %dma_start3A_591] : memref<2x32768xf32, #tpu.memory_space<vmem>> -> memref<1x32768xf32, #tpu.memory_space<vmem>>
    %dma_start3A_593 = tpu.memref_squeeze %dma_start3A_592 : memref<1x32768xf32, #tpu.memory_space<vmem>> -> memref<32768xf32, #tpu.memory_space<vmem>>
    %dma_start3A_594 = arith.constant 196608 : i32
    %dma_start3A_595 = tpu.memref_slice %arg2[%shift_right_arithmetic3A_577, %and3A_581, %and3A_583, %dma_start3A_594] : memref<8x4x2x262144xf32, #tpu.memory_space<hbm>> -> memref<1x1x1x32768xf32, #tpu.memory_space<hbm>>
    %dma_start3A_596 = tpu.memref_squeeze %dma_start3A_595 : memref<1x1x1x32768xf32, #tpu.memory_space<hbm>> -> memref<32768xf32, #tpu.memory_space<hbm>>
    tpu.enqueue_dma source(%dma_start3A_596 : memref<32768xf32, #tpu.memory_space<hbm>>) target(%dma_start3A_593 : memref<32768xf32, #tpu.memory_space<vmem>>) target_semaphore(%arg5 : memref<!tpu.dma_semaphore, #tpu.memory_space<semaphore_mem>>)
    %mul3A_597 = arith.constant 2 : i32
    %mul3A_598 = arith.muli %add3A, %mul3A_597 : i32
    %add3A_599 = arith.constant 0 : i32
    %add3A_600 = arith.addi %mul3A_598, %add3A_599 : i32
    %shift_right_arithmetic3A_601 = arith.constant 3 : i32
    %shift_right_arithmetic3A_602 = arith.shrsi %add3A_600, %shift_right_arithmetic3A_601 : i32
    %shift_right_arithmetic3A_603 = arith.constant 1 : i32
    %shift_right_arithmetic3A_604 = arith.shrsi %add3A_600, %shift_right_arithmetic3A_603 : i32
    %and3A_605 = arith.constant 3 : i32
    %and3A_606 = arith.andi %shift_right_arithmetic3A_604, %and3A_605 : i32
    %and3A_607 = arith.constant 1 : i32
    %and3A_608 = arith.andi %add3A_600, %and3A_607 : i32
    %dma_wait3A_609 = arith.constant 0 : i32
    %dma_wait3A_610 = arith.constant 0 : i32
    %dma_wait3A_611 = tpu.memref_slice %arg4[%dma_wait3A_609, %dma_wait3A_610] : memref<2x32768xf32, #tpu.memory_space<vmem>> -> memref<1x32768xf32, #tpu.memory_space<vmem>>
    %dma_wait3A_612 = tpu.memref_squeeze %dma_wait3A_611 : memref<1x32768xf32, #tpu.memory_space<vmem>> -> memref<32768xf32, #tpu.memory_space<vmem>>
    %dma_wait3A_613 = arith.constant 196608 : i32
    %dma_wait3A_614 = tpu.memref_slice %arg2[%shift_right_arithmetic3A_602, %and3A_606, %and3A_608, %dma_wait3A_613] : memref<8x4x2x262144xf32, #tpu.memory_space<hbm>> -> memref<1x1x1x32768xf32, #tpu.memory_space<hbm>>
    %dma_wait3A_615 = tpu.memref_squeeze %dma_wait3A_614 : memref<1x1x1x32768xf32, #tpu.memory_space<hbm>> -> memref<32768xf32, #tpu.memory_space<hbm>>
    %dma_wait3A_616 = arith.constant 0 : i32
    %dma_wait3A_617 = tpu.memref_slice %arg4[%dma_wait3A_609, %dma_wait3A_616] : memref<2x32768xf32, #tpu.memory_space<vmem>> -> memref<1x32768xf32, #tpu.memory_space<vmem>>
    %dma_wait3A_618 = tpu.memref_squeeze %dma_wait3A_617 : memref<1x32768xf32, #tpu.memory_space<vmem>> -> memref<32768xf32, #tpu.memory_space<vmem>>
    %dma_wait3A_619 = arith.constant 196608 : i32
    %dma_wait3A_620 = tpu.memref_slice %arg2[%shift_right_arithmetic3A_602, %and3A_606, %and3A_608, %dma_wait3A_619] : memref<8x4x2x262144xf32, #tpu.memory_space<hbm>> -> memref<1x1x1x32768xf32, #tpu.memory_space<hbm>>
    %dma_wait3A_621 = tpu.memref_squeeze %dma_wait3A_620 : memref<1x1x1x32768xf32, #tpu.memory_space<hbm>> -> memref<32768xf32, #tpu.memory_space<hbm>>
    tpu.wait_dma2 semaphore(%arg5 : memref<!tpu.dma_semaphore, #tpu.memory_space<semaphore_mem>>) src(%dma_wait3A_621 : memref<32768xf32, #tpu.memory_space<hbm>>) dst(%dma_wait3A_618 : memref<32768xf32, #tpu.memory_space<vmem>>)
    %mul3A_622 = arith.constant 2 : i32
    %mul3A_623 = arith.muli %add3A, %mul3A_622 : i32
    %add3A_624 = arith.constant 0 : i32
    %add3A_625 = arith.addi %mul3A_623, %add3A_624 : i32
    %shift_right_arithmetic3A_626 = arith.constant 3 : i32
    %shift_right_arithmetic3A_627 = arith.shrsi %add3A_625, %shift_right_arithmetic3A_626 : i32
    %shift_right_arithmetic3A_628 = arith.constant 1 : i32
    %shift_right_arithmetic3A_629 = arith.shrsi %add3A_625, %shift_right_arithmetic3A_628 : i32
    %and3A_630 = arith.constant 3 : i32
    %and3A_631 = arith.andi %shift_right_arithmetic3A_629, %and3A_630 : i32
    %and3A_632 = arith.constant 1 : i32
    %and3A_633 = arith.andi %add3A_625, %and3A_632 : i32
    %dma_start3A_634 = arith.constant 0 : i32
    %dma_start3A_635 = arith.constant 0 : i32
    %dma_start3A_636 = tpu.memref_slice %arg4[%dma_start3A_634, %dma_start3A_635] : memref<2x32768xf32, #tpu.memory_space<vmem>> -> memref<1x32768xf32, #tpu.memory_space<vmem>>
    %dma_start3A_637 = tpu.memref_squeeze %dma_start3A_636 : memref<1x32768xf32, #tpu.memory_space<vmem>> -> memref<32768xf32, #tpu.memory_space<vmem>>
    %dma_start3A_638 = arith.constant 196608 : i32
    %dma_start3A_639 = tpu.memref_slice %arg3[%shift_right_arithmetic3A_627, %and3A_631, %and3A_633, %dma_start3A_638] : memref<8x4x2x262144xf32, #tpu.memory_space<hbm>> -> memref<1x1x1x32768xf32, #tpu.memory_space<hbm>>
    %dma_start3A_640 = tpu.memref_squeeze %dma_start3A_639 : memref<1x1x1x32768xf32, #tpu.memory_space<hbm>> -> memref<32768xf32, #tpu.memory_space<hbm>>
    %dma_start3A_641 = arith.constant 196608 : i32
    %dma_start3A_642 = tpu.memref_slice %arg3[%shift_right_arithmetic3A_627, %and3A_631, %and3A_633, %dma_start3A_641] : memref<8x4x2x262144xf32, #tpu.memory_space<hbm>> -> memref<1x1x1x32768xf32, #tpu.memory_space<hbm>>
    %dma_start3A_643 = tpu.memref_squeeze %dma_start3A_642 : memref<1x1x1x32768xf32, #tpu.memory_space<hbm>> -> memref<32768xf32, #tpu.memory_space<hbm>>
    %dma_start3A_644 = arith.constant 0 : i32
    %dma_start3A_645 = tpu.memref_slice %arg4[%dma_start3A_634, %dma_start3A_644] : memref<2x32768xf32, #tpu.memory_space<vmem>> -> memref<1x32768xf32, #tpu.memory_space<vmem>>
    %dma_start3A_646 = tpu.memref_squeeze %dma_start3A_645 : memref<1x32768xf32, #tpu.memory_space<vmem>> -> memref<32768xf32, #tpu.memory_space<vmem>>
    tpu.enqueue_dma source(%dma_start3A_646 : memref<32768xf32, #tpu.memory_space<vmem>>) target(%dma_start3A_643 : memref<32768xf32, #tpu.memory_space<hbm>>) target_semaphore(%arg7 : memref<!tpu.dma_semaphore, #tpu.memory_space<semaphore_mem>>)
    %mul3A_647 = arith.constant 2 : i32
    %mul3A_648 = arith.muli %add3A, %mul3A_647 : i32
    %add3A_649 = arith.constant 0 : i32
    %add3A_650 = arith.addi %mul3A_648, %add3A_649 : i32
    %shift_right_arithmetic3A_651 = arith.constant 3 : i32
    %shift_right_arithmetic3A_652 = arith.shrsi %add3A_650, %shift_right_arithmetic3A_651 : i32
    %shift_right_arithmetic3A_653 = arith.constant 1 : i32
    %shift_right_arithmetic3A_654 = arith.shrsi %add3A_650, %shift_right_arithmetic3A_653 : i32
    %and3A_655 = arith.constant 3 : i32
    %and3A_656 = arith.andi %shift_right_arithmetic3A_654, %and3A_655 : i32
    %and3A_657 = arith.constant 1 : i32
    %and3A_658 = arith.andi %add3A_650, %and3A_657 : i32
    %dma_wait3A_659 = arith.constant 1 : i32
    %dma_wait3A_660 = arith.constant 0 : i32
    %dma_wait3A_661 = tpu.memref_slice %arg4[%dma_wait3A_659, %dma_wait3A_660] : memref<2x32768xf32, #tpu.memory_space<vmem>> -> memref<1x32768xf32, #tpu.memory_space<vmem>>
    %dma_wait3A_662 = tpu.memref_squeeze %dma_wait3A_661 : memref<1x32768xf32, #tpu.memory_space<vmem>> -> memref<32768xf32, #tpu.memory_space<vmem>>
    %dma_wait3A_663 = arith.constant 163840 : i32
    %dma_wait3A_664 = tpu.memref_slice %arg3[%shift_right_arithmetic3A_652, %and3A_656, %and3A_658, %dma_wait3A_663] : memref<8x4x2x262144xf32, #tpu.memory_space<hbm>> -> memref<1x1x1x32768xf32, #tpu.memory_space<hbm>>
    %dma_wait3A_665 = tpu.memref_squeeze %dma_wait3A_664 : memref<1x1x1x32768xf32, #tpu.memory_space<hbm>> -> memref<32768xf32, #tpu.memory_space<hbm>>
    %dma_wait3A_666 = arith.constant 163840 : i32
    %dma_wait3A_667 = tpu.memref_slice %arg3[%shift_right_arithmetic3A_652, %and3A_656, %and3A_658, %dma_wait3A_666] : memref<8x4x2x262144xf32, #tpu.memory_space<hbm>> -> memref<1x1x1x32768xf32, #tpu.memory_space<hbm>>
    %dma_wait3A_668 = tpu.memref_squeeze %dma_wait3A_667 : memref<1x1x1x32768xf32, #tpu.memory_space<hbm>> -> memref<32768xf32, #tpu.memory_space<hbm>>
    %dma_wait3A_669 = arith.constant 0 : i32
    %dma_wait3A_670 = tpu.memref_slice %arg4[%dma_wait3A_659, %dma_wait3A_669] : memref<2x32768xf32, #tpu.memory_space<vmem>> -> memref<1x32768xf32, #tpu.memory_space<vmem>>
    %dma_wait3A_671 = tpu.memref_squeeze %dma_wait3A_670 : memref<1x32768xf32, #tpu.memory_space<vmem>> -> memref<32768xf32, #tpu.memory_space<vmem>>
    tpu.wait_dma2 semaphore(%arg8 : memref<!tpu.dma_semaphore, #tpu.memory_space<semaphore_mem>>) src(%dma_wait3A_671 : memref<32768xf32, #tpu.memory_space<vmem>>) dst(%dma_wait3A_668 : memref<32768xf32, #tpu.memory_space<hbm>>)
    %mul3A_672 = arith.constant 2 : i32
    %mul3A_673 = arith.muli %add3A, %mul3A_672 : i32
    %add3A_674 = arith.constant 0 : i32
    %add3A_675 = arith.addi %mul3A_673, %add3A_674 : i32
    %shift_right_arithmetic3A_676 = arith.constant 3 : i32
    %shift_right_arithmetic3A_677 = arith.shrsi %add3A_675, %shift_right_arithmetic3A_676 : i32
    %shift_right_arithmetic3A_678 = arith.constant 1 : i32
    %shift_right_arithmetic3A_679 = arith.shrsi %add3A_675, %shift_right_arithmetic3A_678 : i32
    %and3A_680 = arith.constant 3 : i32
    %and3A_681 = arith.andi %shift_right_arithmetic3A_679, %and3A_680 : i32
    %and3A_682 = arith.constant 1 : i32
    %and3A_683 = arith.andi %add3A_675, %and3A_682 : i32
    %dma_start3A_684 = arith.constant 1 : i32
    %dma_start3A_685 = arith.constant 0 : i32
    %dma_start3A_686 = tpu.memref_slice %arg4[%dma_start3A_684, %dma_start3A_685] : memref<2x32768xf32, #tpu.memory_space<vmem>> -> memref<1x32768xf32, #tpu.memory_space<vmem>>
    %dma_start3A_687 = tpu.memref_squeeze %dma_start3A_686 : memref<1x32768xf32, #tpu.memory_space<vmem>> -> memref<32768xf32, #tpu.memory_space<vmem>>
    %dma_start3A_688 = arith.constant 229376 : i32
    %dma_start3A_689 = tpu.memref_slice %arg2[%shift_right_arithmetic3A_677, %and3A_681, %and3A_683, %dma_start3A_688] : memref<8x4x2x262144xf32, #tpu.memory_space<hbm>> -> memref<1x1x1x32768xf32, #tpu.memory_space<hbm>>
    %dma_start3A_690 = tpu.memref_squeeze %dma_start3A_689 : memref<1x1x1x32768xf32, #tpu.memory_space<hbm>> -> memref<32768xf32, #tpu.memory_space<hbm>>
    %dma_start3A_691 = arith.constant 0 : i32
    %dma_start3A_692 = tpu.memref_slice %arg4[%dma_start3A_684, %dma_start3A_691] : memref<2x32768xf32, #tpu.memory_space<vmem>> -> memref<1x32768xf32, #tpu.memory_space<vmem>>
    %dma_start3A_693 = tpu.memref_squeeze %dma_start3A_692 : memref<1x32768xf32, #tpu.memory_space<vmem>> -> memref<32768xf32, #tpu.memory_space<vmem>>
    %dma_start3A_694 = arith.constant 229376 : i32
    %dma_start3A_695 = tpu.memref_slice %arg2[%shift_right_arithmetic3A_677, %and3A_681, %and3A_683, %dma_start3A_694] : memref<8x4x2x262144xf32, #tpu.memory_space<hbm>> -> memref<1x1x1x32768xf32, #tpu.memory_space<hbm>>
    %dma_start3A_696 = tpu.memref_squeeze %dma_start3A_695 : memref<1x1x1x32768xf32, #tpu.memory_space<hbm>> -> memref<32768xf32, #tpu.memory_space<hbm>>
    tpu.enqueue_dma source(%dma_start3A_696 : memref<32768xf32, #tpu.memory_space<hbm>>) target(%dma_start3A_693 : memref<32768xf32, #tpu.memory_space<vmem>>) target_semaphore(%arg6 : memref<!tpu.dma_semaphore, #tpu.memory_space<semaphore_mem>>)
    %mul3A_697 = arith.constant 2 : i32
    %mul3A_698 = arith.muli %add3A, %mul3A_697 : i32
    %add3A_699 = arith.constant 0 : i32
    %add3A_700 = arith.addi %mul3A_698, %add3A_699 : i32
    %shift_right_arithmetic3A_701 = arith.constant 3 : i32
    %shift_right_arithmetic3A_702 = arith.shrsi %add3A_700, %shift_right_arithmetic3A_701 : i32
    %shift_right_arithmetic3A_703 = arith.constant 1 : i32
    %shift_right_arithmetic3A_704 = arith.shrsi %add3A_700, %shift_right_arithmetic3A_703 : i32
    %and3A_705 = arith.constant 3 : i32
    %and3A_706 = arith.andi %shift_right_arithmetic3A_704, %and3A_705 : i32
    %and3A_707 = arith.constant 1 : i32
    %and3A_708 = arith.andi %add3A_700, %and3A_707 : i32
    %dma_wait3A_709 = arith.constant 1 : i32
    %dma_wait3A_710 = arith.constant 0 : i32
    %dma_wait3A_711 = tpu.memref_slice %arg4[%dma_wait3A_709, %dma_wait3A_710] : memref<2x32768xf32, #tpu.memory_space<vmem>> -> memref<1x32768xf32, #tpu.memory_space<vmem>>
    %dma_wait3A_712 = tpu.memref_squeeze %dma_wait3A_711 : memref<1x32768xf32, #tpu.memory_space<vmem>> -> memref<32768xf32, #tpu.memory_space<vmem>>
    %dma_wait3A_713 = arith.constant 229376 : i32
    %dma_wait3A_714 = tpu.memref_slice %arg2[%shift_right_arithmetic3A_702, %and3A_706, %and3A_708, %dma_wait3A_713] : memref<8x4x2x262144xf32, #tpu.memory_space<hbm>> -> memref<1x1x1x32768xf32, #tpu.memory_space<hbm>>
    %dma_wait3A_715 = tpu.memref_squeeze %dma_wait3A_714 : memref<1x1x1x32768xf32, #tpu.memory_space<hbm>> -> memref<32768xf32, #tpu.memory_space<hbm>>
    %dma_wait3A_716 = arith.constant 0 : i32
    %dma_wait3A_717 = tpu.memref_slice %arg4[%dma_wait3A_709, %dma_wait3A_716] : memref<2x32768xf32, #tpu.memory_space<vmem>> -> memref<1x32768xf32, #tpu.memory_space<vmem>>
    %dma_wait3A_718 = tpu.memref_squeeze %dma_wait3A_717 : memref<1x32768xf32, #tpu.memory_space<vmem>> -> memref<32768xf32, #tpu.memory_space<vmem>>
    %dma_wait3A_719 = arith.constant 229376 : i32
    %dma_wait3A_720 = tpu.memref_slice %arg2[%shift_right_arithmetic3A_702, %and3A_706, %and3A_708, %dma_wait3A_719] : memref<8x4x2x262144xf32, #tpu.memory_space<hbm>> -> memref<1x1x1x32768xf32, #tpu.memory_space<hbm>>
    %dma_wait3A_721 = tpu.memref_squeeze %dma_wait3A_720 : memref<1x1x1x32768xf32, #tpu.memory_space<hbm>> -> memref<32768xf32, #tpu.memory_space<hbm>>
    tpu.wait_dma2 semaphore(%arg6 : memref<!tpu.dma_semaphore, #tpu.memory_space<semaphore_mem>>) src(%dma_wait3A_721 : memref<32768xf32, #tpu.memory_space<hbm>>) dst(%dma_wait3A_718 : memref<32768xf32, #tpu.memory_space<vmem>>)
    %mul3A_722 = arith.constant 2 : i32
    %mul3A_723 = arith.muli %add3A, %mul3A_722 : i32
    %add3A_724 = arith.constant 0 : i32
    %add3A_725 = arith.addi %mul3A_723, %add3A_724 : i32
    %shift_right_arithmetic3A_726 = arith.constant 3 : i32
    %shift_right_arithmetic3A_727 = arith.shrsi %add3A_725, %shift_right_arithmetic3A_726 : i32
    %shift_right_arithmetic3A_728 = arith.constant 1 : i32
    %shift_right_arithmetic3A_729 = arith.shrsi %add3A_725, %shift_right_arithmetic3A_728 : i32
    %and3A_730 = arith.constant 3 : i32
    %and3A_731 = arith.andi %shift_right_arithmetic3A_729, %and3A_730 : i32
    %and3A_732 = arith.constant 1 : i32
    %and3A_733 = arith.andi %add3A_725, %and3A_732 : i32
    %dma_start3A_734 = arith.constant 1 : i32
    %dma_start3A_735 = arith.constant 0 : i32
    %dma_start3A_736 = tpu.memref_slice %arg4[%dma_start3A_734, %dma_start3A_735] : memref<2x32768xf32, #tpu.memory_space<vmem>> -> memref<1x32768xf32, #tpu.memory_space<vmem>>
    %dma_start3A_737 = tpu.memref_squeeze %dma_start3A_736 : memref<1x32768xf32, #tpu.memory_space<vmem>> -> memref<32768xf32, #tpu.memory_space<vmem>>
    %dma_start3A_738 = arith.constant 229376 : i32
    %dma_start3A_739 = tpu.memref_slice %arg3[%shift_right_arithmetic3A_727, %and3A_731, %and3A_733, %dma_start3A_738] : memref<8x4x2x262144xf32, #tpu.memory_space<hbm>> -> memref<1x1x1x32768xf32, #tpu.memory_space<hbm>>
    %dma_start3A_740 = tpu.memref_squeeze %dma_start3A_739 : memref<1x1x1x32768xf32, #tpu.memory_space<hbm>> -> memref<32768xf32, #tpu.memory_space<hbm>>
    %dma_start3A_741 = arith.constant 229376 : i32
    %dma_start3A_742 = tpu.memref_slice %arg3[%shift_right_arithmetic3A_727, %and3A_731, %and3A_733, %dma_start3A_741] : memref<8x4x2x262144xf32, #tpu.memory_space<hbm>> -> memref<1x1x1x32768xf32, #tpu.memory_space<hbm>>
    %dma_start3A_743 = tpu.memref_squeeze %dma_start3A_742 : memref<1x1x1x32768xf32, #tpu.memory_space<hbm>> -> memref<32768xf32, #tpu.memory_space<hbm>>
    %dma_start3A_744 = arith.constant 0 : i32
    %dma_start3A_745 = tpu.memref_slice %arg4[%dma_start3A_734, %dma_start3A_744] : memref<2x32768xf32, #tpu.memory_space<vmem>> -> memref<1x32768xf32, #tpu.memory_space<vmem>>
    %dma_start3A_746 = tpu.memref_squeeze %dma_start3A_745 : memref<1x32768xf32, #tpu.memory_space<vmem>> -> memref<32768xf32, #tpu.memory_space<vmem>>
    tpu.enqueue_dma source(%dma_start3A_746 : memref<32768xf32, #tpu.memory_space<vmem>>) target(%dma_start3A_743 : memref<32768xf32, #tpu.memory_space<hbm>>) target_semaphore(%arg8 : memref<!tpu.dma_semaphore, #tpu.memory_space<semaphore_mem>>)
    %mul3A_747 = arith.constant 2 : i32
    %mul3A_748 = arith.muli %add3A, %mul3A_747 : i32
    %add3A_749 = arith.constant 0 : i32
    %add3A_750 = arith.addi %mul3A_748, %add3A_749 : i32
    %shift_right_arithmetic3A_751 = arith.constant 3 : i32
    %shift_right_arithmetic3A_752 = arith.shrsi %add3A_750, %shift_right_arithmetic3A_751 : i32
    %shift_right_arithmetic3A_753 = arith.constant 1 : i32
    %shift_right_arithmetic3A_754 = arith.shrsi %add3A_750, %shift_right_arithmetic3A_753 : i32
    %and3A_755 = arith.constant 3 : i32
    %and3A_756 = arith.andi %shift_right_arithmetic3A_754, %and3A_755 : i32
    %and3A_757 = arith.constant 1 : i32
    %and3A_758 = arith.andi %add3A_750, %and3A_757 : i32
    %dma_wait3A_759 = arith.constant 0 : i32
    %dma_wait3A_760 = arith.constant 0 : i32
    %dma_wait3A_761 = tpu.memref_slice %arg4[%dma_wait3A_759, %dma_wait3A_760] : memref<2x32768xf32, #tpu.memory_space<vmem>> -> memref<1x32768xf32, #tpu.memory_space<vmem>>
    %dma_wait3A_762 = tpu.memref_squeeze %dma_wait3A_761 : memref<1x32768xf32, #tpu.memory_space<vmem>> -> memref<32768xf32, #tpu.memory_space<vmem>>
    %dma_wait3A_763 = arith.constant 196608 : i32
    %dma_wait3A_764 = tpu.memref_slice %arg3[%shift_right_arithmetic3A_752, %and3A_756, %and3A_758, %dma_wait3A_763] : memref<8x4x2x262144xf32, #tpu.memory_space<hbm>> -> memref<1x1x1x32768xf32, #tpu.memory_space<hbm>>
    %dma_wait3A_765 = tpu.memref_squeeze %dma_wait3A_764 : memref<1x1x1x32768xf32, #tpu.memory_space<hbm>> -> memref<32768xf32, #tpu.memory_space<hbm>>
    %dma_wait3A_766 = arith.constant 196608 : i32
    %dma_wait3A_767 = tpu.memref_slice %arg3[%shift_right_arithmetic3A_752, %and3A_756, %and3A_758, %dma_wait3A_766] : memref<8x4x2x262144xf32, #tpu.memory_space<hbm>> -> memref<1x1x1x32768xf32, #tpu.memory_space<hbm>>
    %dma_wait3A_768 = tpu.memref_squeeze %dma_wait3A_767 : memref<1x1x1x32768xf32, #tpu.memory_space<hbm>> -> memref<32768xf32, #tpu.memory_space<hbm>>
    %dma_wait3A_769 = arith.constant 0 : i32
    %dma_wait3A_770 = tpu.memref_slice %arg4[%dma_wait3A_759, %dma_wait3A_769] : memref<2x32768xf32, #tpu.memory_space<vmem>> -> memref<1x32768xf32, #tpu.memory_space<vmem>>
    %dma_wait3A_771 = tpu.memref_squeeze %dma_wait3A_770 : memref<1x32768xf32, #tpu.memory_space<vmem>> -> memref<32768xf32, #tpu.memory_space<vmem>>
    tpu.wait_dma2 semaphore(%arg7 : memref<!tpu.dma_semaphore, #tpu.memory_space<semaphore_mem>>) src(%dma_wait3A_771 : memref<32768xf32, #tpu.memory_space<vmem>>) dst(%dma_wait3A_768 : memref<32768xf32, #tpu.memory_space<hbm>>)
    %mul3A_772 = arith.constant 2 : i32
    %mul3A_773 = arith.muli %add3A, %mul3A_772 : i32
    %add3A_774 = arith.constant 1 : i32
    %add3A_775 = arith.addi %mul3A_773, %add3A_774 : i32
    %shift_right_arithmetic3A_776 = arith.constant 3 : i32
    %shift_right_arithmetic3A_777 = arith.shrsi %add3A_775, %shift_right_arithmetic3A_776 : i32
    %shift_right_arithmetic3A_778 = arith.constant 1 : i32
    %shift_right_arithmetic3A_779 = arith.shrsi %add3A_775, %shift_right_arithmetic3A_778 : i32
    %and3A_780 = arith.constant 3 : i32
    %and3A_781 = arith.andi %shift_right_arithmetic3A_779, %and3A_780 : i32
    %and3A_782 = arith.constant 1 : i32
    %and3A_783 = arith.andi %add3A_775, %and3A_782 : i32
    %dma_start3A_784 = arith.constant 0 : i32
    %dma_start3A_785 = arith.constant 0 : i32
    %dma_start3A_786 = tpu.memref_slice %arg4[%dma_start3A_784, %dma_start3A_785] : memref<2x32768xf32, #tpu.memory_space<vmem>> -> memref<1x32768xf32, #tpu.memory_space<vmem>>
    %dma_start3A_787 = tpu.memref_squeeze %dma_start3A_786 : memref<1x32768xf32, #tpu.memory_space<vmem>> -> memref<32768xf32, #tpu.memory_space<vmem>>
    %dma_start3A_788 = arith.constant 0 : i32
    %dma_start3A_789 = tpu.memref_slice %arg2[%shift_right_arithmetic3A_777, %and3A_781, %and3A_783, %dma_start3A_788] : memref<8x4x2x262144xf32, #tpu.memory_space<hbm>> -> memref<1x1x1x32768xf32, #tpu.memory_space<hbm>>
    %dma_start3A_790 = tpu.memref_squeeze %dma_start3A_789 : memref<1x1x1x32768xf32, #tpu.memory_space<hbm>> -> memref<32768xf32, #tpu.memory_space<hbm>>
    %dma_start3A_791 = arith.constant 0 : i32
    %dma_start3A_792 = tpu.memref_slice %arg4[%dma_start3A_784, %dma_start3A_791] : memref<2x32768xf32, #tpu.memory_space<vmem>> -> memref<1x32768xf32, #tpu.memory_space<vmem>>
    %dma_start3A_793 = tpu.memref_squeeze %dma_start3A_792 : memref<1x32768xf32, #tpu.memory_space<vmem>> -> memref<32768xf32, #tpu.memory_space<vmem>>
    %dma_start3A_794 = arith.constant 0 : i32
    %dma_start3A_795 = tpu.memref_slice %arg2[%shift_right_arithmetic3A_777, %and3A_781, %and3A_783, %dma_start3A_794] : memref<8x4x2x262144xf32, #tpu.memory_space<hbm>> -> memref<1x1x1x32768xf32, #tpu.memory_space<hbm>>
    %dma_start3A_796 = tpu.memref_squeeze %dma_start3A_795 : memref<1x1x1x32768xf32, #tpu.memory_space<hbm>> -> memref<32768xf32, #tpu.memory_space<hbm>>
    tpu.enqueue_dma source(%dma_start3A_796 : memref<32768xf32, #tpu.memory_space<hbm>>) target(%dma_start3A_793 : memref<32768xf32, #tpu.memory_space<vmem>>) target_semaphore(%arg5 : memref<!tpu.dma_semaphore, #tpu.memory_space<semaphore_mem>>)
    %mul3A_797 = arith.constant 2 : i32
    %mul3A_798 = arith.muli %add3A, %mul3A_797 : i32
    %add3A_799 = arith.constant 1 : i32
    %add3A_800 = arith.addi %mul3A_798, %add3A_799 : i32
    %shift_right_arithmetic3A_801 = arith.constant 3 : i32
    %shift_right_arithmetic3A_802 = arith.shrsi %add3A_800, %shift_right_arithmetic3A_801 : i32
    %shift_right_arithmetic3A_803 = arith.constant 1 : i32
    %shift_right_arithmetic3A_804 = arith.shrsi %add3A_800, %shift_right_arithmetic3A_803 : i32
    %and3A_805 = arith.constant 3 : i32
    %and3A_806 = arith.andi %shift_right_arithmetic3A_804, %and3A_805 : i32
    %and3A_807 = arith.constant 1 : i32
    %and3A_808 = arith.andi %add3A_800, %and3A_807 : i32
    %dma_wait3A_809 = arith.constant 0 : i32
    %dma_wait3A_810 = arith.constant 0 : i32
    %dma_wait3A_811 = tpu.memref_slice %arg4[%dma_wait3A_809, %dma_wait3A_810] : memref<2x32768xf32, #tpu.memory_space<vmem>> -> memref<1x32768xf32, #tpu.memory_space<vmem>>
    %dma_wait3A_812 = tpu.memref_squeeze %dma_wait3A_811 : memref<1x32768xf32, #tpu.memory_space<vmem>> -> memref<32768xf32, #tpu.memory_space<vmem>>
    %dma_wait3A_813 = arith.constant 0 : i32
    %dma_wait3A_814 = tpu.memref_slice %arg2[%shift_right_arithmetic3A_802, %and3A_806, %and3A_808, %dma_wait3A_813] : memref<8x4x2x262144xf32, #tpu.memory_space<hbm>> -> memref<1x1x1x32768xf32, #tpu.memory_space<hbm>>
    %dma_wait3A_815 = tpu.memref_squeeze %dma_wait3A_814 : memref<1x1x1x32768xf32, #tpu.memory_space<hbm>> -> memref<32768xf32, #tpu.memory_space<hbm>>
    %dma_wait3A_816 = arith.constant 0 : i32
    %dma_wait3A_817 = tpu.memref_slice %arg4[%dma_wait3A_809, %dma_wait3A_816] : memref<2x32768xf32, #tpu.memory_space<vmem>> -> memref<1x32768xf32, #tpu.memory_space<vmem>>
    %dma_wait3A_818 = tpu.memref_squeeze %dma_wait3A_817 : memref<1x32768xf32, #tpu.memory_space<vmem>> -> memref<32768xf32, #tpu.memory_space<vmem>>
    %dma_wait3A_819 = arith.constant 0 : i32
    %dma_wait3A_820 = tpu.memref_slice %arg2[%shift_right_arithmetic3A_802, %and3A_806, %and3A_808, %dma_wait3A_819] : memref<8x4x2x262144xf32, #tpu.memory_space<hbm>> -> memref<1x1x1x32768xf32, #tpu.memory_space<hbm>>
    %dma_wait3A_821 = tpu.memref_squeeze %dma_wait3A_820 : memref<1x1x1x32768xf32, #tpu.memory_space<hbm>> -> memref<32768xf32, #tpu.memory_space<hbm>>
    tpu.wait_dma2 semaphore(%arg5 : memref<!tpu.dma_semaphore, #tpu.memory_space<semaphore_mem>>) src(%dma_wait3A_821 : memref<32768xf32, #tpu.memory_space<hbm>>) dst(%dma_wait3A_818 : memref<32768xf32, #tpu.memory_space<vmem>>)
    %mul3A_822 = arith.constant 2 : i32
    %mul3A_823 = arith.muli %add3A, %mul3A_822 : i32
    %add3A_824 = arith.constant 1 : i32
    %add3A_825 = arith.addi %mul3A_823, %add3A_824 : i32
    %shift_right_arithmetic3A_826 = arith.constant 3 : i32
    %shift_right_arithmetic3A_827 = arith.shrsi %add3A_825, %shift_right_arithmetic3A_826 : i32
    %shift_right_arithmetic3A_828 = arith.constant 1 : i32
    %shift_right_arithmetic3A_829 = arith.shrsi %add3A_825, %shift_right_arithmetic3A_828 : i32
    %and3A_830 = arith.constant 3 : i32
    %and3A_831 = arith.andi %shift_right_arithmetic3A_829, %and3A_830 : i32
    %and3A_832 = arith.constant 1 : i32
    %and3A_833 = arith.andi %add3A_825, %and3A_832 : i32
    %dma_start3A_834 = arith.constant 0 : i32
    %dma_start3A_835 = arith.constant 0 : i32
    %dma_start3A_836 = tpu.memref_slice %arg4[%dma_start3A_834, %dma_start3A_835] : memref<2x32768xf32, #tpu.memory_space<vmem>> -> memref<1x32768xf32, #tpu.memory_space<vmem>>
    %dma_start3A_837 = tpu.memref_squeeze %dma_start3A_836 : memref<1x32768xf32, #tpu.memory_space<vmem>> -> memref<32768xf32, #tpu.memory_space<vmem>>
    %dma_start3A_838 = arith.constant 0 : i32
    %dma_start3A_839 = tpu.memref_slice %arg3[%shift_right_arithmetic3A_827, %and3A_831, %and3A_833, %dma_start3A_838] : memref<8x4x2x262144xf32, #tpu.memory_space<hbm>> -> memref<1x1x1x32768xf32, #tpu.memory_space<hbm>>
    %dma_start3A_840 = tpu.memref_squeeze %dma_start3A_839 : memref<1x1x1x32768xf32, #tpu.memory_space<hbm>> -> memref<32768xf32, #tpu.memory_space<hbm>>
    %dma_start3A_841 = arith.constant 0 : i32
    %dma_start3A_842 = tpu.memref_slice %arg3[%shift_right_arithmetic3A_827, %and3A_831, %and3A_833, %dma_start3A_841] : memref<8x4x2x262144xf32, #tpu.memory_space<hbm>> -> memref<1x1x1x32768xf32, #tpu.memory_space<hbm>>
    %dma_start3A_843 = tpu.memref_squeeze %dma_start3A_842 : memref<1x1x1x32768xf32, #tpu.memory_space<hbm>> -> memref<32768xf32, #tpu.memory_space<hbm>>
    %dma_start3A_844 = arith.constant 0 : i32
    %dma_start3A_845 = tpu.memref_slice %arg4[%dma_start3A_834, %dma_start3A_844] : memref<2x32768xf32, #tpu.memory_space<vmem>> -> memref<1x32768xf32, #tpu.memory_space<vmem>>
    %dma_start3A_846 = tpu.memref_squeeze %dma_start3A_845 : memref<1x32768xf32, #tpu.memory_space<vmem>> -> memref<32768xf32, #tpu.memory_space<vmem>>
    tpu.enqueue_dma source(%dma_start3A_846 : memref<32768xf32, #tpu.memory_space<vmem>>) target(%dma_start3A_843 : memref<32768xf32, #tpu.memory_space<hbm>>) target_semaphore(%arg7 : memref<!tpu.dma_semaphore, #tpu.memory_space<semaphore_mem>>)
    %mul3A_847 = arith.constant 2 : i32
    %mul3A_848 = arith.muli %add3A, %mul3A_847 : i32
    %add3A_849 = arith.constant 0 : i32
    %add3A_850 = arith.addi %mul3A_848, %add3A_849 : i32
    %shift_right_arithmetic3A_851 = arith.constant 3 : i32
    %shift_right_arithmetic3A_852 = arith.shrsi %add3A_850, %shift_right_arithmetic3A_851 : i32
    %shift_right_arithmetic3A_853 = arith.constant 1 : i32
    %shift_right_arithmetic3A_854 = arith.shrsi %add3A_850, %shift_right_arithmetic3A_853 : i32
    %and3A_855 = arith.constant 3 : i32
    %and3A_856 = arith.andi %shift_right_arithmetic3A_854, %and3A_855 : i32
    %and3A_857 = arith.constant 1 : i32
    %and3A_858 = arith.andi %add3A_850, %and3A_857 : i32
    %dma_wait3A_859 = arith.constant 1 : i32
    %dma_wait3A_860 = arith.constant 0 : i32
    %dma_wait3A_861 = tpu.memref_slice %arg4[%dma_wait3A_859, %dma_wait3A_860] : memref<2x32768xf32, #tpu.memory_space<vmem>> -> memref<1x32768xf32, #tpu.memory_space<vmem>>
    %dma_wait3A_862 = tpu.memref_squeeze %dma_wait3A_861 : memref<1x32768xf32, #tpu.memory_space<vmem>> -> memref<32768xf32, #tpu.memory_space<vmem>>
    %dma_wait3A_863 = arith.constant 229376 : i32
    %dma_wait3A_864 = tpu.memref_slice %arg3[%shift_right_arithmetic3A_852, %and3A_856, %and3A_858, %dma_wait3A_863] : memref<8x4x2x262144xf32, #tpu.memory_space<hbm>> -> memref<1x1x1x32768xf32, #tpu.memory_space<hbm>>
    %dma_wait3A_865 = tpu.memref_squeeze %dma_wait3A_864 : memref<1x1x1x32768xf32, #tpu.memory_space<hbm>> -> memref<32768xf32, #tpu.memory_space<hbm>>
    %dma_wait3A_866 = arith.constant 229376 : i32
    %dma_wait3A_867 = tpu.memref_slice %arg3[%shift_right_arithmetic3A_852, %and3A_856, %and3A_858, %dma_wait3A_866] : memref<8x4x2x262144xf32, #tpu.memory_space<hbm>> -> memref<1x1x1x32768xf32, #tpu.memory_space<hbm>>
    %dma_wait3A_868 = tpu.memref_squeeze %dma_wait3A_867 : memref<1x1x1x32768xf32, #tpu.memory_space<hbm>> -> memref<32768xf32, #tpu.memory_space<hbm>>
    %dma_wait3A_869 = arith.constant 0 : i32
    %dma_wait3A_870 = tpu.memref_slice %arg4[%dma_wait3A_859, %dma_wait3A_869] : memref<2x32768xf32, #tpu.memory_space<vmem>> -> memref<1x32768xf32, #tpu.memory_space<vmem>>
    %dma_wait3A_871 = tpu.memref_squeeze %dma_wait3A_870 : memref<1x32768xf32, #tpu.memory_space<vmem>> -> memref<32768xf32, #tpu.memory_space<vmem>>
    tpu.wait_dma2 semaphore(%arg8 : memref<!tpu.dma_semaphore, #tpu.memory_space<semaphore_mem>>) src(%dma_wait3A_871 : memref<32768xf32, #tpu.memory_space<vmem>>) dst(%dma_wait3A_868 : memref<32768xf32, #tpu.memory_space<hbm>>)
    %mul3A_872 = arith.constant 2 : i32
    %mul3A_873 = arith.muli %add3A, %mul3A_872 : i32
    %add3A_874 = arith.constant 1 : i32
    %add3A_875 = arith.addi %mul3A_873, %add3A_874 : i32
    %shift_right_arithmetic3A_876 = arith.constant 3 : i32
    %shift_right_arithmetic3A_877 = arith.shrsi %add3A_875, %shift_right_arithmetic3A_876 : i32
    %shift_right_arithmetic3A_878 = arith.constant 1 : i32
    %shift_right_arithmetic3A_879 = arith.shrsi %add3A_875, %shift_right_arithmetic3A_878 : i32
    %and3A_880 = arith.constant 3 : i32
    %and3A_881 = arith.andi %shift_right_arithmetic3A_879, %and3A_880 : i32
    %and3A_882 = arith.constant 1 : i32
    %and3A_883 = arith.andi %add3A_875, %and3A_882 : i32
    %dma_start3A_884 = arith.constant 1 : i32
    %dma_start3A_885 = arith.constant 0 : i32
    %dma_start3A_886 = tpu.memref_slice %arg4[%dma_start3A_884, %dma_start3A_885] : memref<2x32768xf32, #tpu.memory_space<vmem>> -> memref<1x32768xf32, #tpu.memory_space<vmem>>
    %dma_start3A_887 = tpu.memref_squeeze %dma_start3A_886 : memref<1x32768xf32, #tpu.memory_space<vmem>> -> memref<32768xf32, #tpu.memory_space<vmem>>
    %dma_start3A_888 = arith.constant 32768 : i32
    %dma_start3A_889 = tpu.memref_slice %arg2[%shift_right_arithmetic3A_877, %and3A_881, %and3A_883, %dma_start3A_888] : memref<8x4x2x262144xf32, #tpu.memory_space<hbm>> -> memref<1x1x1x32768xf32, #tpu.memory_space<hbm>>
    %dma_start3A_890 = tpu.memref_squeeze %dma_start3A_889 : memref<1x1x1x32768xf32, #tpu.memory_space<hbm>> -> memref<32768xf32, #tpu.memory_space<hbm>>
    %dma_start3A_891 = arith.constant 0 : i32
    %dma_start3A_892 = tpu.memref_slice %arg4[%dma_start3A_884, %dma_start3A_891] : memref<2x32768xf32, #tpu.memory_space<vmem>> -> memref<1x32768xf32, #tpu.memory_space<vmem>>
    %dma_start3A_893 = tpu.memref_squeeze %dma_start3A_892 : memref<1x32768xf32, #tpu.memory_space<vmem>> -> memref<32768xf32, #tpu.memory_space<vmem>>
    %dma_start3A_894 = arith.constant 32768 : i32
    %dma_start3A_895 = tpu.memref_slice %arg2[%shift_right_arithmetic3A_877, %and3A_881, %and3A_883, %dma_start3A_894] : memref<8x4x2x262144xf32, #tpu.memory_space<hbm>> -> memref<1x1x1x32768xf32, #tpu.memory_space<hbm>>
    %dma_start3A_896 = tpu.memref_squeeze %dma_start3A_895 : memref<1x1x1x32768xf32, #tpu.memory_space<hbm>> -> memref<32768xf32, #tpu.memory_space<hbm>>
    tpu.enqueue_dma source(%dma_start3A_896 : memref<32768xf32, #tpu.memory_space<hbm>>) target(%dma_start3A_893 : memref<32768xf32, #tpu.memory_space<vmem>>) target_semaphore(%arg6 : memref<!tpu.dma_semaphore, #tpu.memory_space<semaphore_mem>>)
    %mul3A_897 = arith.constant 2 : i32
    %mul3A_898 = arith.muli %add3A, %mul3A_897 : i32
    %add3A_899 = arith.constant 1 : i32
    %add3A_900 = arith.addi %mul3A_898, %add3A_899 : i32
    %shift_right_arithmetic3A_901 = arith.constant 3 : i32
    %shift_right_arithmetic3A_902 = arith.shrsi %add3A_900, %shift_right_arithmetic3A_901 : i32
    %shift_right_arithmetic3A_903 = arith.constant 1 : i32
    %shift_right_arithmetic3A_904 = arith.shrsi %add3A_900, %shift_right_arithmetic3A_903 : i32
    %and3A_905 = arith.constant 3 : i32
    %and3A_906 = arith.andi %shift_right_arithmetic3A_904, %and3A_905 : i32
    %and3A_907 = arith.constant 1 : i32
    %and3A_908 = arith.andi %add3A_900, %and3A_907 : i32
    %dma_wait3A_909 = arith.constant 1 : i32
    %dma_wait3A_910 = arith.constant 0 : i32
    %dma_wait3A_911 = tpu.memref_slice %arg4[%dma_wait3A_909, %dma_wait3A_910] : memref<2x32768xf32, #tpu.memory_space<vmem>> -> memref<1x32768xf32, #tpu.memory_space<vmem>>
    %dma_wait3A_912 = tpu.memref_squeeze %dma_wait3A_911 : memref<1x32768xf32, #tpu.memory_space<vmem>> -> memref<32768xf32, #tpu.memory_space<vmem>>
    %dma_wait3A_913 = arith.constant 32768 : i32
    %dma_wait3A_914 = tpu.memref_slice %arg2[%shift_right_arithmetic3A_902, %and3A_906, %and3A_908, %dma_wait3A_913] : memref<8x4x2x262144xf32, #tpu.memory_space<hbm>> -> memref<1x1x1x32768xf32, #tpu.memory_space<hbm>>
    %dma_wait3A_915 = tpu.memref_squeeze %dma_wait3A_914 : memref<1x1x1x32768xf32, #tpu.memory_space<hbm>> -> memref<32768xf32, #tpu.memory_space<hbm>>
    %dma_wait3A_916 = arith.constant 0 : i32
    %dma_wait3A_917 = tpu.memref_slice %arg4[%dma_wait3A_909, %dma_wait3A_916] : memref<2x32768xf32, #tpu.memory_space<vmem>> -> memref<1x32768xf32, #tpu.memory_space<vmem>>
    %dma_wait3A_918 = tpu.memref_squeeze %dma_wait3A_917 : memref<1x32768xf32, #tpu.memory_space<vmem>> -> memref<32768xf32, #tpu.memory_space<vmem>>
    %dma_wait3A_919 = arith.constant 32768 : i32
    %dma_wait3A_920 = tpu.memref_slice %arg2[%shift_right_arithmetic3A_902, %and3A_906, %and3A_908, %dma_wait3A_919] : memref<8x4x2x262144xf32, #tpu.memory_space<hbm>> -> memref<1x1x1x32768xf32, #tpu.memory_space<hbm>>
    %dma_wait3A_921 = tpu.memref_squeeze %dma_wait3A_920 : memref<1x1x1x32768xf32, #tpu.memory_space<hbm>> -> memref<32768xf32, #tpu.memory_space<hbm>>
    tpu.wait_dma2 semaphore(%arg6 : memref<!tpu.dma_semaphore, #tpu.memory_space<semaphore_mem>>) src(%dma_wait3A_921 : memref<32768xf32, #tpu.memory_space<hbm>>) dst(%dma_wait3A_918 : memref<32768xf32, #tpu.memory_space<vmem>>)
    %mul3A_922 = arith.constant 2 : i32
    %mul3A_923 = arith.muli %add3A, %mul3A_922 : i32
    %add3A_924 = arith.constant 1 : i32
    %add3A_925 = arith.addi %mul3A_923, %add3A_924 : i32
    %shift_right_arithmetic3A_926 = arith.constant 3 : i32
    %shift_right_arithmetic3A_927 = arith.shrsi %add3A_925, %shift_right_arithmetic3A_926 : i32
    %shift_right_arithmetic3A_928 = arith.constant 1 : i32
    %shift_right_arithmetic3A_929 = arith.shrsi %add3A_925, %shift_right_arithmetic3A_928 : i32
    %and3A_930 = arith.constant 3 : i32
    %and3A_931 = arith.andi %shift_right_arithmetic3A_929, %and3A_930 : i32
    %and3A_932 = arith.constant 1 : i32
    %and3A_933 = arith.andi %add3A_925, %and3A_932 : i32
    %dma_start3A_934 = arith.constant 1 : i32
    %dma_start3A_935 = arith.constant 0 : i32
    %dma_start3A_936 = tpu.memref_slice %arg4[%dma_start3A_934, %dma_start3A_935] : memref<2x32768xf32, #tpu.memory_space<vmem>> -> memref<1x32768xf32, #tpu.memory_space<vmem>>
    %dma_start3A_937 = tpu.memref_squeeze %dma_start3A_936 : memref<1x32768xf32, #tpu.memory_space<vmem>> -> memref<32768xf32, #tpu.memory_space<vmem>>
    %dma_start3A_938 = arith.constant 32768 : i32
    %dma_start3A_939 = tpu.memref_slice %arg3[%shift_right_arithmetic3A_927, %and3A_931, %and3A_933, %dma_start3A_938] : memref<8x4x2x262144xf32, #tpu.memory_space<hbm>> -> memref<1x1x1x32768xf32, #tpu.memory_space<hbm>>
    %dma_start3A_940 = tpu.memref_squeeze %dma_start3A_939 : memref<1x1x1x32768xf32, #tpu.memory_space<hbm>> -> memref<32768xf32, #tpu.memory_space<hbm>>
    %dma_start3A_941 = arith.constant 32768 : i32
    %dma_start3A_942 = tpu.memref_slice %arg3[%shift_right_arithmetic3A_927, %and3A_931, %and3A_933, %dma_start3A_941] : memref<8x4x2x262144xf32, #tpu.memory_space<hbm>> -> memref<1x1x1x32768xf32, #tpu.memory_space<hbm>>
    %dma_start3A_943 = tpu.memref_squeeze %dma_start3A_942 : memref<1x1x1x32768xf32, #tpu.memory_space<hbm>> -> memref<32768xf32, #tpu.memory_space<hbm>>
    %dma_start3A_944 = arith.constant 0 : i32
    %dma_start3A_945 = tpu.memref_slice %arg4[%dma_start3A_934, %dma_start3A_944] : memref<2x32768xf32, #tpu.memory_space<vmem>> -> memref<1x32768xf32, #tpu.memory_space<vmem>>
    %dma_start3A_946 = tpu.memref_squeeze %dma_start3A_945 : memref<1x32768xf32, #tpu.memory_space<vmem>> -> memref<32768xf32, #tpu.memory_space<vmem>>
    tpu.enqueue_dma source(%dma_start3A_946 : memref<32768xf32, #tpu.memory_space<vmem>>) target(%dma_start3A_943 : memref<32768xf32, #tpu.memory_space<hbm>>) target_semaphore(%arg8 : memref<!tpu.dma_semaphore, #tpu.memory_space<semaphore_mem>>)
    %mul3A_947 = arith.constant 2 : i32
    %mul3A_948 = arith.muli %add3A, %mul3A_947 : i32
    %add3A_949 = arith.constant 1 : i32
    %add3A_950 = arith.addi %mul3A_948, %add3A_949 : i32
    %shift_right_arithmetic3A_951 = arith.constant 3 : i32
    %shift_right_arithmetic3A_952 = arith.shrsi %add3A_950, %shift_right_arithmetic3A_951 : i32
    %shift_right_arithmetic3A_953 = arith.constant 1 : i32
    %shift_right_arithmetic3A_954 = arith.shrsi %add3A_950, %shift_right_arithmetic3A_953 : i32
    %and3A_955 = arith.constant 3 : i32
    %and3A_956 = arith.andi %shift_right_arithmetic3A_954, %and3A_955 : i32
    %and3A_957 = arith.constant 1 : i32
    %and3A_958 = arith.andi %add3A_950, %and3A_957 : i32
    %dma_wait3A_959 = arith.constant 0 : i32
    %dma_wait3A_960 = arith.constant 0 : i32
    %dma_wait3A_961 = tpu.memref_slice %arg4[%dma_wait3A_959, %dma_wait3A_960] : memref<2x32768xf32, #tpu.memory_space<vmem>> -> memref<1x32768xf32, #tpu.memory_space<vmem>>
    %dma_wait3A_962 = tpu.memref_squeeze %dma_wait3A_961 : memref<1x32768xf32, #tpu.memory_space<vmem>> -> memref<32768xf32, #tpu.memory_space<vmem>>
    %dma_wait3A_963 = arith.constant 0 : i32
    %dma_wait3A_964 = tpu.memref_slice %arg3[%shift_right_arithmetic3A_952, %and3A_956, %and3A_958, %dma_wait3A_963] : memref<8x4x2x262144xf32, #tpu.memory_space<hbm>> -> memref<1x1x1x32768xf32, #tpu.memory_space<hbm>>
    %dma_wait3A_965 = tpu.memref_squeeze %dma_wait3A_964 : memref<1x1x1x32768xf32, #tpu.memory_space<hbm>> -> memref<32768xf32, #tpu.memory_space<hbm>>
    %dma_wait3A_966 = arith.constant 0 : i32
    %dma_wait3A_967 = tpu.memref_slice %arg3[%shift_right_arithmetic3A_952, %and3A_956, %and3A_958, %dma_wait3A_966] : memref<8x4x2x262144xf32, #tpu.memory_space<hbm>> -> memref<1x1x1x32768xf32, #tpu.memory_space<hbm>>
    %dma_wait3A_968 = tpu.memref_squeeze %dma_wait3A_967 : memref<1x1x1x32768xf32, #tpu.memory_space<hbm>> -> memref<32768xf32, #tpu.memory_space<hbm>>
    %dma_wait3A_969 = arith.constant 0 : i32
    %dma_wait3A_970 = tpu.memref_slice %arg4[%dma_wait3A_959, %dma_wait3A_969] : memref<2x32768xf32, #tpu.memory_space<vmem>> -> memref<1x32768xf32, #tpu.memory_space<vmem>>
    %dma_wait3A_971 = tpu.memref_squeeze %dma_wait3A_970 : memref<1x32768xf32, #tpu.memory_space<vmem>> -> memref<32768xf32, #tpu.memory_space<vmem>>
    tpu.wait_dma2 semaphore(%arg7 : memref<!tpu.dma_semaphore, #tpu.memory_space<semaphore_mem>>) src(%dma_wait3A_971 : memref<32768xf32, #tpu.memory_space<vmem>>) dst(%dma_wait3A_968 : memref<32768xf32, #tpu.memory_space<hbm>>)
    %mul3A_972 = arith.constant 2 : i32
    %mul3A_973 = arith.muli %add3A, %mul3A_972 : i32
    %add3A_974 = arith.constant 1 : i32
    %add3A_975 = arith.addi %mul3A_973, %add3A_974 : i32
    %shift_right_arithmetic3A_976 = arith.constant 3 : i32
    %shift_right_arithmetic3A_977 = arith.shrsi %add3A_975, %shift_right_arithmetic3A_976 : i32
    %shift_right_arithmetic3A_978 = arith.constant 1 : i32
    %shift_right_arithmetic3A_979 = arith.shrsi %add3A_975, %shift_right_arithmetic3A_978 : i32
    %and3A_980 = arith.constant 3 : i32
    %and3A_981 = arith.andi %shift_right_arithmetic3A_979, %and3A_980 : i32
    %and3A_982 = arith.constant 1 : i32
    %and3A_983 = arith.andi %add3A_975, %and3A_982 : i32
    %dma_start3A_984 = arith.constant 0 : i32
    %dma_start3A_985 = arith.constant 0 : i32
    %dma_start3A_986 = tpu.memref_slice %arg4[%dma_start3A_984, %dma_start3A_985] : memref<2x32768xf32, #tpu.memory_space<vmem>> -> memref<1x32768xf32, #tpu.memory_space<vmem>>
    %dma_start3A_987 = tpu.memref_squeeze %dma_start3A_986 : memref<1x32768xf32, #tpu.memory_space<vmem>> -> memref<32768xf32, #tpu.memory_space<vmem>>
    %dma_start3A_988 = arith.constant 65536 : i32
    %dma_start3A_989 = tpu.memref_slice %arg2[%shift_right_arithmetic3A_977, %and3A_981, %and3A_983, %dma_start3A_988] : memref<8x4x2x262144xf32, #tpu.memory_space<hbm>> -> memref<1x1x1x32768xf32, #tpu.memory_space<hbm>>
    %dma_start3A_990 = tpu.memref_squeeze %dma_start3A_989 : memref<1x1x1x32768xf32, #tpu.memory_space<hbm>> -> memref<32768xf32, #tpu.memory_space<hbm>>
    %dma_start3A_991 = arith.constant 0 : i32
    %dma_start3A_992 = tpu.memref_slice %arg4[%dma_start3A_984, %dma_start3A_991] : memref<2x32768xf32, #tpu.memory_space<vmem>> -> memref<1x32768xf32, #tpu.memory_space<vmem>>
    %dma_start3A_993 = tpu.memref_squeeze %dma_start3A_992 : memref<1x32768xf32, #tpu.memory_space<vmem>> -> memref<32768xf32, #tpu.memory_space<vmem>>
    %dma_start3A_994 = arith.constant 65536 : i32
    %dma_start3A_995 = tpu.memref_slice %arg2[%shift_right_arithmetic3A_977, %and3A_981, %and3A_983, %dma_start3A_994] : memref<8x4x2x262144xf32, #tpu.memory_space<hbm>> -> memref<1x1x1x32768xf32, #tpu.memory_space<hbm>>
    %dma_start3A_996 = tpu.memref_squeeze %dma_start3A_995 : memref<1x1x1x32768xf32, #tpu.memory_space<hbm>> -> memref<32768xf32, #tpu.memory_space<hbm>>
    tpu.enqueue_dma source(%dma_start3A_996 : memref<32768xf32, #tpu.memory_space<hbm>>) target(%dma_start3A_993 : memref<32768xf32, #tpu.memory_space<vmem>>) target_semaphore(%arg5 : memref<!tpu.dma_semaphore, #tpu.memory_space<semaphore_mem>>)
    %mul3A_997 = arith.constant 2 : i32
    %mul3A_998 = arith.muli %add3A, %mul3A_997 : i32
    %add3A_999 = arith.constant 1 : i32
    %add3A_1000 = arith.addi %mul3A_998, %add3A_999 : i32
    %shift_right_arithmetic3A_1001 = arith.constant 3 : i32
    %shift_right_arithmetic3A_1002 = arith.shrsi %add3A_1000, %shift_right_arithmetic3A_1001 : i32
    %shift_right_arithmetic3A_1003 = arith.constant 1 : i32
    %shift_right_arithmetic3A_1004 = arith.shrsi %add3A_1000, %shift_right_arithmetic3A_1003 : i32
    %and3A_1005 = arith.constant 3 : i32
    %and3A_1006 = arith.andi %shift_right_arithmetic3A_1004, %and3A_1005 : i32
    %and3A_1007 = arith.constant 1 : i32
    %and3A_1008 = arith.andi %add3A_1000, %and3A_1007 : i32
    %dma_wait3A_1009 = arith.constant 0 : i32
    %dma_wait3A_1010 = arith.constant 0 : i32
    %dma_wait3A_1011 = tpu.memref_slice %arg4[%dma_wait3A_1009, %dma_wait3A_1010] : memref<2x32768xf32, #tpu.memory_space<vmem>> -> memref<1x32768xf32, #tpu.memory_space<vmem>>
    %dma_wait3A_1012 = tpu.memref_squeeze %dma_wait3A_1011 : memref<1x32768xf32, #tpu.memory_space<vmem>> -> memref<32768xf32, #tpu.memory_space<vmem>>
    %dma_wait3A_1013 = arith.constant 65536 : i32
    %dma_wait3A_1014 = tpu.memref_slice %arg2[%shift_right_arithmetic3A_1002, %and3A_1006, %and3A_1008, %dma_wait3A_1013] : memref<8x4x2x262144xf32, #tpu.memory_space<hbm>> -> memref<1x1x1x32768xf32, #tpu.memory_space<hbm>>
    %dma_wait3A_1015 = tpu.memref_squeeze %dma_wait3A_1014 : memref<1x1x1x32768xf32, #tpu.memory_space<hbm>> -> memref<32768xf32, #tpu.memory_space<hbm>>
    %dma_wait3A_1016 = arith.constant 0 : i32
    %dma_wait3A_1017 = tpu.memref_slice %arg4[%dma_wait3A_1009, %dma_wait3A_1016] : memref<2x32768xf32, #tpu.memory_space<vmem>> -> memref<1x32768xf32, #tpu.memory_space<vmem>>
    %dma_wait3A_1018 = tpu.memref_squeeze %dma_wait3A_1017 : memref<1x32768xf32, #tpu.memory_space<vmem>> -> memref<32768xf32, #tpu.memory_space<vmem>>
    %dma_wait3A_1019 = arith.constant 65536 : i32
    %dma_wait3A_1020 = tpu.memref_slice %arg2[%shift_right_arithmetic3A_1002, %and3A_1006, %and3A_1008, %dma_wait3A_1019] : memref<8x4x2x262144xf32, #tpu.memory_space<hbm>> -> memref<1x1x1x32768xf32, #tpu.memory_space<hbm>>
    %dma_wait3A_1021 = tpu.memref_squeeze %dma_wait3A_1020 : memref<1x1x1x32768xf32, #tpu.memory_space<hbm>> -> memref<32768xf32, #tpu.memory_space<hbm>>
    tpu.wait_dma2 semaphore(%arg5 : memref<!tpu.dma_semaphore, #tpu.memory_space<semaphore_mem>>) src(%dma_wait3A_1021 : memref<32768xf32, #tpu.memory_space<hbm>>) dst(%dma_wait3A_1018 : memref<32768xf32, #tpu.memory_space<vmem>>)
    %mul3A_1022 = arith.constant 2 : i32
    %mul3A_1023 = arith.muli %add3A, %mul3A_1022 : i32
    %add3A_1024 = arith.constant 1 : i32
    %add3A_1025 = arith.addi %mul3A_1023, %add3A_1024 : i32
    %shift_right_arithmetic3A_1026 = arith.constant 3 : i32
    %shift_right_arithmetic3A_1027 = arith.shrsi %add3A_1025, %shift_right_arithmetic3A_1026 : i32
    %shift_right_arithmetic3A_1028 = arith.constant 1 : i32
    %shift_right_arithmetic3A_1029 = arith.shrsi %add3A_1025, %shift_right_arithmetic3A_1028 : i32
    %and3A_1030 = arith.constant 3 : i32
    %and3A_1031 = arith.andi %shift_right_arithmetic3A_1029, %and3A_1030 : i32
    %and3A_1032 = arith.constant 1 : i32
    %and3A_1033 = arith.andi %add3A_1025, %and3A_1032 : i32
    %dma_start3A_1034 = arith.constant 0 : i32
    %dma_start3A_1035 = arith.constant 0 : i32
    %dma_start3A_1036 = tpu.memref_slice %arg4[%dma_start3A_1034, %dma_start3A_1035] : memref<2x32768xf32, #tpu.memory_space<vmem>> -> memref<1x32768xf32, #tpu.memory_space<vmem>>
    %dma_start3A_1037 = tpu.memref_squeeze %dma_start3A_1036 : memref<1x32768xf32, #tpu.memory_space<vmem>> -> memref<32768xf32, #tpu.memory_space<vmem>>
    %dma_start3A_1038 = arith.constant 65536 : i32
    %dma_start3A_1039 = tpu.memref_slice %arg3[%shift_right_arithmetic3A_1027, %and3A_1031, %and3A_1033, %dma_start3A_1038] : memref<8x4x2x262144xf32, #tpu.memory_space<hbm>> -> memref<1x1x1x32768xf32, #tpu.memory_space<hbm>>
    %dma_start3A_1040 = tpu.memref_squeeze %dma_start3A_1039 : memref<1x1x1x32768xf32, #tpu.memory_space<hbm>> -> memref<32768xf32, #tpu.memory_space<hbm>>
    %dma_start3A_1041 = arith.constant 65536 : i32
    %dma_start3A_1042 = tpu.memref_slice %arg3[%shift_right_arithmetic3A_1027, %and3A_1031, %and3A_1033, %dma_start3A_1041] : memref<8x4x2x262144xf32, #tpu.memory_space<hbm>> -> memref<1x1x1x32768xf32, #tpu.memory_space<hbm>>
    %dma_start3A_1043 = tpu.memref_squeeze %dma_start3A_1042 : memref<1x1x1x32768xf32, #tpu.memory_space<hbm>> -> memref<32768xf32, #tpu.memory_space<hbm>>
    %dma_start3A_1044 = arith.constant 0 : i32
    %dma_start3A_1045 = tpu.memref_slice %arg4[%dma_start3A_1034, %dma_start3A_1044] : memref<2x32768xf32, #tpu.memory_space<vmem>> -> memref<1x32768xf32, #tpu.memory_space<vmem>>
    %dma_start3A_1046 = tpu.memref_squeeze %dma_start3A_1045 : memref<1x32768xf32, #tpu.memory_space<vmem>> -> memref<32768xf32, #tpu.memory_space<vmem>>
    tpu.enqueue_dma source(%dma_start3A_1046 : memref<32768xf32, #tpu.memory_space<vmem>>) target(%dma_start3A_1043 : memref<32768xf32, #tpu.memory_space<hbm>>) target_semaphore(%arg7 : memref<!tpu.dma_semaphore, #tpu.memory_space<semaphore_mem>>)
    %mul3A_1047 = arith.constant 2 : i32
    %mul3A_1048 = arith.muli %add3A, %mul3A_1047 : i32
    %add3A_1049 = arith.constant 1 : i32
    %add3A_1050 = arith.addi %mul3A_1048, %add3A_1049 : i32
    %shift_right_arithmetic3A_1051 = arith.constant 3 : i32
    %shift_right_arithmetic3A_1052 = arith.shrsi %add3A_1050, %shift_right_arithmetic3A_1051 : i32
    %shift_right_arithmetic3A_1053 = arith.constant 1 : i32
    %shift_right_arithmetic3A_1054 = arith.shrsi %add3A_1050, %shift_right_arithmetic3A_1053 : i32
    %and3A_1055 = arith.constant 3 : i32
    %and3A_1056 = arith.andi %shift_right_arithmetic3A_1054, %and3A_1055 : i32
    %and3A_1057 = arith.constant 1 : i32
    %and3A_1058 = arith.andi %add3A_1050, %and3A_1057 : i32
    %dma_wait3A_1059 = arith.constant 1 : i32
    %dma_wait3A_1060 = arith.constant 0 : i32
    %dma_wait3A_1061 = tpu.memref_slice %arg4[%dma_wait3A_1059, %dma_wait3A_1060] : memref<2x32768xf32, #tpu.memory_space<vmem>> -> memref<1x32768xf32, #tpu.memory_space<vmem>>
    %dma_wait3A_1062 = tpu.memref_squeeze %dma_wait3A_1061 : memref<1x32768xf32, #tpu.memory_space<vmem>> -> memref<32768xf32, #tpu.memory_space<vmem>>
    %dma_wait3A_1063 = arith.constant 32768 : i32
    %dma_wait3A_1064 = tpu.memref_slice %arg3[%shift_right_arithmetic3A_1052, %and3A_1056, %and3A_1058, %dma_wait3A_1063] : memref<8x4x2x262144xf32, #tpu.memory_space<hbm>> -> memref<1x1x1x32768xf32, #tpu.memory_space<hbm>>
    %dma_wait3A_1065 = tpu.memref_squeeze %dma_wait3A_1064 : memref<1x1x1x32768xf32, #tpu.memory_space<hbm>> -> memref<32768xf32, #tpu.memory_space<hbm>>
    %dma_wait3A_1066 = arith.constant 32768 : i32
    %dma_wait3A_1067 = tpu.memref_slice %arg3[%shift_right_arithmetic3A_1052, %and3A_1056, %and3A_1058, %dma_wait3A_1066] : memref<8x4x2x262144xf32, #tpu.memory_space<hbm>> -> memref<1x1x1x32768xf32, #tpu.memory_space<hbm>>
    %dma_wait3A_1068 = tpu.memref_squeeze %dma_wait3A_1067 : memref<1x1x1x32768xf32, #tpu.memory_space<hbm>> -> memref<32768xf32, #tpu.memory_space<hbm>>
    %dma_wait3A_1069 = arith.constant 0 : i32
    %dma_wait3A_1070 = tpu.memref_slice %arg4[%dma_wait3A_1059, %dma_wait3A_1069] : memref<2x32768xf32, #tpu.memory_space<vmem>> -> memref<1x32768xf32, #tpu.memory_space<vmem>>
    %dma_wait3A_1071 = tpu.memref_squeeze %dma_wait3A_1070 : memref<1x32768xf32, #tpu.memory_space<vmem>> -> memref<32768xf32, #tpu.memory_space<vmem>>
    tpu.wait_dma2 semaphore(%arg8 : memref<!tpu.dma_semaphore, #tpu.memory_space<semaphore_mem>>) src(%dma_wait3A_1071 : memref<32768xf32, #tpu.memory_space<vmem>>) dst(%dma_wait3A_1068 : memref<32768xf32, #tpu.memory_space<hbm>>)
    %mul3A_1072 = arith.constant 2 : i32
    %mul3A_1073 = arith.muli %add3A, %mul3A_1072 : i32
    %add3A_1074 = arith.constant 1 : i32
    %add3A_1075 = arith.addi %mul3A_1073, %add3A_1074 : i32
    %shift_right_arithmetic3A_1076 = arith.constant 3 : i32
    %shift_right_arithmetic3A_1077 = arith.shrsi %add3A_1075, %shift_right_arithmetic3A_1076 : i32
    %shift_right_arithmetic3A_1078 = arith.constant 1 : i32
    %shift_right_arithmetic3A_1079 = arith.shrsi %add3A_1075, %shift_right_arithmetic3A_1078 : i32
    %and3A_1080 = arith.constant 3 : i32
    %and3A_1081 = arith.andi %shift_right_arithmetic3A_1079, %and3A_1080 : i32
    %and3A_1082 = arith.constant 1 : i32
    %and3A_1083 = arith.andi %add3A_1075, %and3A_1082 : i32
    %dma_start3A_1084 = arith.constant 1 : i32
    %dma_start3A_1085 = arith.constant 0 : i32
    %dma_start3A_1086 = tpu.memref_slice %arg4[%dma_start3A_1084, %dma_start3A_1085] : memref<2x32768xf32, #tpu.memory_space<vmem>> -> memref<1x32768xf32, #tpu.memory_space<vmem>>
    %dma_start3A_1087 = tpu.memref_squeeze %dma_start3A_1086 : memref<1x32768xf32, #tpu.memory_space<vmem>> -> memref<32768xf32, #tpu.memory_space<vmem>>
    %dma_start3A_1088 = arith.constant 98304 : i32
    %dma_start3A_1089 = tpu.memref_slice %arg2[%shift_right_arithmetic3A_1077, %and3A_1081, %and3A_1083, %dma_start3A_1088] : memref<8x4x2x262144xf32, #tpu.memory_space<hbm>> -> memref<1x1x1x32768xf32, #tpu.memory_space<hbm>>
    %dma_start3A_1090 = tpu.memref_squeeze %dma_start3A_1089 : memref<1x1x1x32768xf32, #tpu.memory_space<hbm>> -> memref<32768xf32, #tpu.memory_space<hbm>>
    %dma_start3A_1091 = arith.constant 0 : i32
    %dma_start3A_1092 = tpu.memref_slice %arg4[%dma_start3A_1084, %dma_start3A_1091] : memref<2x32768xf32, #tpu.memory_space<vmem>> -> memref<1x32768xf32, #tpu.memory_space<vmem>>
    %dma_start3A_1093 = tpu.memref_squeeze %dma_start3A_1092 : memref<1x32768xf32, #tpu.memory_space<vmem>> -> memref<32768xf32, #tpu.memory_space<vmem>>
    %dma_start3A_1094 = arith.constant 98304 : i32
    %dma_start3A_1095 = tpu.memref_slice %arg2[%shift_right_arithmetic3A_1077, %and3A_1081, %and3A_1083, %dma_start3A_1094] : memref<8x4x2x262144xf32, #tpu.memory_space<hbm>> -> memref<1x1x1x32768xf32, #tpu.memory_space<hbm>>
    %dma_start3A_1096 = tpu.memref_squeeze %dma_start3A_1095 : memref<1x1x1x32768xf32, #tpu.memory_space<hbm>> -> memref<32768xf32, #tpu.memory_space<hbm>>
    tpu.enqueue_dma source(%dma_start3A_1096 : memref<32768xf32, #tpu.memory_space<hbm>>) target(%dma_start3A_1093 : memref<32768xf32, #tpu.memory_space<vmem>>) target_semaphore(%arg6 : memref<!tpu.dma_semaphore, #tpu.memory_space<semaphore_mem>>)
    %mul3A_1097 = arith.constant 2 : i32
    %mul3A_1098 = arith.muli %add3A, %mul3A_1097 : i32
    %add3A_1099 = arith.constant 1 : i32
    %add3A_1100 = arith.addi %mul3A_1098, %add3A_1099 : i32
    %shift_right_arithmetic3A_1101 = arith.constant 3 : i32
    %shift_right_arithmetic3A_1102 = arith.shrsi %add3A_1100, %shift_right_arithmetic3A_1101 : i32
    %shift_right_arithmetic3A_1103 = arith.constant 1 : i32
    %shift_right_arithmetic3A_1104 = arith.shrsi %add3A_1100, %shift_right_arithmetic3A_1103 : i32
    %and3A_1105 = arith.constant 3 : i32
    %and3A_1106 = arith.andi %shift_right_arithmetic3A_1104, %and3A_1105 : i32
    %and3A_1107 = arith.constant 1 : i32
    %and3A_1108 = arith.andi %add3A_1100, %and3A_1107 : i32
    %dma_wait3A_1109 = arith.constant 1 : i32
    %dma_wait3A_1110 = arith.constant 0 : i32
    %dma_wait3A_1111 = tpu.memref_slice %arg4[%dma_wait3A_1109, %dma_wait3A_1110] : memref<2x32768xf32, #tpu.memory_space<vmem>> -> memref<1x32768xf32, #tpu.memory_space<vmem>>
    %dma_wait3A_1112 = tpu.memref_squeeze %dma_wait3A_1111 : memref<1x32768xf32, #tpu.memory_space<vmem>> -> memref<32768xf32, #tpu.memory_space<vmem>>
    %dma_wait3A_1113 = arith.constant 98304 : i32
    %dma_wait3A_1114 = tpu.memref_slice %arg2[%shift_right_arithmetic3A_1102, %and3A_1106, %and3A_1108, %dma_wait3A_1113] : memref<8x4x2x262144xf32, #tpu.memory_space<hbm>> -> memref<1x1x1x32768xf32, #tpu.memory_space<hbm>>
    %dma_wait3A_1115 = tpu.memref_squeeze %dma_wait3A_1114 : memref<1x1x1x32768xf32, #tpu.memory_space<hbm>> -> memref<32768xf32, #tpu.memory_space<hbm>>
    %dma_wait3A_1116 = arith.constant 0 : i32
    %dma_wait3A_1117 = tpu.memref_slice %arg4[%dma_wait3A_1109, %dma_wait3A_1116] : memref<2x32768xf32, #tpu.memory_space<vmem>> -> memref<1x32768xf32, #tpu.memory_space<vmem>>
    %dma_wait3A_1118 = tpu.memref_squeeze %dma_wait3A_1117 : memref<1x32768xf32, #tpu.memory_space<vmem>> -> memref<32768xf32, #tpu.memory_space<vmem>>
    %dma_wait3A_1119 = arith.constant 98304 : i32
    %dma_wait3A_1120 = tpu.memref_slice %arg2[%shift_right_arithmetic3A_1102, %and3A_1106, %and3A_1108, %dma_wait3A_1119] : memref<8x4x2x262144xf32, #tpu.memory_space<hbm>> -> memref<1x1x1x32768xf32, #tpu.memory_space<hbm>>
    %dma_wait3A_1121 = tpu.memref_squeeze %dma_wait3A_1120 : memref<1x1x1x32768xf32, #tpu.memory_space<hbm>> -> memref<32768xf32, #tpu.memory_space<hbm>>
    tpu.wait_dma2 semaphore(%arg6 : memref<!tpu.dma_semaphore, #tpu.memory_space<semaphore_mem>>) src(%dma_wait3A_1121 : memref<32768xf32, #tpu.memory_space<hbm>>) dst(%dma_wait3A_1118 : memref<32768xf32, #tpu.memory_space<vmem>>)
    %mul3A_1122 = arith.constant 2 : i32
    %mul3A_1123 = arith.muli %add3A, %mul3A_1122 : i32
    %add3A_1124 = arith.constant 1 : i32
    %add3A_1125 = arith.addi %mul3A_1123, %add3A_1124 : i32
    %shift_right_arithmetic3A_1126 = arith.constant 3 : i32
    %shift_right_arithmetic3A_1127 = arith.shrsi %add3A_1125, %shift_right_arithmetic3A_1126 : i32
    %shift_right_arithmetic3A_1128 = arith.constant 1 : i32
    %shift_right_arithmetic3A_1129 = arith.shrsi %add3A_1125, %shift_right_arithmetic3A_1128 : i32
    %and3A_1130 = arith.constant 3 : i32
    %and3A_1131 = arith.andi %shift_right_arithmetic3A_1129, %and3A_1130 : i32
    %and3A_1132 = arith.constant 1 : i32
    %and3A_1133 = arith.andi %add3A_1125, %and3A_1132 : i32
    %dma_start3A_1134 = arith.constant 1 : i32
    %dma_start3A_1135 = arith.constant 0 : i32
    %dma_start3A_1136 = tpu.memref_slice %arg4[%dma_start3A_1134, %dma_start3A_1135] : memref<2x32768xf32, #tpu.memory_space<vmem>> -> memref<1x32768xf32, #tpu.memory_space<vmem>>
    %dma_start3A_1137 = tpu.memref_squeeze %dma_start3A_1136 : memref<1x32768xf32, #tpu.memory_space<vmem>> -> memref<32768xf32, #tpu.memory_space<vmem>>
    %dma_start3A_1138 = arith.constant 98304 : i32
    %dma_start3A_1139 = tpu.memref_slice %arg3[%shift_right_arithmetic3A_1127, %and3A_1131, %and3A_1133, %dma_start3A_1138] : memref<8x4x2x262144xf32, #tpu.memory_space<hbm>> -> memref<1x1x1x32768xf32, #tpu.memory_space<hbm>>
    %dma_start3A_1140 = tpu.memref_squeeze %dma_start3A_1139 : memref<1x1x1x32768xf32, #tpu.memory_space<hbm>> -> memref<32768xf32, #tpu.memory_space<hbm>>
    %dma_start3A_1141 = arith.constant 98304 : i32
    %dma_start3A_1142 = tpu.memref_slice %arg3[%shift_right_arithmetic3A_1127, %and3A_1131, %and3A_1133, %dma_start3A_1141] : memref<8x4x2x262144xf32, #tpu.memory_space<hbm>> -> memref<1x1x1x32768xf32, #tpu.memory_space<hbm>>
    %dma_start3A_1143 = tpu.memref_squeeze %dma_start3A_1142 : memref<1x1x1x32768xf32, #tpu.memory_space<hbm>> -> memref<32768xf32, #tpu.memory_space<hbm>>
    %dma_start3A_1144 = arith.constant 0 : i32
    %dma_start3A_1145 = tpu.memref_slice %arg4[%dma_start3A_1134, %dma_start3A_1144] : memref<2x32768xf32, #tpu.memory_space<vmem>> -> memref<1x32768xf32, #tpu.memory_space<vmem>>
    %dma_start3A_1146 = tpu.memref_squeeze %dma_start3A_1145 : memref<1x32768xf32, #tpu.memory_space<vmem>> -> memref<32768xf32, #tpu.memory_space<vmem>>
    tpu.enqueue_dma source(%dma_start3A_1146 : memref<32768xf32, #tpu.memory_space<vmem>>) target(%dma_start3A_1143 : memref<32768xf32, #tpu.memory_space<hbm>>) target_semaphore(%arg8 : memref<!tpu.dma_semaphore, #tpu.memory_space<semaphore_mem>>)
    %mul3A_1147 = arith.constant 2 : i32
    %mul3A_1148 = arith.muli %add3A, %mul3A_1147 : i32
    %add3A_1149 = arith.constant 1 : i32
    %add3A_1150 = arith.addi %mul3A_1148, %add3A_1149 : i32
    %shift_right_arithmetic3A_1151 = arith.constant 3 : i32
    %shift_right_arithmetic3A_1152 = arith.shrsi %add3A_1150, %shift_right_arithmetic3A_1151 : i32
    %shift_right_arithmetic3A_1153 = arith.constant 1 : i32
    %shift_right_arithmetic3A_1154 = arith.shrsi %add3A_1150, %shift_right_arithmetic3A_1153 : i32
    %and3A_1155 = arith.constant 3 : i32
    %and3A_1156 = arith.andi %shift_right_arithmetic3A_1154, %and3A_1155 : i32
    %and3A_1157 = arith.constant 1 : i32
    %and3A_1158 = arith.andi %add3A_1150, %and3A_1157 : i32
    %dma_wait3A_1159 = arith.constant 0 : i32
    %dma_wait3A_1160 = arith.constant 0 : i32
    %dma_wait3A_1161 = tpu.memref_slice %arg4[%dma_wait3A_1159, %dma_wait3A_1160] : memref<2x32768xf32, #tpu.memory_space<vmem>> -> memref<1x32768xf32, #tpu.memory_space<vmem>>
    %dma_wait3A_1162 = tpu.memref_squeeze %dma_wait3A_1161 : memref<1x32768xf32, #tpu.memory_space<vmem>> -> memref<32768xf32, #tpu.memory_space<vmem>>
    %dma_wait3A_1163 = arith.constant 65536 : i32
    %dma_wait3A_1164 = tpu.memref_slice %arg3[%shift_right_arithmetic3A_1152, %and3A_1156, %and3A_1158, %dma_wait3A_1163] : memref<8x4x2x262144xf32, #tpu.memory_space<hbm>> -> memref<1x1x1x32768xf32, #tpu.memory_space<hbm>>
    %dma_wait3A_1165 = tpu.memref_squeeze %dma_wait3A_1164 : memref<1x1x1x32768xf32, #tpu.memory_space<hbm>> -> memref<32768xf32, #tpu.memory_space<hbm>>
    %dma_wait3A_1166 = arith.constant 65536 : i32
    %dma_wait3A_1167 = tpu.memref_slice %arg3[%shift_right_arithmetic3A_1152, %and3A_1156, %and3A_1158, %dma_wait3A_1166] : memref<8x4x2x262144xf32, #tpu.memory_space<hbm>> -> memref<1x1x1x32768xf32, #tpu.memory_space<hbm>>
    %dma_wait3A_1168 = tpu.memref_squeeze %dma_wait3A_1167 : memref<1x1x1x32768xf32, #tpu.memory_space<hbm>> -> memref<32768xf32, #tpu.memory_space<hbm>>
    %dma_wait3A_1169 = arith.constant 0 : i32
    %dma_wait3A_1170 = tpu.memref_slice %arg4[%dma_wait3A_1159, %dma_wait3A_1169] : memref<2x32768xf32, #tpu.memory_space<vmem>> -> memref<1x32768xf32, #tpu.memory_space<vmem>>
    %dma_wait3A_1171 = tpu.memref_squeeze %dma_wait3A_1170 : memref<1x32768xf32, #tpu.memory_space<vmem>> -> memref<32768xf32, #tpu.memory_space<vmem>>
    tpu.wait_dma2 semaphore(%arg7 : memref<!tpu.dma_semaphore, #tpu.memory_space<semaphore_mem>>) src(%dma_wait3A_1171 : memref<32768xf32, #tpu.memory_space<vmem>>) dst(%dma_wait3A_1168 : memref<32768xf32, #tpu.memory_space<hbm>>)
    %mul3A_1172 = arith.constant 2 : i32
    %mul3A_1173 = arith.muli %add3A, %mul3A_1172 : i32
    %add3A_1174 = arith.constant 1 : i32
    %add3A_1175 = arith.addi %mul3A_1173, %add3A_1174 : i32
    %shift_right_arithmetic3A_1176 = arith.constant 3 : i32
    %shift_right_arithmetic3A_1177 = arith.shrsi %add3A_1175, %shift_right_arithmetic3A_1176 : i32
    %shift_right_arithmetic3A_1178 = arith.constant 1 : i32
    %shift_right_arithmetic3A_1179 = arith.shrsi %add3A_1175, %shift_right_arithmetic3A_1178 : i32
    %and3A_1180 = arith.constant 3 : i32
    %and3A_1181 = arith.andi %shift_right_arithmetic3A_1179, %and3A_1180 : i32
    %and3A_1182 = arith.constant 1 : i32
    %and3A_1183 = arith.andi %add3A_1175, %and3A_1182 : i32
    %dma_start3A_1184 = arith.constant 0 : i32
    %dma_start3A_1185 = arith.constant 0 : i32
    %dma_start3A_1186 = tpu.memref_slice %arg4[%dma_start3A_1184, %dma_start3A_1185] : memref<2x32768xf32, #tpu.memory_space<vmem>> -> memref<1x32768xf32, #tpu.memory_space<vmem>>
    %dma_start3A_1187 = tpu.memref_squeeze %dma_start3A_1186 : memref<1x32768xf32, #tpu.memory_space<vmem>> -> memref<32768xf32, #tpu.memory_space<vmem>>
    %dma_start3A_1188 = arith.constant 131072 : i32
    %dma_start3A_1189 = tpu.memref_slice %arg2[%shift_right_arithmetic3A_1177, %and3A_1181, %and3A_1183, %dma_start3A_1188] : memref<8x4x2x262144xf32, #tpu.memory_space<hbm>> -> memref<1x1x1x32768xf32, #tpu.memory_space<hbm>>
    %dma_start3A_1190 = tpu.memref_squeeze %dma_start3A_1189 : memref<1x1x1x32768xf32, #tpu.memory_space<hbm>> -> memref<32768xf32, #tpu.memory_space<hbm>>
    %dma_start3A_1191 = arith.constant 0 : i32
    %dma_start3A_1192 = tpu.memref_slice %arg4[%dma_start3A_1184, %dma_start3A_1191] : memref<2x32768xf32, #tpu.memory_space<vmem>> -> memref<1x32768xf32, #tpu.memory_space<vmem>>
    %dma_start3A_1193 = tpu.memref_squeeze %dma_start3A_1192 : memref<1x32768xf32, #tpu.memory_space<vmem>> -> memref<32768xf32, #tpu.memory_space<vmem>>
    %dma_start3A_1194 = arith.constant 131072 : i32
    %dma_start3A_1195 = tpu.memref_slice %arg2[%shift_right_arithmetic3A_1177, %and3A_1181, %and3A_1183, %dma_start3A_1194] : memref<8x4x2x262144xf32, #tpu.memory_space<hbm>> -> memref<1x1x1x32768xf32, #tpu.memory_space<hbm>>
    %dma_start3A_1196 = tpu.memref_squeeze %dma_start3A_1195 : memref<1x1x1x32768xf32, #tpu.memory_space<hbm>> -> memref<32768xf32, #tpu.memory_space<hbm>>
    tpu.enqueue_dma source(%dma_start3A_1196 : memref<32768xf32, #tpu.memory_space<hbm>>) target(%dma_start3A_1193 : memref<32768xf32, #tpu.memory_space<vmem>>) target_semaphore(%arg5 : memref<!tpu.dma_semaphore, #tpu.memory_space<semaphore_mem>>)
    %mul3A_1197 = arith.constant 2 : i32
    %mul3A_1198 = arith.muli %add3A, %mul3A_1197 : i32
    %add3A_1199 = arith.constant 1 : i32
    %add3A_1200 = arith.addi %mul3A_1198, %add3A_1199 : i32
    %shift_right_arithmetic3A_1201 = arith.constant 3 : i32
    %shift_right_arithmetic3A_1202 = arith.shrsi %add3A_1200, %shift_right_arithmetic3A_1201 : i32
    %shift_right_arithmetic3A_1203 = arith.constant 1 : i32
    %shift_right_arithmetic3A_1204 = arith.shrsi %add3A_1200, %shift_right_arithmetic3A_1203 : i32
    %and3A_1205 = arith.constant 3 : i32
    %and3A_1206 = arith.andi %shift_right_arithmetic3A_1204, %and3A_1205 : i32
    %and3A_1207 = arith.constant 1 : i32
    %and3A_1208 = arith.andi %add3A_1200, %and3A_1207 : i32
    %dma_wait3A_1209 = arith.constant 0 : i32
    %dma_wait3A_1210 = arith.constant 0 : i32
    %dma_wait3A_1211 = tpu.memref_slice %arg4[%dma_wait3A_1209, %dma_wait3A_1210] : memref<2x32768xf32, #tpu.memory_space<vmem>> -> memref<1x32768xf32, #tpu.memory_space<vmem>>
    %dma_wait3A_1212 = tpu.memref_squeeze %dma_wait3A_1211 : memref<1x32768xf32, #tpu.memory_space<vmem>> -> memref<32768xf32, #tpu.memory_space<vmem>>
    %dma_wait3A_1213 = arith.constant 131072 : i32
    %dma_wait3A_1214 = tpu.memref_slice %arg2[%shift_right_arithmetic3A_1202, %and3A_1206, %and3A_1208, %dma_wait3A_1213] : memref<8x4x2x262144xf32, #tpu.memory_space<hbm>> -> memref<1x1x1x32768xf32, #tpu.memory_space<hbm>>
    %dma_wait3A_1215 = tpu.memref_squeeze %dma_wait3A_1214 : memref<1x1x1x32768xf32, #tpu.memory_space<hbm>> -> memref<32768xf32, #tpu.memory_space<hbm>>
    %dma_wait3A_1216 = arith.constant 0 : i32
    %dma_wait3A_1217 = tpu.memref_slice %arg4[%dma_wait3A_1209, %dma_wait3A_1216] : memref<2x32768xf32, #tpu.memory_space<vmem>> -> memref<1x32768xf32, #tpu.memory_space<vmem>>
    %dma_wait3A_1218 = tpu.memref_squeeze %dma_wait3A_1217 : memref<1x32768xf32, #tpu.memory_space<vmem>> -> memref<32768xf32, #tpu.memory_space<vmem>>
    %dma_wait3A_1219 = arith.constant 131072 : i32
    %dma_wait3A_1220 = tpu.memref_slice %arg2[%shift_right_arithmetic3A_1202, %and3A_1206, %and3A_1208, %dma_wait3A_1219] : memref<8x4x2x262144xf32, #tpu.memory_space<hbm>> -> memref<1x1x1x32768xf32, #tpu.memory_space<hbm>>
    %dma_wait3A_1221 = tpu.memref_squeeze %dma_wait3A_1220 : memref<1x1x1x32768xf32, #tpu.memory_space<hbm>> -> memref<32768xf32, #tpu.memory_space<hbm>>
    tpu.wait_dma2 semaphore(%arg5 : memref<!tpu.dma_semaphore, #tpu.memory_space<semaphore_mem>>) src(%dma_wait3A_1221 : memref<32768xf32, #tpu.memory_space<hbm>>) dst(%dma_wait3A_1218 : memref<32768xf32, #tpu.memory_space<vmem>>)
    %mul3A_1222 = arith.constant 2 : i32
    %mul3A_1223 = arith.muli %add3A, %mul3A_1222 : i32
    %add3A_1224 = arith.constant 1 : i32
    %add3A_1225 = arith.addi %mul3A_1223, %add3A_1224 : i32
    %shift_right_arithmetic3A_1226 = arith.constant 3 : i32
    %shift_right_arithmetic3A_1227 = arith.shrsi %add3A_1225, %shift_right_arithmetic3A_1226 : i32
    %shift_right_arithmetic3A_1228 = arith.constant 1 : i32
    %shift_right_arithmetic3A_1229 = arith.shrsi %add3A_1225, %shift_right_arithmetic3A_1228 : i32
    %and3A_1230 = arith.constant 3 : i32
    %and3A_1231 = arith.andi %shift_right_arithmetic3A_1229, %and3A_1230 : i32
    %and3A_1232 = arith.constant 1 : i32
    %and3A_1233 = arith.andi %add3A_1225, %and3A_1232 : i32
    %dma_start3A_1234 = arith.constant 0 : i32
    %dma_start3A_1235 = arith.constant 0 : i32
    %dma_start3A_1236 = tpu.memref_slice %arg4[%dma_start3A_1234, %dma_start3A_1235] : memref<2x32768xf32, #tpu.memory_space<vmem>> -> memref<1x32768xf32, #tpu.memory_space<vmem>>
    %dma_start3A_1237 = tpu.memref_squeeze %dma_start3A_1236 : memref<1x32768xf32, #tpu.memory_space<vmem>> -> memref<32768xf32, #tpu.memory_space<vmem>>
    %dma_start3A_1238 = arith.constant 131072 : i32
    %dma_start3A_1239 = tpu.memref_slice %arg3[%shift_right_arithmetic3A_1227, %and3A_1231, %and3A_1233, %dma_start3A_1238] : memref<8x4x2x262144xf32, #tpu.memory_space<hbm>> -> memref<1x1x1x32768xf32, #tpu.memory_space<hbm>>
    %dma_start3A_1240 = tpu.memref_squeeze %dma_start3A_1239 : memref<1x1x1x32768xf32, #tpu.memory_space<hbm>> -> memref<32768xf32, #tpu.memory_space<hbm>>
    %dma_start3A_1241 = arith.constant 131072 : i32
    %dma_start3A_1242 = tpu.memref_slice %arg3[%shift_right_arithmetic3A_1227, %and3A_1231, %and3A_1233, %dma_start3A_1241] : memref<8x4x2x262144xf32, #tpu.memory_space<hbm>> -> memref<1x1x1x32768xf32, #tpu.memory_space<hbm>>
    %dma_start3A_1243 = tpu.memref_squeeze %dma_start3A_1242 : memref<1x1x1x32768xf32, #tpu.memory_space<hbm>> -> memref<32768xf32, #tpu.memory_space<hbm>>
    %dma_start3A_1244 = arith.constant 0 : i32
    %dma_start3A_1245 = tpu.memref_slice %arg4[%dma_start3A_1234, %dma_start3A_1244] : memref<2x32768xf32, #tpu.memory_space<vmem>> -> memref<1x32768xf32, #tpu.memory_space<vmem>>
    %dma_start3A_1246 = tpu.memref_squeeze %dma_start3A_1245 : memref<1x32768xf32, #tpu.memory_space<vmem>> -> memref<32768xf32, #tpu.memory_space<vmem>>
    tpu.enqueue_dma source(%dma_start3A_1246 : memref<32768xf32, #tpu.memory_space<vmem>>) target(%dma_start3A_1243 : memref<32768xf32, #tpu.memory_space<hbm>>) target_semaphore(%arg7 : memref<!tpu.dma_semaphore, #tpu.memory_space<semaphore_mem>>)
    %mul3A_1247 = arith.constant 2 : i32
    %mul3A_1248 = arith.muli %add3A, %mul3A_1247 : i32
    %add3A_1249 = arith.constant 1 : i32
    %add3A_1250 = arith.addi %mul3A_1248, %add3A_1249 : i32
    %shift_right_arithmetic3A_1251 = arith.constant 3 : i32
    %shift_right_arithmetic3A_1252 = arith.shrsi %add3A_1250, %shift_right_arithmetic3A_1251 : i32
    %shift_right_arithmetic3A_1253 = arith.constant 1 : i32
    %shift_right_arithmetic3A_1254 = arith.shrsi %add3A_1250, %shift_right_arithmetic3A_1253 : i32
    %and3A_1255 = arith.constant 3 : i32
    %and3A_1256 = arith.andi %shift_right_arithmetic3A_1254, %and3A_1255 : i32
    %and3A_1257 = arith.constant 1 : i32
    %and3A_1258 = arith.andi %add3A_1250, %and3A_1257 : i32
    %dma_wait3A_1259 = arith.constant 1 : i32
    %dma_wait3A_1260 = arith.constant 0 : i32
    %dma_wait3A_1261 = tpu.memref_slice %arg4[%dma_wait3A_1259, %dma_wait3A_1260] : memref<2x32768xf32, #tpu.memory_space<vmem>> -> memref<1x32768xf32, #tpu.memory_space<vmem>>
    %dma_wait3A_1262 = tpu.memref_squeeze %dma_wait3A_1261 : memref<1x32768xf32, #tpu.memory_space<vmem>> -> memref<32768xf32, #tpu.memory_space<vmem>>
    %dma_wait3A_1263 = arith.constant 98304 : i32
    %dma_wait3A_1264 = tpu.memref_slice %arg3[%shift_right_arithmetic3A_1252, %and3A_1256, %and3A_1258, %dma_wait3A_1263] : memref<8x4x2x262144xf32, #tpu.memory_space<hbm>> -> memref<1x1x1x32768xf32, #tpu.memory_space<hbm>>
    %dma_wait3A_1265 = tpu.memref_squeeze %dma_wait3A_1264 : memref<1x1x1x32768xf32, #tpu.memory_space<hbm>> -> memref<32768xf32, #tpu.memory_space<hbm>>
    %dma_wait3A_1266 = arith.constant 98304 : i32
    %dma_wait3A_1267 = tpu.memref_slice %arg3[%shift_right_arithmetic3A_1252, %and3A_1256, %and3A_1258, %dma_wait3A_1266] : memref<8x4x2x262144xf32, #tpu.memory_space<hbm>> -> memref<1x1x1x32768xf32, #tpu.memory_space<hbm>>
    %dma_wait3A_1268 = tpu.memref_squeeze %dma_wait3A_1267 : memref<1x1x1x32768xf32, #tpu.memory_space<hbm>> -> memref<32768xf32, #tpu.memory_space<hbm>>
    %dma_wait3A_1269 = arith.constant 0 : i32
    %dma_wait3A_1270 = tpu.memref_slice %arg4[%dma_wait3A_1259, %dma_wait3A_1269] : memref<2x32768xf32, #tpu.memory_space<vmem>> -> memref<1x32768xf32, #tpu.memory_space<vmem>>
    %dma_wait3A_1271 = tpu.memref_squeeze %dma_wait3A_1270 : memref<1x32768xf32, #tpu.memory_space<vmem>> -> memref<32768xf32, #tpu.memory_space<vmem>>
    tpu.wait_dma2 semaphore(%arg8 : memref<!tpu.dma_semaphore, #tpu.memory_space<semaphore_mem>>) src(%dma_wait3A_1271 : memref<32768xf32, #tpu.memory_space<vmem>>) dst(%dma_wait3A_1268 : memref<32768xf32, #tpu.memory_space<hbm>>)
    %mul3A_1272 = arith.constant 2 : i32
    %mul3A_1273 = arith.muli %add3A, %mul3A_1272 : i32
    %add3A_1274 = arith.constant 1 : i32
    %add3A_1275 = arith.addi %mul3A_1273, %add3A_1274 : i32
    %shift_right_arithmetic3A_1276 = arith.constant 3 : i32
    %shift_right_arithmetic3A_1277 = arith.shrsi %add3A_1275, %shift_right_arithmetic3A_1276 : i32
    %shift_right_arithmetic3A_1278 = arith.constant 1 : i32
    %shift_right_arithmetic3A_1279 = arith.shrsi %add3A_1275, %shift_right_arithmetic3A_1278 : i32
    %and3A_1280 = arith.constant 3 : i32
    %and3A_1281 = arith.andi %shift_right_arithmetic3A_1279, %and3A_1280 : i32
    %and3A_1282 = arith.constant 1 : i32
    %and3A_1283 = arith.andi %add3A_1275, %and3A_1282 : i32
    %dma_start3A_1284 = arith.constant 1 : i32
    %dma_start3A_1285 = arith.constant 0 : i32
    %dma_start3A_1286 = tpu.memref_slice %arg4[%dma_start3A_1284, %dma_start3A_1285] : memref<2x32768xf32, #tpu.memory_space<vmem>> -> memref<1x32768xf32, #tpu.memory_space<vmem>>
    %dma_start3A_1287 = tpu.memref_squeeze %dma_start3A_1286 : memref<1x32768xf32, #tpu.memory_space<vmem>> -> memref<32768xf32, #tpu.memory_space<vmem>>
    %dma_start3A_1288 = arith.constant 163840 : i32
    %dma_start3A_1289 = tpu.memref_slice %arg2[%shift_right_arithmetic3A_1277, %and3A_1281, %and3A_1283, %dma_start3A_1288] : memref<8x4x2x262144xf32, #tpu.memory_space<hbm>> -> memref<1x1x1x32768xf32, #tpu.memory_space<hbm>>
    %dma_start3A_1290 = tpu.memref_squeeze %dma_start3A_1289 : memref<1x1x1x32768xf32, #tpu.memory_space<hbm>> -> memref<32768xf32, #tpu.memory_space<hbm>>
    %dma_start3A_1291 = arith.constant 0 : i32
    %dma_start3A_1292 = tpu.memref_slice %arg4[%dma_start3A_1284, %dma_start3A_1291] : memref<2x32768xf32, #tpu.memory_space<vmem>> -> memref<1x32768xf32, #tpu.memory_space<vmem>>
    %dma_start3A_1293 = tpu.memref_squeeze %dma_start3A_1292 : memref<1x32768xf32, #tpu.memory_space<vmem>> -> memref<32768xf32, #tpu.memory_space<vmem>>
    %dma_start3A_1294 = arith.constant 163840 : i32
    %dma_start3A_1295 = tpu.memref_slice %arg2[%shift_right_arithmetic3A_1277, %and3A_1281, %and3A_1283, %dma_start3A_1294] : memref<8x4x2x262144xf32, #tpu.memory_space<hbm>> -> memref<1x1x1x32768xf32, #tpu.memory_space<hbm>>
    %dma_start3A_1296 = tpu.memref_squeeze %dma_start3A_1295 : memref<1x1x1x32768xf32, #tpu.memory_space<hbm>> -> memref<32768xf32, #tpu.memory_space<hbm>>
    tpu.enqueue_dma source(%dma_start3A_1296 : memref<32768xf32, #tpu.memory_space<hbm>>) target(%dma_start3A_1293 : memref<32768xf32, #tpu.memory_space<vmem>>) target_semaphore(%arg6 : memref<!tpu.dma_semaphore, #tpu.memory_space<semaphore_mem>>)
    %mul3A_1297 = arith.constant 2 : i32
    %mul3A_1298 = arith.muli %add3A, %mul3A_1297 : i32
    %add3A_1299 = arith.constant 1 : i32
    %add3A_1300 = arith.addi %mul3A_1298, %add3A_1299 : i32
    %shift_right_arithmetic3A_1301 = arith.constant 3 : i32
    %shift_right_arithmetic3A_1302 = arith.shrsi %add3A_1300, %shift_right_arithmetic3A_1301 : i32
    %shift_right_arithmetic3A_1303 = arith.constant 1 : i32
    %shift_right_arithmetic3A_1304 = arith.shrsi %add3A_1300, %shift_right_arithmetic3A_1303 : i32
    %and3A_1305 = arith.constant 3 : i32
    %and3A_1306 = arith.andi %shift_right_arithmetic3A_1304, %and3A_1305 : i32
    %and3A_1307 = arith.constant 1 : i32
    %and3A_1308 = arith.andi %add3A_1300, %and3A_1307 : i32
    %dma_wait3A_1309 = arith.constant 1 : i32
    %dma_wait3A_1310 = arith.constant 0 : i32
    %dma_wait3A_1311 = tpu.memref_slice %arg4[%dma_wait3A_1309, %dma_wait3A_1310] : memref<2x32768xf32, #tpu.memory_space<vmem>> -> memref<1x32768xf32, #tpu.memory_space<vmem>>
    %dma_wait3A_1312 = tpu.memref_squeeze %dma_wait3A_1311 : memref<1x32768xf32, #tpu.memory_space<vmem>> -> memref<32768xf32, #tpu.memory_space<vmem>>
    %dma_wait3A_1313 = arith.constant 163840 : i32
    %dma_wait3A_1314 = tpu.memref_slice %arg2[%shift_right_arithmetic3A_1302, %and3A_1306, %and3A_1308, %dma_wait3A_1313] : memref<8x4x2x262144xf32, #tpu.memory_space<hbm>> -> memref<1x1x1x32768xf32, #tpu.memory_space<hbm>>
    %dma_wait3A_1315 = tpu.memref_squeeze %dma_wait3A_1314 : memref<1x1x1x32768xf32, #tpu.memory_space<hbm>> -> memref<32768xf32, #tpu.memory_space<hbm>>
    %dma_wait3A_1316 = arith.constant 0 : i32
    %dma_wait3A_1317 = tpu.memref_slice %arg4[%dma_wait3A_1309, %dma_wait3A_1316] : memref<2x32768xf32, #tpu.memory_space<vmem>> -> memref<1x32768xf32, #tpu.memory_space<vmem>>
    %dma_wait3A_1318 = tpu.memref_squeeze %dma_wait3A_1317 : memref<1x32768xf32, #tpu.memory_space<vmem>> -> memref<32768xf32, #tpu.memory_space<vmem>>
    %dma_wait3A_1319 = arith.constant 163840 : i32
    %dma_wait3A_1320 = tpu.memref_slice %arg2[%shift_right_arithmetic3A_1302, %and3A_1306, %and3A_1308, %dma_wait3A_1319] : memref<8x4x2x262144xf32, #tpu.memory_space<hbm>> -> memref<1x1x1x32768xf32, #tpu.memory_space<hbm>>
    %dma_wait3A_1321 = tpu.memref_squeeze %dma_wait3A_1320 : memref<1x1x1x32768xf32, #tpu.memory_space<hbm>> -> memref<32768xf32, #tpu.memory_space<hbm>>
    tpu.wait_dma2 semaphore(%arg6 : memref<!tpu.dma_semaphore, #tpu.memory_space<semaphore_mem>>) src(%dma_wait3A_1321 : memref<32768xf32, #tpu.memory_space<hbm>>) dst(%dma_wait3A_1318 : memref<32768xf32, #tpu.memory_space<vmem>>)
    %mul3A_1322 = arith.constant 2 : i32
    %mul3A_1323 = arith.muli %add3A, %mul3A_1322 : i32
    %add3A_1324 = arith.constant 1 : i32
    %add3A_1325 = arith.addi %mul3A_1323, %add3A_1324 : i32
    %shift_right_arithmetic3A_1326 = arith.constant 3 : i32
    %shift_right_arithmetic3A_1327 = arith.shrsi %add3A_1325, %shift_right_arithmetic3A_1326 : i32
    %shift_right_arithmetic3A_1328 = arith.constant 1 : i32
    %shift_right_arithmetic3A_1329 = arith.shrsi %add3A_1325, %shift_right_arithmetic3A_1328 : i32
    %and3A_1330 = arith.constant 3 : i32
    %and3A_1331 = arith.andi %shift_right_arithmetic3A_1329, %and3A_1330 : i32
    %and3A_1332 = arith.constant 1 : i32
    %and3A_1333 = arith.andi %add3A_1325, %and3A_1332 : i32
    %dma_start3A_1334 = arith.constant 1 : i32
    %dma_start3A_1335 = arith.constant 0 : i32
    %dma_start3A_1336 = tpu.memref_slice %arg4[%dma_start3A_1334, %dma_start3A_1335] : memref<2x32768xf32, #tpu.memory_space<vmem>> -> memref<1x32768xf32, #tpu.memory_space<vmem>>
    %dma_start3A_1337 = tpu.memref_squeeze %dma_start3A_1336 : memref<1x32768xf32, #tpu.memory_space<vmem>> -> memref<32768xf32, #tpu.memory_space<vmem>>
    %dma_start3A_1338 = arith.constant 163840 : i32
    %dma_start3A_1339 = tpu.memref_slice %arg3[%shift_right_arithmetic3A_1327, %and3A_1331, %and3A_1333, %dma_start3A_1338] : memref<8x4x2x262144xf32, #tpu.memory_space<hbm>> -> memref<1x1x1x32768xf32, #tpu.memory_space<hbm>>
    %dma_start3A_1340 = tpu.memref_squeeze %dma_start3A_1339 : memref<1x1x1x32768xf32, #tpu.memory_space<hbm>> -> memref<32768xf32, #tpu.memory_space<hbm>>
    %dma_start3A_1341 = arith.constant 163840 : i32
    %dma_start3A_1342 = tpu.memref_slice %arg3[%shift_right_arithmetic3A_1327, %and3A_1331, %and3A_1333, %dma_start3A_1341] : memref<8x4x2x262144xf32, #tpu.memory_space<hbm>> -> memref<1x1x1x32768xf32, #tpu.memory_space<hbm>>
    %dma_start3A_1343 = tpu.memref_squeeze %dma_start3A_1342 : memref<1x1x1x32768xf32, #tpu.memory_space<hbm>> -> memref<32768xf32, #tpu.memory_space<hbm>>
    %dma_start3A_1344 = arith.constant 0 : i32
    %dma_start3A_1345 = tpu.memref_slice %arg4[%dma_start3A_1334, %dma_start3A_1344] : memref<2x32768xf32, #tpu.memory_space<vmem>> -> memref<1x32768xf32, #tpu.memory_space<vmem>>
    %dma_start3A_1346 = tpu.memref_squeeze %dma_start3A_1345 : memref<1x32768xf32, #tpu.memory_space<vmem>> -> memref<32768xf32, #tpu.memory_space<vmem>>
    tpu.enqueue_dma source(%dma_start3A_1346 : memref<32768xf32, #tpu.memory_space<vmem>>) target(%dma_start3A_1343 : memref<32768xf32, #tpu.memory_space<hbm>>) target_semaphore(%arg8 : memref<!tpu.dma_semaphore, #tpu.memory_space<semaphore_mem>>)
    %mul3A_1347 = arith.constant 2 : i32
    %mul3A_1348 = arith.muli %add3A, %mul3A_1347 : i32
    %add3A_1349 = arith.constant 1 : i32
    %add3A_1350 = arith.addi %mul3A_1348, %add3A_1349 : i32
    %shift_right_arithmetic3A_1351 = arith.constant 3 : i32
    %shift_right_arithmetic3A_1352 = arith.shrsi %add3A_1350, %shift_right_arithmetic3A_1351 : i32
    %shift_right_arithmetic3A_1353 = arith.constant 1 : i32
    %shift_right_arithmetic3A_1354 = arith.shrsi %add3A_1350, %shift_right_arithmetic3A_1353 : i32
    %and3A_1355 = arith.constant 3 : i32
    %and3A_1356 = arith.andi %shift_right_arithmetic3A_1354, %and3A_1355 : i32
    %and3A_1357 = arith.constant 1 : i32
    %and3A_1358 = arith.andi %add3A_1350, %and3A_1357 : i32
    %dma_wait3A_1359 = arith.constant 0 : i32
    %dma_wait3A_1360 = arith.constant 0 : i32
    %dma_wait3A_1361 = tpu.memref_slice %arg4[%dma_wait3A_1359, %dma_wait3A_1360] : memref<2x32768xf32, #tpu.memory_space<vmem>> -> memref<1x32768xf32, #tpu.memory_space<vmem>>
    %dma_wait3A_1362 = tpu.memref_squeeze %dma_wait3A_1361 : memref<1x32768xf32, #tpu.memory_space<vmem>> -> memref<32768xf32, #tpu.memory_space<vmem>>
    %dma_wait3A_1363 = arith.constant 131072 : i32
    %dma_wait3A_1364 = tpu.memref_slice %arg3[%shift_right_arithmetic3A_1352, %and3A_1356, %and3A_1358, %dma_wait3A_1363] : memref<8x4x2x262144xf32, #tpu.memory_space<hbm>> -> memref<1x1x1x32768xf32, #tpu.memory_space<hbm>>
    %dma_wait3A_1365 = tpu.memref_squeeze %dma_wait3A_1364 : memref<1x1x1x32768xf32, #tpu.memory_space<hbm>> -> memref<32768xf32, #tpu.memory_space<hbm>>
    %dma_wait3A_1366 = arith.constant 131072 : i32
    %dma_wait3A_1367 = tpu.memref_slice %arg3[%shift_right_arithmetic3A_1352, %and3A_1356, %and3A_1358, %dma_wait3A_1366] : memref<8x4x2x262144xf32, #tpu.memory_space<hbm>> -> memref<1x1x1x32768xf32, #tpu.memory_space<hbm>>
    %dma_wait3A_1368 = tpu.memref_squeeze %dma_wait3A_1367 : memref<1x1x1x32768xf32, #tpu.memory_space<hbm>> -> memref<32768xf32, #tpu.memory_space<hbm>>
    %dma_wait3A_1369 = arith.constant 0 : i32
    %dma_wait3A_1370 = tpu.memref_slice %arg4[%dma_wait3A_1359, %dma_wait3A_1369] : memref<2x32768xf32, #tpu.memory_space<vmem>> -> memref<1x32768xf32, #tpu.memory_space<vmem>>
    %dma_wait3A_1371 = tpu.memref_squeeze %dma_wait3A_1370 : memref<1x32768xf32, #tpu.memory_space<vmem>> -> memref<32768xf32, #tpu.memory_space<vmem>>
    tpu.wait_dma2 semaphore(%arg7 : memref<!tpu.dma_semaphore, #tpu.memory_space<semaphore_mem>>) src(%dma_wait3A_1371 : memref<32768xf32, #tpu.memory_space<vmem>>) dst(%dma_wait3A_1368 : memref<32768xf32, #tpu.memory_space<hbm>>)
    %mul3A_1372 = arith.constant 2 : i32
    %mul3A_1373 = arith.muli %add3A, %mul3A_1372 : i32
    %add3A_1374 = arith.constant 1 : i32
    %add3A_1375 = arith.addi %mul3A_1373, %add3A_1374 : i32
    %shift_right_arithmetic3A_1376 = arith.constant 3 : i32
    %shift_right_arithmetic3A_1377 = arith.shrsi %add3A_1375, %shift_right_arithmetic3A_1376 : i32
    %shift_right_arithmetic3A_1378 = arith.constant 1 : i32
    %shift_right_arithmetic3A_1379 = arith.shrsi %add3A_1375, %shift_right_arithmetic3A_1378 : i32
    %and3A_1380 = arith.constant 3 : i32
    %and3A_1381 = arith.andi %shift_right_arithmetic3A_1379, %and3A_1380 : i32
    %and3A_1382 = arith.constant 1 : i32
    %and3A_1383 = arith.andi %add3A_1375, %and3A_1382 : i32
    %dma_start3A_1384 = arith.constant 0 : i32
    %dma_start3A_1385 = arith.constant 0 : i32
    %dma_start3A_1386 = tpu.memref_slice %arg4[%dma_start3A_1384, %dma_start3A_1385] : memref<2x32768xf32, #tpu.memory_space<vmem>> -> memref<1x32768xf32, #tpu.memory_space<vmem>>
    %dma_start3A_1387 = tpu.memref_squeeze %dma_start3A_1386 : memref<1x32768xf32, #tpu.memory_space<vmem>> -> memref<32768xf32, #tpu.memory_space<vmem>>
    %dma_start3A_1388 = arith.constant 196608 : i32
    %dma_start3A_1389 = tpu.memref_slice %arg2[%shift_right_arithmetic3A_1377, %and3A_1381, %and3A_1383, %dma_start3A_1388] : memref<8x4x2x262144xf32, #tpu.memory_space<hbm>> -> memref<1x1x1x32768xf32, #tpu.memory_space<hbm>>
    %dma_start3A_1390 = tpu.memref_squeeze %dma_start3A_1389 : memref<1x1x1x32768xf32, #tpu.memory_space<hbm>> -> memref<32768xf32, #tpu.memory_space<hbm>>
    %dma_start3A_1391 = arith.constant 0 : i32
    %dma_start3A_1392 = tpu.memref_slice %arg4[%dma_start3A_1384, %dma_start3A_1391] : memref<2x32768xf32, #tpu.memory_space<vmem>> -> memref<1x32768xf32, #tpu.memory_space<vmem>>
    %dma_start3A_1393 = tpu.memref_squeeze %dma_start3A_1392 : memref<1x32768xf32, #tpu.memory_space<vmem>> -> memref<32768xf32, #tpu.memory_space<vmem>>
    %dma_start3A_1394 = arith.constant 196608 : i32
    %dma_start3A_1395 = tpu.memref_slice %arg2[%shift_right_arithmetic3A_1377, %and3A_1381, %and3A_1383, %dma_start3A_1394] : memref<8x4x2x262144xf32, #tpu.memory_space<hbm>> -> memref<1x1x1x32768xf32, #tpu.memory_space<hbm>>
    %dma_start3A_1396 = tpu.memref_squeeze %dma_start3A_1395 : memref<1x1x1x32768xf32, #tpu.memory_space<hbm>> -> memref<32768xf32, #tpu.memory_space<hbm>>
    tpu.enqueue_dma source(%dma_start3A_1396 : memref<32768xf32, #tpu.memory_space<hbm>>) target(%dma_start3A_1393 : memref<32768xf32, #tpu.memory_space<vmem>>) target_semaphore(%arg5 : memref<!tpu.dma_semaphore, #tpu.memory_space<semaphore_mem>>)
    %mul3A_1397 = arith.constant 2 : i32
    %mul3A_1398 = arith.muli %add3A, %mul3A_1397 : i32
    %add3A_1399 = arith.constant 1 : i32
    %add3A_1400 = arith.addi %mul3A_1398, %add3A_1399 : i32
    %shift_right_arithmetic3A_1401 = arith.constant 3 : i32
    %shift_right_arithmetic3A_1402 = arith.shrsi %add3A_1400, %shift_right_arithmetic3A_1401 : i32
    %shift_right_arithmetic3A_1403 = arith.constant 1 : i32
    %shift_right_arithmetic3A_1404 = arith.shrsi %add3A_1400, %shift_right_arithmetic3A_1403 : i32
    %and3A_1405 = arith.constant 3 : i32
    %and3A_1406 = arith.andi %shift_right_arithmetic3A_1404, %and3A_1405 : i32
    %and3A_1407 = arith.constant 1 : i32
    %and3A_1408 = arith.andi %add3A_1400, %and3A_1407 : i32
    %dma_wait3A_1409 = arith.constant 0 : i32
    %dma_wait3A_1410 = arith.constant 0 : i32
    %dma_wait3A_1411 = tpu.memref_slice %arg4[%dma_wait3A_1409, %dma_wait3A_1410] : memref<2x32768xf32, #tpu.memory_space<vmem>> -> memref<1x32768xf32, #tpu.memory_space<vmem>>
    %dma_wait3A_1412 = tpu.memref_squeeze %dma_wait3A_1411 : memref<1x32768xf32, #tpu.memory_space<vmem>> -> memref<32768xf32, #tpu.memory_space<vmem>>
    %dma_wait3A_1413 = arith.constant 196608 : i32
    %dma_wait3A_1414 = tpu.memref_slice %arg2[%shift_right_arithmetic3A_1402, %and3A_1406, %and3A_1408, %dma_wait3A_1413] : memref<8x4x2x262144xf32, #tpu.memory_space<hbm>> -> memref<1x1x1x32768xf32, #tpu.memory_space<hbm>>
    %dma_wait3A_1415 = tpu.memref_squeeze %dma_wait3A_1414 : memref<1x1x1x32768xf32, #tpu.memory_space<hbm>> -> memref<32768xf32, #tpu.memory_space<hbm>>
    %dma_wait3A_1416 = arith.constant 0 : i32
    %dma_wait3A_1417 = tpu.memref_slice %arg4[%dma_wait3A_1409, %dma_wait3A_1416] : memref<2x32768xf32, #tpu.memory_space<vmem>> -> memref<1x32768xf32, #tpu.memory_space<vmem>>
    %dma_wait3A_1418 = tpu.memref_squeeze %dma_wait3A_1417 : memref<1x32768xf32, #tpu.memory_space<vmem>> -> memref<32768xf32, #tpu.memory_space<vmem>>
    %dma_wait3A_1419 = arith.constant 196608 : i32
    %dma_wait3A_1420 = tpu.memref_slice %arg2[%shift_right_arithmetic3A_1402, %and3A_1406, %and3A_1408, %dma_wait3A_1419] : memref<8x4x2x262144xf32, #tpu.memory_space<hbm>> -> memref<1x1x1x32768xf32, #tpu.memory_space<hbm>>
    %dma_wait3A_1421 = tpu.memref_squeeze %dma_wait3A_1420 : memref<1x1x1x32768xf32, #tpu.memory_space<hbm>> -> memref<32768xf32, #tpu.memory_space<hbm>>
    tpu.wait_dma2 semaphore(%arg5 : memref<!tpu.dma_semaphore, #tpu.memory_space<semaphore_mem>>) src(%dma_wait3A_1421 : memref<32768xf32, #tpu.memory_space<hbm>>) dst(%dma_wait3A_1418 : memref<32768xf32, #tpu.memory_space<vmem>>)
    %mul3A_1422 = arith.constant 2 : i32
    %mul3A_1423 = arith.muli %add3A, %mul3A_1422 : i32
    %add3A_1424 = arith.constant 1 : i32
    %add3A_1425 = arith.addi %mul3A_1423, %add3A_1424 : i32
    %shift_right_arithmetic3A_1426 = arith.constant 3 : i32
    %shift_right_arithmetic3A_1427 = arith.shrsi %add3A_1425, %shift_right_arithmetic3A_1426 : i32
    %shift_right_arithmetic3A_1428 = arith.constant 1 : i32
    %shift_right_arithmetic3A_1429 = arith.shrsi %add3A_1425, %shift_right_arithmetic3A_1428 : i32
    %and3A_1430 = arith.constant 3 : i32
    %and3A_1431 = arith.andi %shift_right_arithmetic3A_1429, %and3A_1430 : i32
    %and3A_1432 = arith.constant 1 : i32
    %and3A_1433 = arith.andi %add3A_1425, %and3A_1432 : i32
    %dma_start3A_1434 = arith.constant 0 : i32
    %dma_start3A_1435 = arith.constant 0 : i32
    %dma_start3A_1436 = tpu.memref_slice %arg4[%dma_start3A_1434, %dma_start3A_1435] : memref<2x32768xf32, #tpu.memory_space<vmem>> -> memref<1x32768xf32, #tpu.memory_space<vmem>>
    %dma_start3A_1437 = tpu.memref_squeeze %dma_start3A_1436 : memref<1x32768xf32, #tpu.memory_space<vmem>> -> memref<32768xf32, #tpu.memory_space<vmem>>
    %dma_start3A_1438 = arith.constant 196608 : i32
    %dma_start3A_1439 = tpu.memref_slice %arg3[%shift_right_arithmetic3A_1427, %and3A_1431, %and3A_1433, %dma_start3A_1438] : memref<8x4x2x262144xf32, #tpu.memory_space<hbm>> -> memref<1x1x1x32768xf32, #tpu.memory_space<hbm>>
    %dma_start3A_1440 = tpu.memref_squeeze %dma_start3A_1439 : memref<1x1x1x32768xf32, #tpu.memory_space<hbm>> -> memref<32768xf32, #tpu.memory_space<hbm>>
    %dma_start3A_1441 = arith.constant 196608 : i32
    %dma_start3A_1442 = tpu.memref_slice %arg3[%shift_right_arithmetic3A_1427, %and3A_1431, %and3A_1433, %dma_start3A_1441] : memref<8x4x2x262144xf32, #tpu.memory_space<hbm>> -> memref<1x1x1x32768xf32, #tpu.memory_space<hbm>>
    %dma_start3A_1443 = tpu.memref_squeeze %dma_start3A_1442 : memref<1x1x1x32768xf32, #tpu.memory_space<hbm>> -> memref<32768xf32, #tpu.memory_space<hbm>>
    %dma_start3A_1444 = arith.constant 0 : i32
    %dma_start3A_1445 = tpu.memref_slice %arg4[%dma_start3A_1434, %dma_start3A_1444] : memref<2x32768xf32, #tpu.memory_space<vmem>> -> memref<1x32768xf32, #tpu.memory_space<vmem>>
    %dma_start3A_1446 = tpu.memref_squeeze %dma_start3A_1445 : memref<1x32768xf32, #tpu.memory_space<vmem>> -> memref<32768xf32, #tpu.memory_space<vmem>>
    tpu.enqueue_dma source(%dma_start3A_1446 : memref<32768xf32, #tpu.memory_space<vmem>>) target(%dma_start3A_1443 : memref<32768xf32, #tpu.memory_space<hbm>>) target_semaphore(%arg7 : memref<!tpu.dma_semaphore, #tpu.memory_space<semaphore_mem>>)
    %mul3A_1447 = arith.constant 2 : i32
    %mul3A_1448 = arith.muli %add3A, %mul3A_1447 : i32
    %add3A_1449 = arith.constant 1 : i32
    %add3A_1450 = arith.addi %mul3A_1448, %add3A_1449 : i32
    %shift_right_arithmetic3A_1451 = arith.constant 3 : i32
    %shift_right_arithmetic3A_1452 = arith.shrsi %add3A_1450, %shift_right_arithmetic3A_1451 : i32
    %shift_right_arithmetic3A_1453 = arith.constant 1 : i32
    %shift_right_arithmetic3A_1454 = arith.shrsi %add3A_1450, %shift_right_arithmetic3A_1453 : i32
    %and3A_1455 = arith.constant 3 : i32
    %and3A_1456 = arith.andi %shift_right_arithmetic3A_1454, %and3A_1455 : i32
    %and3A_1457 = arith.constant 1 : i32
    %and3A_1458 = arith.andi %add3A_1450, %and3A_1457 : i32
    %dma_wait3A_1459 = arith.constant 1 : i32
    %dma_wait3A_1460 = arith.constant 0 : i32
    %dma_wait3A_1461 = tpu.memref_slice %arg4[%dma_wait3A_1459, %dma_wait3A_1460] : memref<2x32768xf32, #tpu.memory_space<vmem>> -> memref<1x32768xf32, #tpu.memory_space<vmem>>
    %dma_wait3A_1462 = tpu.memref_squeeze %dma_wait3A_1461 : memref<1x32768xf32, #tpu.memory_space<vmem>> -> memref<32768xf32, #tpu.memory_space<vmem>>
    %dma_wait3A_1463 = arith.constant 163840 : i32
    %dma_wait3A_1464 = tpu.memref_slice %arg3[%shift_right_arithmetic3A_1452, %and3A_1456, %and3A_1458, %dma_wait3A_1463] : memref<8x4x2x262144xf32, #tpu.memory_space<hbm>> -> memref<1x1x1x32768xf32, #tpu.memory_space<hbm>>
    %dma_wait3A_1465 = tpu.memref_squeeze %dma_wait3A_1464 : memref<1x1x1x32768xf32, #tpu.memory_space<hbm>> -> memref<32768xf32, #tpu.memory_space<hbm>>
    %dma_wait3A_1466 = arith.constant 163840 : i32
    %dma_wait3A_1467 = tpu.memref_slice %arg3[%shift_right_arithmetic3A_1452, %and3A_1456, %and3A_1458, %dma_wait3A_1466] : memref<8x4x2x262144xf32, #tpu.memory_space<hbm>> -> memref<1x1x1x32768xf32, #tpu.memory_space<hbm>>
    %dma_wait3A_1468 = tpu.memref_squeeze %dma_wait3A_1467 : memref<1x1x1x32768xf32, #tpu.memory_space<hbm>> -> memref<32768xf32, #tpu.memory_space<hbm>>
    %dma_wait3A_1469 = arith.constant 0 : i32
    %dma_wait3A_1470 = tpu.memref_slice %arg4[%dma_wait3A_1459, %dma_wait3A_1469] : memref<2x32768xf32, #tpu.memory_space<vmem>> -> memref<1x32768xf32, #tpu.memory_space<vmem>>
    %dma_wait3A_1471 = tpu.memref_squeeze %dma_wait3A_1470 : memref<1x32768xf32, #tpu.memory_space<vmem>> -> memref<32768xf32, #tpu.memory_space<vmem>>
    tpu.wait_dma2 semaphore(%arg8 : memref<!tpu.dma_semaphore, #tpu.memory_space<semaphore_mem>>) src(%dma_wait3A_1471 : memref<32768xf32, #tpu.memory_space<vmem>>) dst(%dma_wait3A_1468 : memref<32768xf32, #tpu.memory_space<hbm>>)
    %mul3A_1472 = arith.constant 2 : i32
    %mul3A_1473 = arith.muli %add3A, %mul3A_1472 : i32
    %add3A_1474 = arith.constant 1 : i32
    %add3A_1475 = arith.addi %mul3A_1473, %add3A_1474 : i32
    %shift_right_arithmetic3A_1476 = arith.constant 3 : i32
    %shift_right_arithmetic3A_1477 = arith.shrsi %add3A_1475, %shift_right_arithmetic3A_1476 : i32
    %shift_right_arithmetic3A_1478 = arith.constant 1 : i32
    %shift_right_arithmetic3A_1479 = arith.shrsi %add3A_1475, %shift_right_arithmetic3A_1478 : i32
    %and3A_1480 = arith.constant 3 : i32
    %and3A_1481 = arith.andi %shift_right_arithmetic3A_1479, %and3A_1480 : i32
    %and3A_1482 = arith.constant 1 : i32
    %and3A_1483 = arith.andi %add3A_1475, %and3A_1482 : i32
    %dma_start3A_1484 = arith.constant 1 : i32
    %dma_start3A_1485 = arith.constant 0 : i32
    %dma_start3A_1486 = tpu.memref_slice %arg4[%dma_start3A_1484, %dma_start3A_1485] : memref<2x32768xf32, #tpu.memory_space<vmem>> -> memref<1x32768xf32, #tpu.memory_space<vmem>>
    %dma_start3A_1487 = tpu.memref_squeeze %dma_start3A_1486 : memref<1x32768xf32, #tpu.memory_space<vmem>> -> memref<32768xf32, #tpu.memory_space<vmem>>
    %dma_start3A_1488 = arith.constant 229376 : i32
    %dma_start3A_1489 = tpu.memref_slice %arg2[%shift_right_arithmetic3A_1477, %and3A_1481, %and3A_1483, %dma_start3A_1488] : memref<8x4x2x262144xf32, #tpu.memory_space<hbm>> -> memref<1x1x1x32768xf32, #tpu.memory_space<hbm>>
    %dma_start3A_1490 = tpu.memref_squeeze %dma_start3A_1489 : memref<1x1x1x32768xf32, #tpu.memory_space<hbm>> -> memref<32768xf32, #tpu.memory_space<hbm>>
    %dma_start3A_1491 = arith.constant 0 : i32
    %dma_start3A_1492 = tpu.memref_slice %arg4[%dma_start3A_1484, %dma_start3A_1491] : memref<2x32768xf32, #tpu.memory_space<vmem>> -> memref<1x32768xf32, #tpu.memory_space<vmem>>
    %dma_start3A_1493 = tpu.memref_squeeze %dma_start3A_1492 : memref<1x32768xf32, #tpu.memory_space<vmem>> -> memref<32768xf32, #tpu.memory_space<vmem>>
    %dma_start3A_1494 = arith.constant 229376 : i32
    %dma_start3A_1495 = tpu.memref_slice %arg2[%shift_right_arithmetic3A_1477, %and3A_1481, %and3A_1483, %dma_start3A_1494] : memref<8x4x2x262144xf32, #tpu.memory_space<hbm>> -> memref<1x1x1x32768xf32, #tpu.memory_space<hbm>>
    %dma_start3A_1496 = tpu.memref_squeeze %dma_start3A_1495 : memref<1x1x1x32768xf32, #tpu.memory_space<hbm>> -> memref<32768xf32, #tpu.memory_space<hbm>>
    tpu.enqueue_dma source(%dma_start3A_1496 : memref<32768xf32, #tpu.memory_space<hbm>>) target(%dma_start3A_1493 : memref<32768xf32, #tpu.memory_space<vmem>>) target_semaphore(%arg6 : memref<!tpu.dma_semaphore, #tpu.memory_space<semaphore_mem>>)
    %mul3A_1497 = arith.constant 2 : i32
    %mul3A_1498 = arith.muli %add3A, %mul3A_1497 : i32
    %add3A_1499 = arith.constant 1 : i32
    %add3A_1500 = arith.addi %mul3A_1498, %add3A_1499 : i32
    %shift_right_arithmetic3A_1501 = arith.constant 3 : i32
    %shift_right_arithmetic3A_1502 = arith.shrsi %add3A_1500, %shift_right_arithmetic3A_1501 : i32
    %shift_right_arithmetic3A_1503 = arith.constant 1 : i32
    %shift_right_arithmetic3A_1504 = arith.shrsi %add3A_1500, %shift_right_arithmetic3A_1503 : i32
    %and3A_1505 = arith.constant 3 : i32
    %and3A_1506 = arith.andi %shift_right_arithmetic3A_1504, %and3A_1505 : i32
    %and3A_1507 = arith.constant 1 : i32
    %and3A_1508 = arith.andi %add3A_1500, %and3A_1507 : i32
    %dma_wait3A_1509 = arith.constant 1 : i32
    %dma_wait3A_1510 = arith.constant 0 : i32
    %dma_wait3A_1511 = tpu.memref_slice %arg4[%dma_wait3A_1509, %dma_wait3A_1510] : memref<2x32768xf32, #tpu.memory_space<vmem>> -> memref<1x32768xf32, #tpu.memory_space<vmem>>
    %dma_wait3A_1512 = tpu.memref_squeeze %dma_wait3A_1511 : memref<1x32768xf32, #tpu.memory_space<vmem>> -> memref<32768xf32, #tpu.memory_space<vmem>>
    %dma_wait3A_1513 = arith.constant 229376 : i32
    %dma_wait3A_1514 = tpu.memref_slice %arg2[%shift_right_arithmetic3A_1502, %and3A_1506, %and3A_1508, %dma_wait3A_1513] : memref<8x4x2x262144xf32, #tpu.memory_space<hbm>> -> memref<1x1x1x32768xf32, #tpu.memory_space<hbm>>
    %dma_wait3A_1515 = tpu.memref_squeeze %dma_wait3A_1514 : memref<1x1x1x32768xf32, #tpu.memory_space<hbm>> -> memref<32768xf32, #tpu.memory_space<hbm>>
    %dma_wait3A_1516 = arith.constant 0 : i32
    %dma_wait3A_1517 = tpu.memref_slice %arg4[%dma_wait3A_1509, %dma_wait3A_1516] : memref<2x32768xf32, #tpu.memory_space<vmem>> -> memref<1x32768xf32, #tpu.memory_space<vmem>>
    %dma_wait3A_1518 = tpu.memref_squeeze %dma_wait3A_1517 : memref<1x32768xf32, #tpu.memory_space<vmem>> -> memref<32768xf32, #tpu.memory_space<vmem>>
    %dma_wait3A_1519 = arith.constant 229376 : i32
    %dma_wait3A_1520 = tpu.memref_slice %arg2[%shift_right_arithmetic3A_1502, %and3A_1506, %and3A_1508, %dma_wait3A_1519] : memref<8x4x2x262144xf32, #tpu.memory_space<hbm>> -> memref<1x1x1x32768xf32, #tpu.memory_space<hbm>>
    %dma_wait3A_1521 = tpu.memref_squeeze %dma_wait3A_1520 : memref<1x1x1x32768xf32, #tpu.memory_space<hbm>> -> memref<32768xf32, #tpu.memory_space<hbm>>
    tpu.wait_dma2 semaphore(%arg6 : memref<!tpu.dma_semaphore, #tpu.memory_space<semaphore_mem>>) src(%dma_wait3A_1521 : memref<32768xf32, #tpu.memory_space<hbm>>) dst(%dma_wait3A_1518 : memref<32768xf32, #tpu.memory_space<vmem>>)
    %mul3A_1522 = arith.constant 2 : i32
    %mul3A_1523 = arith.muli %add3A, %mul3A_1522 : i32
    %add3A_1524 = arith.constant 1 : i32
    %add3A_1525 = arith.addi %mul3A_1523, %add3A_1524 : i32
    %shift_right_arithmetic3A_1526 = arith.constant 3 : i32
    %shift_right_arithmetic3A_1527 = arith.shrsi %add3A_1525, %shift_right_arithmetic3A_1526 : i32
    %shift_right_arithmetic3A_1528 = arith.constant 1 : i32
    %shift_right_arithmetic3A_1529 = arith.shrsi %add3A_1525, %shift_right_arithmetic3A_1528 : i32
    %and3A_1530 = arith.constant 3 : i32
    %and3A_1531 = arith.andi %shift_right_arithmetic3A_1529, %and3A_1530 : i32
    %and3A_1532 = arith.constant 1 : i32
    %and3A_1533 = arith.andi %add3A_1525, %and3A_1532 : i32
    %dma_start3A_1534 = arith.constant 1 : i32
    %dma_start3A_1535 = arith.constant 0 : i32
    %dma_start3A_1536 = tpu.memref_slice %arg4[%dma_start3A_1534, %dma_start3A_1535] : memref<2x32768xf32, #tpu.memory_space<vmem>> -> memref<1x32768xf32, #tpu.memory_space<vmem>>
    %dma_start3A_1537 = tpu.memref_squeeze %dma_start3A_1536 : memref<1x32768xf32, #tpu.memory_space<vmem>> -> memref<32768xf32, #tpu.memory_space<vmem>>
    %dma_start3A_1538 = arith.constant 229376 : i32
    %dma_start3A_1539 = tpu.memref_slice %arg3[%shift_right_arithmetic3A_1527, %and3A_1531, %and3A_1533, %dma_start3A_1538] : memref<8x4x2x262144xf32, #tpu.memory_space<hbm>> -> memref<1x1x1x32768xf32, #tpu.memory_space<hbm>>
    %dma_start3A_1540 = tpu.memref_squeeze %dma_start3A_1539 : memref<1x1x1x32768xf32, #tpu.memory_space<hbm>> -> memref<32768xf32, #tpu.memory_space<hbm>>
    %dma_start3A_1541 = arith.constant 229376 : i32
    %dma_start3A_1542 = tpu.memref_slice %arg3[%shift_right_arithmetic3A_1527, %and3A_1531, %and3A_1533, %dma_start3A_1541] : memref<8x4x2x262144xf32, #tpu.memory_space<hbm>> -> memref<1x1x1x32768xf32, #tpu.memory_space<hbm>>
    %dma_start3A_1543 = tpu.memref_squeeze %dma_start3A_1542 : memref<1x1x1x32768xf32, #tpu.memory_space<hbm>> -> memref<32768xf32, #tpu.memory_space<hbm>>
    %dma_start3A_1544 = arith.constant 0 : i32
    %dma_start3A_1545 = tpu.memref_slice %arg4[%dma_start3A_1534, %dma_start3A_1544] : memref<2x32768xf32, #tpu.memory_space<vmem>> -> memref<1x32768xf32, #tpu.memory_space<vmem>>
    %dma_start3A_1546 = tpu.memref_squeeze %dma_start3A_1545 : memref<1x32768xf32, #tpu.memory_space<vmem>> -> memref<32768xf32, #tpu.memory_space<vmem>>
    tpu.enqueue_dma source(%dma_start3A_1546 : memref<32768xf32, #tpu.memory_space<vmem>>) target(%dma_start3A_1543 : memref<32768xf32, #tpu.memory_space<hbm>>) target_semaphore(%arg8 : memref<!tpu.dma_semaphore, #tpu.memory_space<semaphore_mem>>)
    %mul3A_1547 = arith.constant 2 : i32
    %mul3A_1548 = arith.muli %add3A, %mul3A_1547 : i32
    %add3A_1549 = arith.constant 1 : i32
    %add3A_1550 = arith.addi %mul3A_1548, %add3A_1549 : i32
    %shift_right_arithmetic3A_1551 = arith.constant 3 : i32
    %shift_right_arithmetic3A_1552 = arith.shrsi %add3A_1550, %shift_right_arithmetic3A_1551 : i32
    %shift_right_arithmetic3A_1553 = arith.constant 1 : i32
    %shift_right_arithmetic3A_1554 = arith.shrsi %add3A_1550, %shift_right_arithmetic3A_1553 : i32
    %and3A_1555 = arith.constant 3 : i32
    %and3A_1556 = arith.andi %shift_right_arithmetic3A_1554, %and3A_1555 : i32
    %and3A_1557 = arith.constant 1 : i32
    %and3A_1558 = arith.andi %add3A_1550, %and3A_1557 : i32
    %dma_wait3A_1559 = arith.constant 0 : i32
    %dma_wait3A_1560 = arith.constant 0 : i32
    %dma_wait3A_1561 = tpu.memref_slice %arg4[%dma_wait3A_1559, %dma_wait3A_1560] : memref<2x32768xf32, #tpu.memory_space<vmem>> -> memref<1x32768xf32, #tpu.memory_space<vmem>>
    %dma_wait3A_1562 = tpu.memref_squeeze %dma_wait3A_1561 : memref<1x32768xf32, #tpu.memory_space<vmem>> -> memref<32768xf32, #tpu.memory_space<vmem>>
    %dma_wait3A_1563 = arith.constant 196608 : i32
    %dma_wait3A_1564 = tpu.memref_slice %arg3[%shift_right_arithmetic3A_1552, %and3A_1556, %and3A_1558, %dma_wait3A_1563] : memref<8x4x2x262144xf32, #tpu.memory_space<hbm>> -> memref<1x1x1x32768xf32, #tpu.memory_space<hbm>>
    %dma_wait3A_1565 = tpu.memref_squeeze %dma_wait3A_1564 : memref<1x1x1x32768xf32, #tpu.memory_space<hbm>> -> memref<32768xf32, #tpu.memory_space<hbm>>
    %dma_wait3A_1566 = arith.constant 196608 : i32
    %dma_wait3A_1567 = tpu.memref_slice %arg3[%shift_right_arithmetic3A_1552, %and3A_1556, %and3A_1558, %dma_wait3A_1566] : memref<8x4x2x262144xf32, #tpu.memory_space<hbm>> -> memref<1x1x1x32768xf32, #tpu.memory_space<hbm>>
    %dma_wait3A_1568 = tpu.memref_squeeze %dma_wait3A_1567 : memref<1x1x1x32768xf32, #tpu.memory_space<hbm>> -> memref<32768xf32, #tpu.memory_space<hbm>>
    %dma_wait3A_1569 = arith.constant 0 : i32
    %dma_wait3A_1570 = tpu.memref_slice %arg4[%dma_wait3A_1559, %dma_wait3A_1569] : memref<2x32768xf32, #tpu.memory_space<vmem>> -> memref<1x32768xf32, #tpu.memory_space<vmem>>
    %dma_wait3A_1571 = tpu.memref_squeeze %dma_wait3A_1570 : memref<1x32768xf32, #tpu.memory_space<vmem>> -> memref<32768xf32, #tpu.memory_space<vmem>>
    tpu.wait_dma2 semaphore(%arg7 : memref<!tpu.dma_semaphore, #tpu.memory_space<semaphore_mem>>) src(%dma_wait3A_1571 : memref<32768xf32, #tpu.memory_space<vmem>>) dst(%dma_wait3A_1568 : memref<32768xf32, #tpu.memory_space<hbm>>)
    %mul3A_1572 = arith.constant 2 : i32
    %mul3A_1573 = arith.muli %add3A, %mul3A_1572 : i32
    %add3A_1574 = arith.constant 1 : i32
    %add3A_1575 = arith.addi %mul3A_1573, %add3A_1574 : i32
    %shift_right_arithmetic3A_1576 = arith.constant 3 : i32
    %shift_right_arithmetic3A_1577 = arith.shrsi %add3A_1575, %shift_right_arithmetic3A_1576 : i32
    %shift_right_arithmetic3A_1578 = arith.constant 1 : i32
    %shift_right_arithmetic3A_1579 = arith.shrsi %add3A_1575, %shift_right_arithmetic3A_1578 : i32
    %and3A_1580 = arith.constant 3 : i32
    %and3A_1581 = arith.andi %shift_right_arithmetic3A_1579, %and3A_1580 : i32
    %and3A_1582 = arith.constant 1 : i32
    %and3A_1583 = arith.andi %add3A_1575, %and3A_1582 : i32
    %dma_wait3A_1584 = arith.constant 1 : i32
    %dma_wait3A_1585 = arith.constant 0 : i32
    %dma_wait3A_1586 = tpu.memref_slice %arg4[%dma_wait3A_1584, %dma_wait3A_1585] : memref<2x32768xf32, #tpu.memory_space<vmem>> -> memref<1x32768xf32, #tpu.memory_space<vmem>>
    %dma_wait3A_1587 = tpu.memref_squeeze %dma_wait3A_1586 : memref<1x32768xf32, #tpu.memory_space<vmem>> -> memref<32768xf32, #tpu.memory_space<vmem>>
    %dma_wait3A_1588 = arith.constant 229376 : i32
    %dma_wait3A_1589 = tpu.memref_slice %arg3[%shift_right_arithmetic3A_1577, %and3A_1581, %and3A_1583, %dma_wait3A_1588] : memref<8x4x2x262144xf32, #tpu.memory_space<hbm>> -> memref<1x1x1x32768xf32, #tpu.memory_space<hbm>>
    %dma_wait3A_1590 = tpu.memref_squeeze %dma_wait3A_1589 : memref<1x1x1x32768xf32, #tpu.memory_space<hbm>> -> memref<32768xf32, #tpu.memory_space<hbm>>
    %dma_wait3A_1591 = arith.constant 229376 : i32
    %dma_wait3A_1592 = tpu.memref_slice %arg3[%shift_right_arithmetic3A_1577, %and3A_1581, %and3A_1583, %dma_wait3A_1591] : memref<8x4x2x262144xf32, #tpu.memory_space<hbm>> -> memref<1x1x1x32768xf32, #tpu.memory_space<hbm>>
    %dma_wait3A_1593 = tpu.memref_squeeze %dma_wait3A_1592 : memref<1x1x1x32768xf32, #tpu.memory_space<hbm>> -> memref<32768xf32, #tpu.memory_space<hbm>>
    %dma_wait3A_1594 = arith.constant 0 : i32
    %dma_wait3A_1595 = tpu.memref_slice %arg4[%dma_wait3A_1584, %dma_wait3A_1594] : memref<2x32768xf32, #tpu.memory_space<vmem>> -> memref<1x32768xf32, #tpu.memory_space<vmem>>
    %dma_wait3A_1596 = tpu.memref_squeeze %dma_wait3A_1595 : memref<1x32768xf32, #tpu.memory_space<vmem>> -> memref<32768xf32, #tpu.memory_space<vmem>>
    tpu.wait_dma2 semaphore(%arg8 : memref<!tpu.dma_semaphore, #tpu.memory_space<semaphore_mem>>) src(%dma_wait3A_1596 : memref<32768xf32, #tpu.memory_space<vmem>>) dst(%dma_wait3A_1593 : memref<32768xf32, #tpu.memory_space<hbm>>)
    return
  }
}

</mosaic_0001>

<sc_bundles>
// kernel: kernel.3.cloned.1.call-start
scs
__scs_entry_jumppad:
0x0: {  	(pc) =	sbr.rel $0x88, $3  }
0x1: {  	(tag) =	ssettag $0x0;
	lr =	simm.s32 $0x1  }
0x2: {  	[smem:$0x3FA0] =	sst lr;
	_ =	strace $0xD0000000  }
0x3: {  	_ = 	snop  }
0x4: {  	_ = 	snop  }
0x5: {  	_ = 	snop  }
0x6: {  	_ = 	snop  }
0x7: {  	_ = 	snop  }
__scs_overlays_trampoline_lowered:
0x8: {  	[smem:$0x3FAF] =	sst s0  }
0x9: {  	[smem:$0x3FB0] =	sst s1  }
0xa: {  	[smem:$0x3FB1] =	sst s2  }
0xb: {  	[smem:$0x3FB2] =	sst s3  }
0xc: {  	[smem:$0x3FB3] =	sst s4  }
0xd: {  	[smem:$0x3FB4] =	sst s5  }
0xe: {  	[smem:$0x3FB5] =	sst s6  }
0xf: {  	[smem:$0x3FB6] =	sst s7  }
0x10: {  	[smem:$0x3FB7] =	sst s8  }
0x11: {  	[smem:$0x3FB8] =	sst s9;
	s0 =	simm.s32 @!p0 $0x0  }
0x12: {  	s1 =	sld [smem:$0x3F9E];
	s0 =	simm.s32 @p0 $0x1  }
0x13: {  	[smem:$0x3FB9] =	sst s0;
	s0 =	simm.s32 @!p1 $0x0  }
0x14: {  	s2 =	sld [smem:$0x3F9D];
	s0 =	simm.s32 @p1 $0x1  }
0x15: {  	[smem:$0x3FBA] =	sst s0;
	s0 =	simm.s32 @!p2 $0x0  }
0x16: {  	s3 =	sld [smem:$0x3FDB];
	s0 =	simm.s32 @p2 $0x1  }
0x17: {  	s4 =	simm.s32 $0x1BF5;
	[smem:$0x3FBC] =	sst s0  }
0x18: {  	s0 =	sld [smem:$0x3F9F];
	_ =	swait.ge [sflag:s4], $0x0  }
0x19: {  	s7 =	sld [smem:$0x3FA0]  }
0x1a: {  	s8 =	sadd.s32 $0xFFFFE003, lr  }
0x1b: {  	s9 =	sadd.s32 $0xFFFFFEF7, lr;
	s5 =	simm.s32 $0xFFFFFFFF;
	p2 =	slt.u32 s8, $0xFFFFF086  }
0x1c: {  	p1 =	slt.u32 s9, $0xF7A;
	s5 =	simm.s32 @!p2 $0x0  }
0x1d: {  	s5 =	simm.s32 @p1 $0x1;
	p0 =	seq.s32 s7, s2  }
0x1e: {  	s7 =	smul.u32 @!p0 $0xF7A, s2;
	p2 =	seq.s32 @!p0 s5, $0x0  }
0x1f: {  	s9 =	smul.u32 $0xF7A, s1;
	s8 =	simm.s32 @!p0 $0x1BF5;
	p2 =	por !p2, p0  }
0x20: {  	[sflag:s8] =	ssyncset.s32 @!p0 $0xFFFFF086;
	s6 =	sadd.s32 @!p0 s3, s7;
	s7 =	simm.s32 @!p0 $0x108  }
0x21: {  	s3 =	sadd.s32 s3, s9;
	s6 =	sadd.s32 @!p0 $0x88, s6;
	s7 =	simm.s32 @p2 $0x1082  }
0x22: {  	[simem:s7], [sflag:s8] =	dma.local @!p0 [hbm:s6], $0xF7A  }
0x23: {  	s9 =	sor.u32 $0xD0000000, s2;
	s6 =	simm.s32 $0x108;
	_ =	swait.ge @!p0 [sflag:s8], $0x0  }
0x24: {  	s3 =	sadd.s32 $0x88, s3;
	s6 =	simm.s32 @!p1 $0x1082;
	[sflag:s4] =	ssyncset.s32 $0xFFFFF086  }
0x25: {  	[simem:s6], [sflag:s4] =	dma.local [hbm:s3], $0xF7A  }
0x26: {  	[smem:$0x3FA0] =	sst s1;
	(tag) =	ssettag s2;
	_ =	strace s9  }
0x27: {  	s1 =	sld [smem:$0x3FB0]  }
0x28: {  	s2 =	sld [smem:$0x3FB1]  }
0x29: {  	s4 =	sld [smem:$0x3FB3]  }
0x2a: {  	p0 =	seq.s32 s5, $0x0;
	s5 =	sld [smem:$0x3FB4]  }
0x2b: {  	s6 =	sld [smem:$0x3FB5]  }
0x2c: {  	s7 =	sld [smem:$0x3FB6]  }
0x2d: {  	s3 =	simm.s32 $0x108;
	s8 =	sld [smem:$0x3FB7]  }
0x2e: {  	s3 =	simm.s32 @!p0 $0x1082;
	s9 =	sld [smem:$0x3FB8]  }
0x2f: {  	lr =	sadd.s32 s0, s3;
	s0 =	sld [smem:$0x3FAF]  }
0x30: {  	s3 =	sld [smem:$0x3FB2]  }
0x31: {  	[smem:$0x3FBB] =	sst s10  }
0x32: {  	s10 =	sld [smem:$0x3FB9];
	_ =	sdelay $0x3  }
0x33: {  	p0 =	seq.s32 s10, $0x1;
	s10 =	sld [smem:$0x3FBB];
	_ =	sdelay $0x3  }
0x34: {  	[smem:$0x3FBB] =	sst s10  }
0x35: {  	s10 =	sld [smem:$0x3FBA];
	_ =	sdelay $0x3  }
0x36: {  	p1 =	seq.s32 s10, $0x1;
	s10 =	sld [smem:$0x3FBB];
	_ =	sdelay $0x3  }
0x37: {  	[smem:$0x3FBB] =	sst s10  }
0x38: {  	s10 =	sld [smem:$0x3FBC]  }
0x39: {  	_ = 	snop;
	(pc) =	sbr.ind lr, $3  }
0x3a: {  	_ = 	snop  }
0x3b: {  	_ = 	snop  }
0x3c: {  	p2 =	seq.s32 s10, $0x1;
	s10 =	sld [smem:$0x3FBB]  }
0x3d: {  	_ =	shalt  }
0x3e: {  	_ =	shalt  }
0x3f: {  	_ =	shalt  }
0x40: {  	_ =	shalt  }
0x41: {  	_ =	shalt  }
0x42: {  	_ =	shalt  }
0x43: {  	_ =	shalt  }
0x44: {  	_ =	shalt  }
0x45: {  	_ =	shalt  }
0x46: {  	_ =	shalt  }
0x47: {  	_ =	shalt  }
0x48: {  	_ =	shalt  }
0x49: {  	_ =	shalt  }
0x4a: {  	_ =	shalt  }
0x4b: {  	_ =	shalt  }
0x4c: {  	_ =	shalt  }
0x4d: {  	_ =	shalt  }
0x4e: {  	_ =	shalt  }
0x4f: {  	_ =	shalt  }
0x50: {  	_ =	shalt  }
0x51: {  	_ =	shalt  }
0x52: {  	_ =	shalt  }
0x53: {  	_ =	shalt  }
0x54: {  	_ =	shalt  }
0x55: {  	_ =	shalt  }
0x56: {  	_ =	shalt  }
0x57: {  	_ =	shalt  }
0x58: {  	_ =	shalt  }
0x59: {  	_ =	shalt  }
0x5a: {  	_ =	shalt  }
0x5b: {  	_ =	shalt  }
0x5c: {  	_ =	shalt  }
0x5d: {  	_ =	shalt  }
0x5e: {  	_ =	shalt  }
0x5f: {  	_ =	shalt  }
0x60: {  	_ =	shalt  }
0x61: {  	_ =	shalt  }
0x62: {  	_ =	shalt  }
0x63: {  	_ =	shalt  }
0x64: {  	_ =	shalt  }
0x65: {  	_ =	shalt  }
0x66: {  	_ =	shalt  }
0x67: {  	_ =	shalt  }
0x68: {  	_ =	shalt  }
0x69: {  	_ =	shalt  }
0x6a: {  	_ =	shalt  }
0x6b: {  	_ =	shalt  }
0x6c: {  	_ =	shalt  }
0x6d: {  	_ =	shalt  }
0x6e: {  	_ =	shalt  }
0x6f: {  	_ =	shalt  }
0x70: {  	_ =	shalt  }
0x71: {  	_ =	shalt  }
0x72: {  	_ =	shalt  }
0x73: {  	_ =	shalt  }
0x74: {  	_ =	shalt  }
0x75: {  	_ =	shalt  }
0x76: {  	_ =	shalt  }
0x77: {  	_ =	shalt  }
0x78: {  	_ =	shalt  }
0x79: {  	_ =	shalt  }
0x7a: {  	_ =	shalt  }
0x7b: {  	_ =	shalt  }
0x7c: {  	_ =	shalt  }
0x7d: {  	_ =	shalt  }
0x7e: {  	_ =	shalt  }
0x7f: {  	_ =	shalt  }
0x80: {  	_ =	shalt  }
0x81: {  	_ =	shalt  }
0x82: {  	_ =	shalt  }
0x83: {  	_ =	shalt  }
0x84: {  	_ =	shalt  }
0x85: {  	_ =	shalt  }
0x86: {  	_ =	shalt  }
0x87: {  	_ =	shalt  }
.Lfunc_end0:
.L_simem_size_0:
called_computation_lowered:
.L_overlay_start_0:
0x88: {  	s2 =	sld [smem:$0x3FD9]  }
0x89: {  	s3 =	sld [smem:$0x3FFE];
	_ =	sdelay $0x1  }
0x8a: {  	s1 =	srdreg.scid  }
0x8b: {  	s0 =	sand.u32 $0x1, s1  }
0x8c: {  	s18 =	sshll.u32 s0, $0xA;
	s2 =	sadd.s32 s3, s2  }
0x8d: {  	s2 =	sadd.s32 s2, s18  }
0x8e: {  	[smem:$0x3FC7] =	sst s2  }
0x8f: {  	_ = 	snop  }
0x90: {  	s2 =	sld [smem:$0x3FC9]  }
0x91: {  	s19 =	sld [smem:$0x3FD0];
	(tm) =	ssettm $0x1  }
0x92: {  	s4 =	sld [smem:$0x3FFB];
	_ =	sdelay $0x3  }
0x93: {  	_ =	strace s4  }
0x94: {  	s4 =	sld [smem:$0x3FFC];
	_ =	sdelay $0x3  }
0x95: {  	_ =	strace s4  }
0x96: {  	s4 =	sld [smem:$0x3FFD];
	_ =	sdelay $0x3  }
0x97: {  	_ =	strace s4  }
0x98: {  	_ =	strace $0x8FFFFFFF  }
0x99: {  	s20 =	sld [smem:$0x3FDB];
	_ =	sdelay $0x1  }
0x9a: {  	s5 =	simm.s32 $_scs_section_size  }
0x9b: {  	s6 =	simm.s32 $_size__tile_overlayer_lowered;
	s7 =	simm.s32 $_tile_overlayer_lowered  }
0x9c: {  	s23 =	simm.s32 $0x1BFF;
	s22 =	sshll.u32 s7, $0x1;
	s4 =	sadd.s32 s5, s20  }
0x9d: {  	s8 =	simm.s32 $0x0;
	s21 =	sshll.u32 s6, $0x1;
	s6 =	sadd.s32 s22, s4  }
0x9e: {  	[timem:s8], [sflag:s23] =	dma.local [hbm:s6], s21  }
0x9f: {  	_ =	swait.ge [sflag:s23], s21  }
0xa0: {  	s5 =	ssub.s32 $0x0, s21;
	[sflag:s23] =	ssyncset.done $0x0  }
0xa1: {  	[sflag:s23] =	ssyncadd.s32 s5;
	_ =	sdelay $0x1  }
0xa2: {  	s24 =	simm.s32 $0x1B8B  }
0xa3: {  	_ =	swait.ge [sflag:s24], $0x1  }
0xa4: {  	[sflag:s24] =	ssyncset.done $0x0  }
0xa5: {  	s25 =	simm.s32 $0x1B8E;
	[sflag:s24] =	ssyncadd.s32 $0xFFFFFFFF  }
0xa6: {  	s26 =	simm.s32 $execute0_lowered;
	[smem:$0x3FD2] =	sst s25  }
0xa7: {  	s5 =	sshll.u32 s26, $0x1;
	_ =	strace $0x80000046;
	[dreg:$0x1] =	wrdreg $0xFFFFFFFF  }
0xa8: {  	s28 =	simm.s32 $_size_execute0_lowered;
	s4 =	sadd.s32 s4, s5;
	[dreg:$0x0] =	wrdreg $0x0  }
0xa9: {  	s5 =	sshll.u32 s28, $0x1;
	[dreg:$0x2] =	wrdreg s4  }
0xaa: {  	[dreg:$0x3] =	wrdreg s5  }
0xab: {  	[dreg:$0x4] =	wrdreg $0xC0  }
0xac: {  	_ =	task [dreg:s8], $0x5FFFF  }
0xad: {  	[dreg:$0x1] =	wrdreg $0xFFFFFFFF  }
0xae: {  	[dreg:$0x0] =	wrdreg $0x60  }
0xaf: {  	[dreg:$0x2] =	wrdreg s2  }
0xb0: {  	[dreg:$0x3] =	wrdreg s19  }
0xb1: {  	[dreg:$0x4] =	wrdreg $0x9  }
0xb2: {  	_ =	task.clear_ibuf [dreg:s8], $0x5FFFF;
	_ =	strace $0x90000046  }
0xb3: {  	s29 =	simm.s32 $0x9;
	_ =	strace $0x80000048  }
0xb4: {  	_ =	swait.ge [sflag:s29], $0x1  }
0xb5: {  	[sflag:s29] =	ssyncadd.s32 $0xFFFFFFFF  }
0xb6: {  	_ =	strace $0x90000048  }
0xb7: {  	_ =	sfence  }
0xb8: {  	s30 =	sld [smem:$0x0];
	_ =	sdelay $0x2  }
0xb9: {  	s31 =	sshll.u32 s1, $0xD;
	s1 =	sshrl.u32 s1, $0x2  }
0xba: {  	s3 =	sand.u32 $0x4000, s31;
	s1 =	sadd.s32 s1, s30  }
0xbb: {  	s0 =	sor.u32 s3, s0;
	s1 =	sshll.u32 s1, $0x11  }
0xbc: {  	s0 =	sor.u32 s1, s0  }
0xbd: {  	s0 =	sadd.s32 $0x8F2B, s0  }
0xbe: {  	[sflag:s0] =	ssyncadd.remote.s32 $0x1  }
0xbf: {  	_ =	sfence.sel $0xFFFF  }
0xc0: {  	[dreg:$0x0] =	wrdreg $0xFFFFFFFF;
	(pc) =	sbr.abs _section_cstart, $3  }
0xc1: {  	[dreg:$0x1] =	wrdreg $0xFFFFFFFF  }
0xc2: {  	_ =	task.clear_ibuf [dreg:s8], $0x2FFFF;
	_ =	strace $0x9FFFFFFF  }
0xc3: {  	(tm) =	ssettm $0x7FFFFFFF  }
tec
execute0_lowered:
.L_overlay_start_1:
0x0: {  	(tag) =	ssettag $0x1  }
0x1: {  	s0 =	srdreg.scid  }
0x2: {  	s2 =	rddreg [dreg:$0x0];
	s1 =	stileid.u32;
	s0 =	sand.u32 $0x1, s0  }
0x3: {  	s3 =	rddreg [dreg:$0x1];
	s5 =	sshll.u32 s1, $0x11;
	s4 =	ssub.s32 $0x2, s0  }
0x4: {  	s1 =	simm.s32 $0x0;
	s0 =	sshll.u32 s0, $0x10;
	s6 =	sshrl.u32 s4, $0x1  }
0x5: {  	[smem:$0x7FF] =	sst s1;
	s5 =	sor.u32 s0, s5;
	s4 =	ssub.s32 s4, s6  }
0x6: {  	s0 =	sor.u32 $0x2000, s5;
	s11 =	sor.u32 $0x4000, s5;
	s13 =	sor.u32 $0x6000, s5  }
0x7: {  	s15 =	sor.u32 $0x8000, s5;
	s17 =	sor.u32 $0xA000, s5;
	s19 =	sor.u32 $0xC000, s5  }
0x8: {  	s21 =	sor.u32 $0xE000, s5;
	s22 =	sor.u32 $0x10, s5;
	s23 =	sor.u32 $0x2010, s5  }
0x9: {  	s24 =	sor.u32 $0x4010, s5;
	s25 =	sor.u32 $0x6010, s5;
	s26 =	sor.u32 $0x8010, s5  }
0xa: {  	s6 =	sor.u32 $0xA010, s5;
	s7 =	sor.u32 $0xC010, s5;
	s29 =	sadd.s32 s2, s5  }
0xb: {  	s10 =	sadd.s32 s2, s0;
	s8 =	sadd.s32 s3, s0;
	s12 =	sadd.s32 s2, s11  }
0xc: {  	s9 =	sadd.s32 s3, s11;
	s14 =	sadd.s32 s2, s13;
	s16 =	sadd.s32 s2, s15  }
0xd: {  	s11 =	sadd.s32 s3, s15;
	s18 =	sadd.s32 s2, s17;
	[dreg:$0x3] =	wrdreg s10  }
0xe: {  	s20 =	sadd.s32 s2, s19;
	s15 =	sadd.s32 s3, s21;
	[dreg:$0x5] =	wrdreg s12  }
0xf: {  	s28 =	sadd.s32 s3, s6;
	s30 =	sadd.s32 s2, s7;
	[dreg:$0x7] =	wrdreg s14  }
0x10: {  	s31 =	sadd.s32 s3, s7;
	s0 =	sadd.s32 s3, s5;
	[dreg:$0x9] =	wrdreg s16  }
0x11: {  	s5 =	sor.u32 $0xE010, s5;
	s4 =	smax.u32 s4, $0x1;
	[dreg:$0xb] =	wrdreg s18  }
0x12: {  	s10 =	sadd.s32 s3, s13;
	s12 =	sadd.s32 s3, s17;
	[dreg:$0xd] =	wrdreg s20  }
0x13: {  	s13 =	sadd.s32 s3, s19;
	s14 =	sadd.s32 s2, s21;
	s16 =	sadd.s32 s2, s22  }
0x14: {  	s17 =	sadd.s32 s3, s22;
	_ =	strace $0x80000047;
	[dreg:$0xf] =	wrdreg s4  }
0x15: {  	s18 =	sadd.s32 s2, s23;
	s19 =	sadd.s32 s3, s23;
	[dreg:$0x4] =	wrdreg s8  }
0x16: {  	s20 =	sadd.s32 s2, s24;
	s21 =	sadd.s32 s3, s24;
	[dreg:$0x6] =	wrdreg s9  }
0x17: {  	s22 =	sadd.s32 s2, s25;
	s23 =	sadd.s32 s3, s25;
	[dreg:$0x8] =	wrdreg s10  }
0x18: {  	s24 =	sadd.s32 s2, s26;
	s25 =	sadd.s32 s3, s26;
	[dreg:$0xa] =	wrdreg s11  }
0x19: {  	s26 =	sadd.s32 s2, s6;
	s2 =	sadd.s32 s2, s5;
	[dreg:$0xc] =	wrdreg s12  }
0x1a: {  	s3 =	sadd.s32 s3, s5;
	s6 =	simm.s32 $0x0;
	[dreg:$0xe] =	wrdreg s13  }
.LBB2_1:
0x1b: {  	[dreg:$0x10] =	wrdreg s6;
	s4 =	simm.s32 $0x20  }
0x1c: {  	s7 =	sadd.s32 $0x0, s29;
	s5 =	simm.s32 $0x100;
	s6 =	simm.s32 $0x0  }
.LBB2_2:
0x1d: {  	[tilespmem:s6], [sflag:$0x1] =	stream.linear.gather [hbm4b:s7+s1], $0x80, $0x38;
	[tilespmem:$0x10000] =	vst v63  }
0x1e: {  	s7 =	smov.u32 s4;
	s6 =	smov.u32 s5;
	p0 =	sne.s32 s4, $0x1FE0  }
.Ltmp0:
0x1f: {  	s4 =	sadd.s32 $0x20, s4;
	(pc) =	sbr.rel @p0 .LBB2_2-.Ltmp0, $2  }
0x20: {  	_ =	sdelay $0x2  }
0x21: {  	s5 =	sadd.s32 $0x100, s5;
	s7 =	sadd.s32 s7, s29  }
0x22: {  	[tilespmem:s6], [sflag:$0x1] =	stream.linear.gather [hbm4b:s7+s1], $0x80, $0x38;
	[tilespmem:$0x10000] =	vst v63  }
0x23: {  	s4 =	simm.s32 $0x1  }
0x24: {  	_ =	swait.ge [sflag:s4], $0x8000  }
0x25: {  	s5 =	simm.s32 $0x20;
	s7 =	sadd.s32 $0x0, s0;
	[sflag:s4] =	ssyncset.done $0x0  }
0x26: {  	s6 =	simm.s32 $0x100;
	[sflag:s4] =	ssyncadd.s32 $0xFFFF8000;
	s4 =	simm.s32 $0x0  }
.LBB2_4:
0x27: {  	[hbm4b:s7+s1] =	stream.linear.scatter [tilespmem:s4], [sflag:$0x3], $0x80, $0x38;
	[tilespmem:$0x10000] =	vst v63  }
0x28: {  	s7 =	smov.u32 s5;
	s4 =	smov.u32 s6;
	p0 =	sne.s32 s5, $0x1FE0  }
.Ltmp1:
0x29: {  	s5 =	sadd.s32 $0x20, s5;
	(pc) =	sbr.rel @p0 .LBB2_4-.Ltmp1, $2  }
0x2a: {  	_ =	sdelay $0x2  }
0x2b: {  	s6 =	sadd.s32 $0x100, s6;
	s7 =	sadd.s32 s7, s0  }
0x2c: {  	[hbm4b:s7+s1] =	stream.linear.scatter [tilespmem:s4], [sflag:$0x3], $0x80, $0x38;
	[tilespmem:$0x10000] =	vst v63  }
0x2d: {  	s4 =	simm.s32 $0x80;
	s8 =	rddreg [dreg:$0x3]  }
0x2e: {  	s5 =	simm.s32 $0x20;
	s6 =	simm.s32 $0x180;
	s7 =	sadd.s32 $0x0, s8  }
.LBB2_6:
0x2f: {  	[tilespmem:s4], [sflag:$0x2] =	stream.linear.gather [hbm4b:s7+s1], $0x80, $0x38;
	[tilespmem:$0x10000] =	vst v63  }
0x30: {  	s7 =	smov.u32 s5;
	s4 =	smov.u32 s6;
	p0 =	sne.s32 s5, $0x1FE0  }
.Ltmp2:
0x31: {  	s5 =	sadd.s32 $0x20, s5;
	(pc) =	sbr.rel @p0 .LBB2_6-.Ltmp2, $2  }
0x32: {  	_ =	sdelay $0x2  }
0x33: {  	s6 =	sadd.s32 $0x100, s6;
	s7 =	sadd.s32 s7, s8  }
0x34: {  	[tilespmem:s4], [sflag:$0x2] =	stream.linear.gather [hbm4b:s7+s1], $0x80, $0x38;
	[tilespmem:$0x10000] =	vst v63  }
0x35: {  	s13 =	simm.s32 $0x2  }
0x36: {  	s4 =	simm.s32 $0x80;
	_ =	swait.ge [sflag:s13], $0x8000  }
0x37: {  	s5 =	simm.s32 $0x20;
	[sflag:s13] =	ssyncset.done $0x0;
	s8 =	rddreg [dreg:$0x4]  }
0x38: {  	s6 =	simm.s32 $0x180;
	[sflag:s13] =	ssyncadd.s32 $0xFFFF8000;
	s7 =	sadd.s32 $0x0, s8  }
.LBB2_8:
0x39: {  	[hbm4b:s7+s1] =	stream.linear.scatter [tilespmem:s4], [sflag:$0x4], $0x80, $0x38;
	[tilespmem:$0x10000] =	vst v63  }
0x3a: {  	s7 =	smov.u32 s5;
	s4 =	smov.u32 s6;
	p0 =	sne.s32 s5, $0x1FE0  }
.Ltmp3:
0x3b: {  	s5 =	sadd.s32 $0x20, s5;
	(pc) =	sbr.rel @p0 .LBB2_8-.Ltmp3, $2  }
0x3c: {  	_ =	sdelay $0x2  }
0x3d: {  	s6 =	sadd.s32 $0x100, s6;
	s7 =	sadd.s32 s7, s8  }
0x3e: {  	[hbm4b:s7+s1] =	stream.linear.scatter [tilespmem:s4], [sflag:$0x4], $0x80, $0x38;
	[tilespmem:$0x10000] =	vst v63  }
0x3f: {  	s13 =	simm.s32 $0x3  }
0x40: {  	s4 =	simm.s32 $0x0;
	_ =	swait.ge [sflag:s13], $0x8000  }
0x41: {  	s5 =	simm.s32 $0x20;
	[sflag:s13] =	ssyncset.done $0x0;
	s9 =	rddreg [dreg:$0x5]  }
0x42: {  	s6 =	simm.s32 $0x100;
	[sflag:s13] =	ssyncadd.s32 $0xFFFF8000;
	s7 =	sadd.s32 $0x0, s9  }
.LBB2_10:
0x43: {  	[tilespmem:s4], [sflag:$0x1] =	stream.linear.gather [hbm4b:s7+s1], $0x80, $0x38;
	[tilespmem:$0x10000] =	vst v63  }
0x44: {  	s7 =	smov.u32 s5;
	s4 =	smov.u32 s6;
	p0 =	sne.s32 s5, $0x1FE0  }
.Ltmp4:
0x45: {  	s5 =	sadd.s32 $0x20, s5;
	(pc) =	sbr.rel @p0 .LBB2_10-.Ltmp4, $2  }
0x46: {  	_ =	sdelay $0x2  }
0x47: {  	s6 =	sadd.s32 $0x100, s6;
	s7 =	sadd.s32 s7, s9  }
0x48: {  	[tilespmem:s4], [sflag:$0x1] =	stream.linear.gather [hbm4b:s7+s1], $0x80, $0x38;
	[tilespmem:$0x10000] =	vst v63  }
0x49: {  	s13 =	simm.s32 $0x1  }
0x4a: {  	s4 =	simm.s32 $0x0;
	_ =	swait.ge [sflag:s13], $0x8000  }
0x4b: {  	s5 =	simm.s32 $0x20;
	[sflag:s13] =	ssyncset.done $0x0;
	s9 =	rddreg [dreg:$0x6]  }
0x4c: {  	s6 =	simm.s32 $0x100;
	[sflag:s13] =	ssyncadd.s32 $0xFFFF8000;
	s7 =	sadd.s32 $0x0, s9  }
.LBB2_12:
0x4d: {  	[hbm4b:s7+s1] =	stream.linear.scatter [tilespmem:s4], [sflag:$0x3], $0x80, $0x38;
	[tilespmem:$0x10000] =	vst v63  }
0x4e: {  	s7 =	smov.u32 s5;
	s4 =	smov.u32 s6;
	p0 =	sne.s32 s5, $0x1FE0  }
.Ltmp5:
0x4f: {  	s5 =	sadd.s32 $0x20, s5;
	(pc) =	sbr.rel @p0 .LBB2_12-.Ltmp5, $2  }
0x50: {  	_ =	sdelay $0x2  }
0x51: {  	s6 =	sadd.s32 $0x100, s6;
	s7 =	sadd.s32 s7, s9  }
0x52: {  	[hbm4b:s7+s1] =	stream.linear.scatter [tilespmem:s4], [sflag:$0x3], $0x80, $0x38;
	[tilespmem:$0x10000] =	vst v63  }
0x53: {  	s13 =	simm.s32 $0x4  }
0x54: {  	s4 =	simm.s32 $0x80;
	_ =	swait.ge [sflag:s13], $0x8000  }
0x55: {  	s5 =	simm.s32 $0x20;
	[sflag:s13] =	ssyncset.done $0x0;
	s10 =	rddreg [dreg:$0x7]  }
0x56: {  	s6 =	simm.s32 $0x180;
	[sflag:s13] =	ssyncadd.s32 $0xFFFF8000;
	s7 =	sadd.s32 $0x0, s10  }
.LBB2_14:
0x57: {  	[tilespmem:s4], [sflag:$0x2] =	stream.linear.gather [hbm4b:s7+s1], $0x80, $0x38;
	[tilespmem:$0x10000] =	vst v63  }
0x58: {  	s7 =	smov.u32 s5;
	s4 =	smov.u32 s6;
	p0 =	sne.s32 s5, $0x1FE0  }
.Ltmp6:
0x59: {  	s5 =	sadd.s32 $0x20, s5;
	(pc) =	sbr.rel @p0 .LBB2_14-.Ltmp6, $2  }
0x5a: {  	_ =	sdelay $0x2  }
0x5b: {  	s6 =	sadd.s32 $0x100, s6;
	s7 =	sadd.s32 s7, s10  }
0x5c: {  	[tilespmem:s4], [sflag:$0x2] =	stream.linear.gather [hbm4b:s7+s1], $0x80, $0x38;
	[tilespmem:$0x10000] =	vst v63  }
0x5d: {  	s13 =	simm.s32 $0x2  }
0x5e: {  	s4 =	simm.s32 $0x80;
	_ =	swait.ge [sflag:s13], $0x8000  }
0x5f: {  	s5 =	simm.s32 $0x20;
	[sflag:s13] =	ssyncset.done $0x0;
	s10 =	rddreg [dreg:$0x8]  }
0x60: {  	s6 =	simm.s32 $0x180;
	[sflag:s13] =	ssyncadd.s32 $0xFFFF8000;
	s7 =	sadd.s32 $0x0, s10  }
.LBB2_16:
0x61: {  	[hbm4b:s7+s1] =	stream.linear.scatter [tilespmem:s4], [sflag:$0x4], $0x80, $0x38;
	[tilespmem:$0x10000] =	vst v63  }
0x62: {  	s7 =	smov.u32 s5;
	s4 =	smov.u32 s6;
	p0 =	sne.s32 s5, $0x1FE0  }
.Ltmp7:
0x63: {  	s5 =	sadd.s32 $0x20, s5;
	(pc) =	sbr.rel @p0 .LBB2_16-.Ltmp7, $2  }
0x64: {  	_ =	sdelay $0x2  }
0x65: {  	s6 =	sadd.s32 $0x100, s6;
	s7 =	sadd.s32 s7, s10  }
0x66: {  	[hbm4b:s7+s1] =	stream.linear.scatter [tilespmem:s4], [sflag:$0x4], $0x80, $0x38;
	[tilespmem:$0x10000] =	vst v63  }
0x67: {  	s13 =	simm.s32 $0x3  }
0x68: {  	s4 =	simm.s32 $0x0;
	_ =	swait.ge [sflag:s13], $0x8000  }
0x69: {  	s5 =	simm.s32 $0x20;
	[sflag:s13] =	ssyncset.done $0x0;
	s11 =	rddreg [dreg:$0x9]  }
0x6a: {  	s6 =	simm.s32 $0x100;
	[sflag:s13] =	ssyncadd.s32 $0xFFFF8000;
	s7 =	sadd.s32 $0x0, s11  }
.LBB2_18:
0x6b: {  	[tilespmem:s4], [sflag:$0x1] =	stream.linear.gather [hbm4b:s7+s1], $0x80, $0x38;
	[tilespmem:$0x10000] =	vst v63  }
0x6c: {  	s7 =	smov.u32 s5;
	s4 =	smov.u32 s6;
	p0 =	sne.s32 s5, $0x1FE0  }
.Ltmp8:
0x6d: {  	s5 =	sadd.s32 $0x20, s5;
	(pc) =	sbr.rel @p0 .LBB2_18-.Ltmp8, $2  }
0x6e: {  	_ =	sdelay $0x2  }
0x6f: {  	s6 =	sadd.s32 $0x100, s6;
	s7 =	sadd.s32 s7, s11  }
0x70: {  	[tilespmem:s4], [sflag:$0x1] =	stream.linear.gather [hbm4b:s7+s1], $0x80, $0x38;
	[tilespmem:$0x10000] =	vst v63  }
0x71: {  	s13 =	simm.s32 $0x1  }
0x72: {  	s4 =	simm.s32 $0x0;
	_ =	swait.ge [sflag:s13], $0x8000  }
0x73: {  	s5 =	simm.s32 $0x20;
	[sflag:s13] =	ssyncset.done $0x0;
	s11 =	rddreg [dreg:$0xa]  }
0x74: {  	s6 =	simm.s32 $0x100;
	[sflag:s13] =	ssyncadd.s32 $0xFFFF8000;
	s7 =	sadd.s32 $0x0, s11  }
.LBB2_20:
0x75: {  	[hbm4b:s7+s1] =	stream.linear.scatter [tilespmem:s4], [sflag:$0x3], $0x80, $0x38;
	[tilespmem:$0x10000] =	vst v63  }
0x76: {  	s7 =	smov.u32 s5;
	s4 =	smov.u32 s6;
	p0 =	sne.s32 s5, $0x1FE0  }
.Ltmp9:
0x77: {  	s5 =	sadd.s32 $0x20, s5;
	(pc) =	sbr.rel @p0 .LBB2_20-.Ltmp9, $2  }
0x78: {  	_ =	sdelay $0x2  }
0x79: {  	s6 =	sadd.s32 $0x100, s6;
	s7 =	sadd.s32 s7, s11  }
0x7a: {  	[hbm4b:s7+s1] =	stream.linear.scatter [tilespmem:s4], [sflag:$0x3], $0x80, $0x38;
	[tilespmem:$0x10000] =	vst v63  }
0x7b: {  	s13 =	simm.s32 $0x4  }
0x7c: {  	s4 =	simm.s32 $0x80;
	_ =	swait.ge [sflag:s13], $0x8000  }
0x7d: {  	s5 =	simm.s32 $0x20;
	[sflag:s13] =	ssyncset.done $0x0;
	s12 =	rddreg [dreg:$0xb]  }
0x7e: {  	s6 =	simm.s32 $0x180;
	[sflag:s13] =	ssyncadd.s32 $0xFFFF8000;
	s7 =	sadd.s32 $0x0, s12  }
.LBB2_22:
0x7f: {  	[tilespmem:s4], [sflag:$0x2] =	stream.linear.gather [hbm4b:s7+s1], $0x80, $0x38;
	[tilespmem:$0x10000] =	vst v63  }
0x80: {  	s7 =	smov.u32 s5;
	s4 =	smov.u32 s6;
	p0 =	sne.s32 s5, $0x1FE0  }
.Ltmp10:
0x81: {  	s5 =	sadd.s32 $0x20, s5;
	(pc) =	sbr.rel @p0 .LBB2_22-.Ltmp10, $2  }
0x82: {  	_ =	sdelay $0x2  }
0x83: {  	s6 =	sadd.s32 $0x100, s6;
	s7 =	sadd.s32 s7, s12  }
0x84: {  	[tilespmem:s4], [sflag:$0x2] =	stream.linear.gather [hbm4b:s7+s1], $0x80, $0x38;
	[tilespmem:$0x10000] =	vst v63  }
0x85: {  	s13 =	simm.s32 $0x2  }
0x86: {  	s4 =	simm.s32 $0x80;
	_ =	swait.ge [sflag:s13], $0x8000  }
0x87: {  	s5 =	simm.s32 $0x20;
	[sflag:s13] =	ssyncset.done $0x0;
	s12 =	rddreg [dreg:$0xc]  }
0x88: {  	s6 =	simm.s32 $0x180;
	[sflag:s13] =	ssyncadd.s32 $0xFFFF8000;
	s7 =	sadd.s32 $0x0, s12  }
.LBB2_24:
0x89: {  	[hbm4b:s7+s1] =	stream.linear.scatter [tilespmem:s4], [sflag:$0x4], $0x80, $0x38;
	[tilespmem:$0x10000] =	vst v63  }
0x8a: {  	s7 =	smov.u32 s5;
	s4 =	smov.u32 s6;
	p0 =	sne.s32 s5, $0x1FE0  }
.Ltmp11:
0x8b: {  	s5 =	sadd.s32 $0x20, s5;
	(pc) =	sbr.rel @p0 .LBB2_24-.Ltmp11, $2  }
0x8c: {  	_ =	sdelay $0x2  }
0x8d: {  	s6 =	sadd.s32 $0x100, s6;
	s7 =	sadd.s32 s7, s12  }
0x8e: {  	[hbm4b:s7+s1] =	stream.linear.scatter [tilespmem:s4], [sflag:$0x4], $0x80, $0x38;
	[tilespmem:$0x10000] =	vst v63  }
0x8f: {  	s13 =	simm.s32 $0x3  }
0x90: {  	_ =	swait.ge [sflag:s13], $0x8000  }
0x91: {  	[sflag:s13] =	ssyncset.done $0x0  }
0x92: {  	s4 =	simm.s32 $0x0;
	[sflag:s13] =	ssyncadd.s32 $0xFFFF8000;
	s13 =	rddreg [dreg:$0xd]  }
0x93: {  	s5 =	simm.s32 $0x20;
	s6 =	simm.s32 $0x100;
	s7 =	sadd.s32 $0x0, s13  }
.LBB2_26:
0x94: {  	[tilespmem:s4], [sflag:$0x1] =	stream.linear.gather [hbm4b:s7+s1], $0x80, $0x38;
	[tilespmem:$0x10000] =	vst v63  }
0x95: {  	s7 =	smov.u32 s5;
	s4 =	smov.u32 s6;
	p0 =	sne.s32 s5, $0x1FE0  }
.Ltmp12:
0x96: {  	s5 =	sadd.s32 $0x20, s5;
	(pc) =	sbr.rel @p0 .LBB2_26-.Ltmp12, $2  }
0x97: {  	_ =	sdelay $0x2  }
0x98: {  	s6 =	sadd.s32 $0x100, s6;
	s7 =	sadd.s32 s7, s13  }
0x99: {  	[tilespmem:s4], [sflag:$0x1] =	stream.linear.gather [hbm4b:s7+s1], $0x80, $0x38;
	[tilespmem:$0x10000] =	vst v63  }
0x9a: {  	s13 =	simm.s32 $0x1  }
0x9b: {  	_ =	swait.ge [sflag:s13], $0x8000  }
0x9c: {  	[sflag:s13] =	ssyncset.done $0x0  }
0x9d: {  	s4 =	simm.s32 $0x0;
	[sflag:s13] =	ssyncadd.s32 $0xFFFF8000;
	s13 =	rddreg [dreg:$0xe]  }
0x9e: {  	s5 =	simm.s32 $0x20;
	s6 =	simm.s32 $0x100;
	s7 =	sadd.s32 $0x0, s13  }
.LBB2_28:
0x9f: {  	[hbm4b:s7+s1] =	stream.linear.scatter [tilespmem:s4], [sflag:$0x3], $0x80, $0x38;
	[tilespmem:$0x10000] =	vst v63  }
0xa0: {  	s7 =	smov.u32 s5;
	s4 =	smov.u32 s6;
	p0 =	sne.s32 s5, $0x1FE0  }
.Ltmp13:
0xa1: {  	s5 =	sadd.s32 $0x20, s5;
	(pc) =	sbr.rel @p0 .LBB2_28-.Ltmp13, $2  }
0xa2: {  	_ =	sdelay $0x2  }
0xa3: {  	s6 =	sadd.s32 $0x100, s6;
	s7 =	sadd.s32 s7, s13  }
0xa4: {  	[hbm4b:s7+s1] =	stream.linear.scatter [tilespmem:s4], [sflag:$0x3], $0x80, $0x38;
	[tilespmem:$0x10000] =	vst v63  }
0xa5: {  	s13 =	simm.s32 $0x4  }
0xa6: {  	_ =	swait.ge [sflag:s13], $0x8000  }
0xa7: {  	s4 =	simm.s32 $0x80;
	s5 =	simm.s32 $0x20;
	[sflag:s13] =	ssyncset.done $0x0  }
0xa8: {  	s7 =	sadd.s32 $0x0, s14;
	s6 =	simm.s32 $0x180;
	[sflag:s13] =	ssyncadd.s32 $0xFFFF8000  }
.LBB2_30:
0xa9: {  	[tilespmem:s4], [sflag:$0x2] =	stream.linear.gather [hbm4b:s7+s1], $0x80, $0x38;
	[tilespmem:$0x10000] =	vst v63  }
0xaa: {  	s7 =	smov.u32 s5;
	s4 =	smov.u32 s6;
	p0 =	sne.s32 s5, $0x1FE0  }
.Ltmp14:
0xab: {  	s5 =	sadd.s32 $0x20, s5;
	(pc) =	sbr.rel @p0 .LBB2_30-.Ltmp14, $2  }
0xac: {  	_ =	sdelay $0x2  }
0xad: {  	s6 =	sadd.s32 $0x100, s6;
	s7 =	sadd.s32 s7, s14  }
0xae: {  	[tilespmem:s4], [sflag:$0x2] =	stream.linear.gather [hbm4b:s7+s1], $0x80, $0x38;
	[tilespmem:$0x10000] =	vst v63  }
0xaf: {  	s13 =	simm.s32 $0x2  }
0xb0: {  	_ =	swait.ge [sflag:s13], $0x8000  }
0xb1: {  	s4 =	simm.s32 $0x80;
	s5 =	simm.s32 $0x20;
	[sflag:s13] =	ssyncset.done $0x0  }
0xb2: {  	s7 =	sadd.s32 $0x0, s15;
	s6 =	simm.s32 $0x180;
	[sflag:s13] =	ssyncadd.s32 $0xFFFF8000  }
.LBB2_32:
0xb3: {  	[hbm4b:s7+s1] =	stream.linear.scatter [tilespmem:s4], [sflag:$0x4], $0x80, $0x38;
	[tilespmem:$0x10000] =	vst v63  }
0xb4: {  	s7 =	smov.u32 s5;
	s4 =	smov.u32 s6;
	p0 =	sne.s32 s5, $0x1FE0  }
.Ltmp15:
0xb5: {  	s5 =	sadd.s32 $0x20, s5;
	(pc) =	sbr.rel @p0 .LBB2_32-.Ltmp15, $2  }
0xb6: {  	_ =	sdelay $0x2  }
0xb7: {  	s6 =	sadd.s32 $0x100, s6;
	s7 =	sadd.s32 s7, s15  }
0xb8: {  	[hbm4b:s7+s1] =	stream.linear.scatter [tilespmem:s4], [sflag:$0x4], $0x80, $0x38;
	[tilespmem:$0x10000] =	vst v63  }
0xb9: {  	s13 =	simm.s32 $0x3  }
0xba: {  	_ =	swait.ge [sflag:s13], $0x8000  }
0xbb: {  	s4 =	simm.s32 $0x0;
	s5 =	simm.s32 $0x20;
	[sflag:s13] =	ssyncset.done $0x0  }
0xbc: {  	s7 =	sadd.s32 $0x0, s16;
	s6 =	simm.s32 $0x100;
	[sflag:s13] =	ssyncadd.s32 $0xFFFF8000  }
.LBB2_34:
0xbd: {  	[tilespmem:s4], [sflag:$0x1] =	stream.linear.gather [hbm4b:s7+s1], $0x80, $0x38;
	[tilespmem:$0x10000] =	vst v63  }
0xbe: {  	s7 =	smov.u32 s5;
	s4 =	smov.u32 s6;
	p0 =	sne.s32 s5, $0x1FE0  }
.Ltmp16:
0xbf: {  	s5 =	sadd.s32 $0x20, s5;
	(pc) =	sbr.rel @p0 .LBB2_34-.Ltmp16, $2  }
0xc0: {  	_ =	sdelay $0x2  }
0xc1: {  	s6 =	sadd.s32 $0x100, s6;
	s7 =	sadd.s32 s7, s16  }
0xc2: {  	[tilespmem:s4], [sflag:$0x1] =	stream.linear.gather [hbm4b:s7+s1], $0x80, $0x38;
	[tilespmem:$0x10000] =	vst v63  }
0xc3: {  	s13 =	simm.s32 $0x1  }
0xc4: {  	_ =	swait.ge [sflag:s13], $0x8000  }
0xc5: {  	s4 =	simm.s32 $0x0;
	s5 =	simm.s32 $0x20;
	[sflag:s13] =	ssyncset.done $0x0  }
0xc6: {  	s7 =	sadd.s32 $0x0, s17;
	s6 =	simm.s32 $0x100;
	[sflag:s13] =	ssyncadd.s32 $0xFFFF8000  }
.LBB2_36:
0xc7: {  	[hbm4b:s7+s1] =	stream.linear.scatter [tilespmem:s4], [sflag:$0x3], $0x80, $0x38;
	[tilespmem:$0x10000] =	vst v63  }
0xc8: {  	s7 =	smov.u32 s5;
	s4 =	smov.u32 s6;
	p0 =	sne.s32 s5, $0x1FE0  }
.Ltmp17:
0xc9: {  	s5 =	sadd.s32 $0x20, s5;
	(pc) =	sbr.rel @p0 .LBB2_36-.Ltmp17, $2  }
0xca: {  	_ =	sdelay $0x2  }
0xcb: {  	s6 =	sadd.s32 $0x100, s6;
	s7 =	sadd.s32 s7, s17  }
0xcc: {  	[hbm4b:s7+s1] =	stream.linear.scatter [tilespmem:s4], [sflag:$0x3], $0x80, $0x38;
	[tilespmem:$0x10000] =	vst v63  }
0xcd: {  	s13 =	simm.s32 $0x4  }
0xce: {  	_ =	swait.ge [sflag:s13], $0x8000  }
0xcf: {  	s4 =	simm.s32 $0x80;
	s5 =	simm.s32 $0x20;
	[sflag:s13] =	ssyncset.done $0x0  }
0xd0: {  	s7 =	sadd.s32 $0x0, s18;
	s6 =	simm.s32 $0x180;
	[sflag:s13] =	ssyncadd.s32 $0xFFFF8000  }
.LBB2_38:
0xd1: {  	[tilespmem:s4], [sflag:$0x2] =	stream.linear.gather [hbm4b:s7+s1], $0x80, $0x38;
	[tilespmem:$0x10000] =	vst v63  }
0xd2: {  	s7 =	smov.u32 s5;
	s4 =	smov.u32 s6;
	p0 =	sne.s32 s5, $0x1FE0  }
.Ltmp18:
0xd3: {  	s5 =	sadd.s32 $0x20, s5;
	(pc) =	sbr.rel @p0 .LBB2_38-.Ltmp18, $2  }
0xd4: {  	_ =	sdelay $0x2  }
0xd5: {  	s6 =	sadd.s32 $0x100, s6;
	s7 =	sadd.s32 s7, s18  }
0xd6: {  	[tilespmem:s4], [sflag:$0x2] =	stream.linear.gather [hbm4b:s7+s1], $0x80, $0x38;
	[tilespmem:$0x10000] =	vst v63  }
0xd7: {  	s13 =	simm.s32 $0x2  }
0xd8: {  	_ =	swait.ge [sflag:s13], $0x8000  }
0xd9: {  	s4 =	simm.s32 $0x80;
	s5 =	simm.s32 $0x20;
	[sflag:s13] =	ssyncset.done $0x0  }
0xda: {  	s7 =	sadd.s32 $0x0, s19;
	s6 =	simm.s32 $0x180;
	[sflag:s13] =	ssyncadd.s32 $0xFFFF8000  }
.LBB2_40:
0xdb: {  	[hbm4b:s7+s1] =	stream.linear.scatter [tilespmem:s4], [sflag:$0x4], $0x80, $0x38;
	[tilespmem:$0x10000] =	vst v63  }
0xdc: {  	s7 =	smov.u32 s5;
	s4 =	smov.u32 s6;
	p0 =	sne.s32 s5, $0x1FE0  }
.Ltmp19:
0xdd: {  	s5 =	sadd.s32 $0x20, s5;
	(pc) =	sbr.rel @p0 .LBB2_40-.Ltmp19, $2  }
0xde: {  	_ =	sdelay $0x2  }
0xdf: {  	s6 =	sadd.s32 $0x100, s6;
	s7 =	sadd.s32 s7, s19  }
0xe0: {  	[hbm4b:s7+s1] =	stream.linear.scatter [tilespmem:s4], [sflag:$0x4], $0x80, $0x38;
	[tilespmem:$0x10000] =	vst v63  }
0xe1: {  	s13 =	simm.s32 $0x3  }
0xe2: {  	_ =	swait.ge [sflag:s13], $0x8000  }
0xe3: {  	s4 =	simm.s32 $0x0;
	s5 =	simm.s32 $0x20;
	[sflag:s13] =	ssyncset.done $0x0  }
0xe4: {  	s7 =	sadd.s32 $0x0, s20;
	s6 =	simm.s32 $0x100;
	[sflag:s13] =	ssyncadd.s32 $0xFFFF8000  }
.LBB2_42:
0xe5: {  	[tilespmem:s4], [sflag:$0x1] =	stream.linear.gather [hbm4b:s7+s1], $0x80, $0x38;
	[tilespmem:$0x10000] =	vst v63  }
0xe6: {  	s7 =	smov.u32 s5;
	s4 =	smov.u32 s6;
	p0 =	sne.s32 s5, $0x1FE0  }
.Ltmp20:
0xe7: {  	s5 =	sadd.s32 $0x20, s5;
	(pc) =	sbr.rel @p0 .LBB2_42-.Ltmp20, $2  }
0xe8: {  	_ =	sdelay $0x2  }
0xe9: {  	s6 =	sadd.s32 $0x100, s6;
	s7 =	sadd.s32 s7, s20  }
0xea: {  	[tilespmem:s4], [sflag:$0x1] =	stream.linear.gather [hbm4b:s7+s1], $0x80, $0x38;
	[tilespmem:$0x10000] =	vst v63  }
0xeb: {  	s13 =	simm.s32 $0x1  }
0xec: {  	_ =	swait.ge [sflag:s13], $0x8000  }
0xed: {  	s4 =	simm.s32 $0x0;
	s5 =	simm.s32 $0x20;
	[sflag:s13] =	ssyncset.done $0x0  }
0xee: {  	s7 =	sadd.s32 $0x0, s21;
	s6 =	simm.s32 $0x100;
	[sflag:s13] =	ssyncadd.s32 $0xFFFF8000  }
.LBB2_44:
0xef: {  	[hbm4b:s7+s1] =	stream.linear.scatter [tilespmem:s4], [sflag:$0x3], $0x80, $0x38;
	[tilespmem:$0x10000] =	vst v63  }
0xf0: {  	s7 =	smov.u32 s5;
	s4 =	smov.u32 s6;
	p0 =	sne.s32 s5, $0x1FE0  }
.Ltmp21:
0xf1: {  	s5 =	sadd.s32 $0x20, s5;
	(pc) =	sbr.rel @p0 .LBB2_44-.Ltmp21, $2  }
0xf2: {  	_ =	sdelay $0x2  }
0xf3: {  	s6 =	sadd.s32 $0x100, s6;
	s7 =	sadd.s32 s7, s21  }
0xf4: {  	[hbm4b:s7+s1] =	stream.linear.scatter [tilespmem:s4], [sflag:$0x3], $0x80, $0x38;
	[tilespmem:$0x10000] =	vst v63  }
0xf5: {  	s13 =	simm.s32 $0x4  }
0xf6: {  	_ =	swait.ge [sflag:s13], $0x8000  }
0xf7: {  	s4 =	simm.s32 $0x80;
	s5 =	simm.s32 $0x20;
	[sflag:s13] =	ssyncset.done $0x0  }
0xf8: {  	s7 =	sadd.s32 $0x0, s22;
	s6 =	simm.s32 $0x180;
	[sflag:s13] =	ssyncadd.s32 $0xFFFF8000  }
.LBB2_46:
0xf9: {  	[tilespmem:s4], [sflag:$0x2] =	stream.linear.gather [hbm4b:s7+s1], $0x80, $0x38;
	[tilespmem:$0x10000] =	vst v63  }
0xfa: {  	s7 =	smov.u32 s5;
	s4 =	smov.u32 s6;
	p0 =	sne.s32 s5, $0x1FE0  }
.Ltmp22:
0xfb: {  	s5 =	sadd.s32 $0x20, s5;
	(pc) =	sbr.rel @p0 .LBB2_46-.Ltmp22, $2  }
0xfc: {  	_ =	sdelay $0x2  }
0xfd: {  	s6 =	sadd.s32 $0x100, s6;
	s7 =	sadd.s32 s7, s22  }
0xfe: {  	[tilespmem:s4], [sflag:$0x2] =	stream.linear.gather [hbm4b:s7+s1], $0x80, $0x38;
	[tilespmem:$0x10000] =	vst v63  }
0xff: {  	s13 =	simm.s32 $0x2  }
0x100: {  	_ =	swait.ge [sflag:s13], $0x8000  }
0x101: {  	s4 =	simm.s32 $0x80;
	s5 =	simm.s32 $0x20;
	[sflag:s13] =	ssyncset.done $0x0  }
0x102: {  	s7 =	sadd.s32 $0x0, s23;
	s6 =	simm.s32 $0x180;
	[sflag:s13] =	ssyncadd.s32 $0xFFFF8000  }
.LBB2_48:
0x103: {  	[hbm4b:s7+s1] =	stream.linear.scatter [tilespmem:s4], [sflag:$0x4], $0x80, $0x38;
	[tilespmem:$0x10000] =	vst v63  }
0x104: {  	s7 =	smov.u32 s5;
	s4 =	smov.u32 s6;
	p0 =	sne.s32 s5, $0x1FE0  }
.Ltmp23:
0x105: {  	s5 =	sadd.s32 $0x20, s5;
	(pc) =	sbr.rel @p0 .LBB2_48-.Ltmp23, $2  }
0x106: {  	_ =	sdelay $0x2  }
0x107: {  	s6 =	sadd.s32 $0x100, s6;
	s7 =	sadd.s32 s7, s23  }
0x108: {  	[hbm4b:s7+s1] =	stream.linear.scatter [tilespmem:s4], [sflag:$0x4], $0x80, $0x38;
	[tilespmem:$0x10000] =	vst v63  }
0x109: {  	s13 =	simm.s32 $0x3  }
0x10a: {  	_ =	swait.ge [sflag:s13], $0x8000  }
0x10b: {  	s4 =	simm.s32 $0x0;
	s5 =	simm.s32 $0x20;
	[sflag:s13] =	ssyncset.done $0x0  }
0x10c: {  	s7 =	sadd.s32 $0x0, s24;
	s6 =	simm.s32 $0x100;
	[sflag:s13] =	ssyncadd.s32 $0xFFFF8000  }
.LBB2_50:
0x10d: {  	[tilespmem:s4], [sflag:$0x1] =	stream.linear.gather [hbm4b:s7+s1], $0x80, $0x38;
	[tilespmem:$0x10000] =	vst v63  }
0x10e: {  	s7 =	smov.u32 s5;
	s4 =	smov.u32 s6;
	p0 =	sne.s32 s5, $0x1FE0  }
.Ltmp24:
0x10f: {  	s5 =	sadd.s32 $0x20, s5;
	(pc) =	sbr.rel @p0 .LBB2_50-.Ltmp24, $2  }
0x110: {  	_ =	sdelay $0x2  }
0x111: {  	s6 =	sadd.s32 $0x100, s6;
	s7 =	sadd.s32 s7, s24  }
0x112: {  	[tilespmem:s4], [sflag:$0x1] =	stream.linear.gather [hbm4b:s7+s1], $0x80, $0x38;
	[tilespmem:$0x10000] =	vst v63  }
0x113: {  	s13 =	simm.s32 $0x1  }
0x114: {  	_ =	swait.ge [sflag:s13], $0x8000  }
0x115: {  	s4 =	simm.s32 $0x0;
	s5 =	simm.s32 $0x20;
	[sflag:s13] =	ssyncset.done $0x0  }
0x116: {  	s7 =	sadd.s32 $0x0, s25;
	s6 =	simm.s32 $0x100;
	[sflag:s13] =	ssyncadd.s32 $0xFFFF8000  }
.LBB2_52:
0x117: {  	[hbm4b:s7+s1] =	stream.linear.scatter [tilespmem:s4], [sflag:$0x3], $0x80, $0x38;
	[tilespmem:$0x10000] =	vst v63  }
0x118: {  	s7 =	smov.u32 s5;
	s4 =	smov.u32 s6;
	p0 =	sne.s32 s5, $0x1FE0  }
.Ltmp25:
0x119: {  	s5 =	sadd.s32 $0x20, s5;
	(pc) =	sbr.rel @p0 .LBB2_52-.Ltmp25, $2  }
0x11a: {  	_ =	sdelay $0x2  }
0x11b: {  	s6 =	sadd.s32 $0x100, s6;
	s7 =	sadd.s32 s7, s25  }
0x11c: {  	[hbm4b:s7+s1] =	stream.linear.scatter [tilespmem:s4], [sflag:$0x3], $0x80, $0x38;
	[tilespmem:$0x10000] =	vst v63  }
0x11d: {  	s13 =	simm.s32 $0x4  }
0x11e: {  	_ =	swait.ge [sflag:s13], $0x8000  }
0x11f: {  	s4 =	simm.s32 $0x80;
	s5 =	simm.s32 $0x20;
	[sflag:s13] =	ssyncset.done $0x0  }
0x120: {  	s7 =	sadd.s32 $0x0, s26;
	s6 =	simm.s32 $0x180;
	[sflag:s13] =	ssyncadd.s32 $0xFFFF8000  }
.LBB2_54:
0x121: {  	[tilespmem:s4], [sflag:$0x2] =	stream.linear.gather [hbm4b:s7+s1], $0x80, $0x38;
	[tilespmem:$0x10000] =	vst v63  }
0x122: {  	s7 =	smov.u32 s5;
	s4 =	smov.u32 s6;
	p0 =	sne.s32 s5, $0x1FE0  }
.Ltmp26:
0x123: {  	s5 =	sadd.s32 $0x20, s5;
	(pc) =	sbr.rel @p0 .LBB2_54-.Ltmp26, $2  }
0x124: {  	_ =	sdelay $0x2  }
0x125: {  	s6 =	sadd.s32 $0x100, s6;
	s7 =	sadd.s32 s7, s26  }
0x126: {  	[tilespmem:s4], [sflag:$0x2] =	stream.linear.gather [hbm4b:s7+s1], $0x80, $0x38;
	[tilespmem:$0x10000] =	vst v63  }
0x127: {  	s13 =	simm.s32 $0x2  }
0x128: {  	_ =	swait.ge [sflag:s13], $0x8000  }
0x129: {  	s4 =	simm.s32 $0x80;
	s5 =	simm.s32 $0x20;
	[sflag:s13] =	ssyncset.done $0x0  }
0x12a: {  	s7 =	sadd.s32 $0x0, s28;
	s6 =	simm.s32 $0x180;
	[sflag:s13] =	ssyncadd.s32 $0xFFFF8000  }
.LBB2_56:
0x12b: {  	[hbm4b:s7+s1] =	stream.linear.scatter [tilespmem:s4], [sflag:$0x4], $0x80, $0x38;
	[tilespmem:$0x10000] =	vst v63  }
0x12c: {  	s7 =	smov.u32 s5;
	s4 =	smov.u32 s6;
	p0 =	sne.s32 s5, $0x1FE0  }
.Ltmp27:
0x12d: {  	s5 =	sadd.s32 $0x20, s5;
	(pc) =	sbr.rel @p0 .LBB2_56-.Ltmp27, $2  }
0x12e: {  	_ =	sdelay $0x2  }
0x12f: {  	s6 =	sadd.s32 $0x100, s6;
	s7 =	sadd.s32 s7, s28  }
0x130: {  	[hbm4b:s7+s1] =	stream.linear.scatter [tilespmem:s4], [sflag:$0x4], $0x80, $0x38;
	[tilespmem:$0x10000] =	vst v63  }
0x131: {  	s13 =	simm.s32 $0x3  }
0x132: {  	_ =	swait.ge [sflag:s13], $0x8000  }
0x133: {  	s4 =	simm.s32 $0x0;
	s5 =	simm.s32 $0x20;
	[sflag:s13] =	ssyncset.done $0x0  }
0x134: {  	s7 =	sadd.s32 $0x0, s30;
	s6 =	simm.s32 $0x100;
	[sflag:s13] =	ssyncadd.s32 $0xFFFF8000  }
.LBB2_58:
0x135: {  	[tilespmem:s4], [sflag:$0x1] =	stream.linear.gather [hbm4b:s7+s1], $0x80, $0x38;
	[tilespmem:$0x10000] =	vst v63  }
0x136: {  	s7 =	smov.u32 s5;
	s4 =	smov.u32 s6;
	p0 =	sne.s32 s5, $0x1FE0  }
.Ltmp28:
0x137: {  	s5 =	sadd.s32 $0x20, s5;
	(pc) =	sbr.rel @p0 .LBB2_58-.Ltmp28, $2  }
0x138: {  	_ =	sdelay $0x2  }
0x139: {  	s6 =	sadd.s32 $0x100, s6;
	s7 =	sadd.s32 s7, s30  }
0x13a: {  	[tilespmem:s4], [sflag:$0x1] =	stream.linear.gather [hbm4b:s7+s1], $0x80, $0x38;
	[tilespmem:$0x10000] =	vst v63  }
0x13b: {  	s13 =	simm.s32 $0x1  }
0x13c: {  	_ =	swait.ge [sflag:s13], $0x8000  }
0x13d: {  	s4 =	simm.s32 $0x0;
	s5 =	simm.s32 $0x20;
	[sflag:s13] =	ssyncset.done $0x0  }
0x13e: {  	s7 =	sadd.s32 $0x0, s31;
	s6 =	simm.s32 $0x100;
	[sflag:s13] =	ssyncadd.s32 $0xFFFF8000  }
.LBB2_60:
0x13f: {  	[hbm4b:s7+s1] =	stream.linear.scatter [tilespmem:s4], [sflag:$0x3], $0x80, $0x38;
	[tilespmem:$0x10000] =	vst v63  }
0x140: {  	s7 =	smov.u32 s5;
	s4 =	smov.u32 s6;
	p0 =	sne.s32 s5, $0x1FE0  }
.Ltmp29:
0x141: {  	s5 =	sadd.s32 $0x20, s5;
	(pc) =	sbr.rel @p0 .LBB2_60-.Ltmp29, $2  }
0x142: {  	_ =	sdelay $0x2  }
0x143: {  	s6 =	sadd.s32 $0x100, s6;
	s7 =	sadd.s32 s7, s31  }
0x144: {  	[hbm4b:s7+s1] =	stream.linear.scatter [tilespmem:s4], [sflag:$0x3], $0x80, $0x38;
	[tilespmem:$0x10000] =	vst v63  }
0x145: {  	s13 =	simm.s32 $0x4  }
0x146: {  	_ =	swait.ge [sflag:s13], $0x8000  }
0x147: {  	s4 =	simm.s32 $0x80;
	s5 =	simm.s32 $0x20;
	[sflag:s13] =	ssyncset.done $0x0  }
0x148: {  	s7 =	sadd.s32 $0x0, s2;
	s6 =	simm.s32 $0x180;
	[sflag:s13] =	ssyncadd.s32 $0xFFFF8000  }
.LBB2_62:
0x149: {  	[tilespmem:s4], [sflag:$0x2] =	stream.linear.gather [hbm4b:s7+s1], $0x80, $0x38;
	[tilespmem:$0x10000] =	vst v63  }
0x14a: {  	s7 =	smov.u32 s5;
	s4 =	smov.u32 s6;
	p0 =	sne.s32 s5, $0x1FE0  }
.Ltmp30:
0x14b: {  	s5 =	sadd.s32 $0x20, s5;
	(pc) =	sbr.rel @p0 .LBB2_62-.Ltmp30, $2  }
0x14c: {  	_ =	sdelay $0x2  }
0x14d: {  	s6 =	sadd.s32 $0x100, s6;
	s7 =	sadd.s32 s7, s2  }
0x14e: {  	[tilespmem:s4], [sflag:$0x2] =	stream.linear.gather [hbm4b:s7+s1], $0x80, $0x38;
	[tilespmem:$0x10000] =	vst v63  }
0x14f: {  	s13 =	simm.s32 $0x2  }
0x150: {  	_ =	swait.ge [sflag:s13], $0x8000  }
0x151: {  	s4 =	simm.s32 $0x80;
	s5 =	simm.s32 $0x20;
	[sflag:s13] =	ssyncset.done $0x0  }
0x152: {  	s7 =	sadd.s32 $0x0, s3;
	s6 =	simm.s32 $0x180;
	[sflag:s13] =	ssyncadd.s32 $0xFFFF8000  }
.LBB2_64:
0x153: {  	[hbm4b:s7+s1] =	stream.linear.scatter [tilespmem:s4], [sflag:$0x4], $0x80, $0x38;
	[tilespmem:$0x10000] =	vst v63  }
0x154: {  	s7 =	smov.u32 s5;
	s4 =	smov.u32 s6;
	p0 =	sne.s32 s5, $0x1FE0  }
.Ltmp31:
0x155: {  	s5 =	sadd.s32 $0x20, s5;
	(pc) =	sbr.rel @p0 .LBB2_64-.Ltmp31, $2  }
0x156: {  	_ =	sdelay $0x2  }
0x157: {  	s6 =	sadd.s32 $0x100, s6;
	s7 =	sadd.s32 s7, s3  }
0x158: {  	[hbm4b:s7+s1] =	stream.linear.scatter [tilespmem:s4], [sflag:$0x4], $0x80, $0x38;
	[tilespmem:$0x10000] =	vst v63  }
0x159: {  	s12 =	simm.s32 $0x3  }
0x15a: {  	_ =	swait.ge [sflag:s12], $0x8000  }
0x15b: {  	[sflag:s12] =	ssyncset.done $0x0  }
0x15c: {  	s5 =	simm.s32 $0x4;
	[sflag:s12] =	ssyncadd.s32 $0xFFFF8000  }
0x15d: {  	_ =	swait.ge [sflag:s5], $0x8000  }
0x15e: {  	s6 =	rddreg [dreg:$0x10]  }
0x15f: {  	s13 =	rddreg [dreg:$0xf];
	s6 =	sadd.s32 $0x1, s6  }
0x160: {  	p0 =	sne.s32 s6, s13  }
.Ltmp32:
0x161: {  	_ = 	snop;
	(pc) =	sbr.rel @p0 .LBB2_1-.Ltmp32, $3  }
0x162: {  	_ =	sdelay $0x1  }
0x163: {  	[sflag:s5] =	ssyncset.done $0x0  }
0x164: {  	[sflag:s5] =	ssyncadd.s32 $0xFFFF8000  }
0x165: {  	_ =	sfence.sel $0x180000  }
0x166: {  	[bflag:$0x0] =	sbarrier.arrive $0xFFFF  }
0x167: {  	_ =	strace $0x90000047  }
0x168: {  	s0 =	stileid.u32;
	[bflag:$0x2] =	sbarrier.arrive $0xFFFF  }
0x169: {  	p0 =	sne.s32 s0, $0x0;
	s0 =	rddreg [dreg:$0x2]  }
0x16a: {  	s0 =	sadd.s32 @!p0 $0x100000, s0  }
0x16b: {  	[sflag:s0] =	ssyncadd.tile.s32 @!p0 $0x1;
	_ =	shalt  }
.Lfunc_end2:
_tile_overlayer_lowered:
.L_overlay_start_2:
0x16c: {  	(tag) =	ssettag $0x2  }
0x16d: {  	s0 =	rddreg [dreg:$0x0];
	s2 =	stileid.u32  }
0x16e: {  	s1 =	rddreg [dreg:$0x1];
	p0 =	sne.s32 s2, $0x0  }
0x16f: {  	s3 =	rddreg [dreg:$0x2];
	[bflag:$0x3] =	sbarrier.arrive $0xFFFF;
	s2 =	simm.s32 @!p0 $0x1C05  }
0x170: {  	[timem:s3], [sflag:s2] =	dma.local @!p0 [hbm:s0], s1  }
0x171: {  	s0 =	simm.s32 @!p0 $0x5  }
0x172: {  	_ =	swait.ge @!p0 [sflag:s0], s1  }
0x173: {  	s1 =	ssub.s32 @!p0 $0x0, s1;
	[sflag:s0] =	ssyncset.done @!p0 $0x0  }
0x174: {  	[sflag:s0] =	ssyncadd.s32 @!p0 s1  }
0x175: {  	[bflag:$0x3] =	sbarrier.arrive $0xFFFF  }
0x176: {  	_ =	shalt  }

</sc_bundles>
